<compile_context>
chip_gen: v7x
topology: tpu7x:2x2x1
jax: 0.10.2.dev20260603
libtpu: 0.0.44.dev20260713+nightly
codegen_flags: <defaults>
</compile_context>

<pallas_src>
import functools

import jax
import jax.numpy as jnp
from jax import lax
from jax.experimental import pallas as pl
from jax.experimental.pallas import tpu as pltpu
from jax.experimental.pallas import tpu_sc as plsc

B, SRC, D = 16, 512, 256
FILT = 256
NBINS = 256
MAXLEN = 2048

_NC = 2
_NS = 16
_NW = _NC * _NS
_ROWS = B * MAXLEN
_RPW = _ROWS // _NW
_CH = 128
_NCHUNK = _RPW // _CH


def _conv_ln(h, w_ref, b_ref, g_ref, be_ref):
    t, d = h.shape
    f = w_ref.shape[1]
    a0 = jnp.dot(h, w_ref[0:d, :], preferred_element_type=jnp.float32,
                 precision=lax.Precision.DEFAULT)
    a1 = jnp.dot(h, w_ref[d:2 * d, :], preferred_element_type=jnp.float32,
                 precision=lax.Precision.DEFAULT)
    a2 = jnp.dot(h, w_ref[2 * d:3 * d, :], preferred_element_type=jnp.float32,
                 precision=lax.Precision.DEFAULT)
    zrow = jnp.zeros((1, f), jnp.float32)
    y = (a1 + jnp.concatenate([zrow, a0[:-1, :]], axis=0)
         + jnp.concatenate([a2[1:, :], zrow], axis=0) + b_ref[...])
    y = jnp.maximum(y, 0.0)
    m = jnp.mean(y, axis=1, keepdims=True)
    v = jnp.mean((y - m) ** 2, axis=1, keepdims=True)
    return (y - m) * lax.rsqrt(v + 1e-5) * g_ref[...] + be_ref[...]


_AB = 4
_BB = 2


def _stage_a_body(x_ref, w1_ref, b1_ref, g1_ref, be1_ref,
                  w2_ref, b2_ref, g2_ref, be2_ref, lw_ref, lb_ref,
                  dp_ref):
    for i in range(_AB):
        h = x_ref[i]
        h = _conv_ln(h, w1_ref, b1_ref, g1_ref, be1_ref)
        h = _conv_ln(h, w2_ref, b2_ref, g2_ref, be2_ref)
        dp = jnp.sum(h * lw_ref[...], axis=1, keepdims=True) + lb_ref[0, 0]
        dp_ref[i] = jnp.transpose(jnp.maximum(dp, 1e-8), (1, 0))


def _idx_body(dur_ref, gidx_ref, mask_ref):
    f32 = jnp.float32
    jj_col = lax.broadcasted_iota(jnp.int32, (SRC, 1), 0)
    ii_row = lax.broadcasted_iota(jnp.int32, (1, SRC), 1)
    umat = (jj_col <= ii_row).astype(f32)
    pos_row = lax.broadcasted_iota(jnp.int32, (1, MAXLEN), 1)
    ones_row = jnp.ones((1, SRC), f32)
    spread = jnp.bitwise_and(pos_row, SRC - 1)
    for i in range(_AB):
        b = pl.program_id(0) * _AB + i
        d_row = dur_ref[i].astype(f32)
        cum_row = jnp.dot(d_row, umat, preferred_element_type=f32,
                          precision=lax.Precision.DEFAULT)
        cum_col = jnp.transpose(cum_row, (1, 0))

        hmat = (cum_col <= pos_row.astype(f32)).astype(f32)
        idx_row = jnp.dot(ones_row, hmat, preferred_element_type=f32,
                          precision=lax.Precision.DEFAULT)
        idx_i = jnp.minimum(idx_row, SRC - 1).astype(jnp.int32)

        invalid = hmat[SRC - 1:SRC, :]
        gidx_ref[i] = jnp.where(invalid == 0.0, idx_i, spread) + b * SRC
        mask_ref[i] = 1.0 - invalid


def _stage_b_body(exp_ref, mask_ref, e_ref, bounds_lo_ref, bounds_hi_ref,
                  w1_ref, b1_ref, g1_ref, be1_ref,
                  w2_ref, b2_ref, g2_ref, be2_ref, lw_ref, lb_ref,
                  emb_ref, out_ref, en_ref):
    for i in range(_BB):
        m_col = jnp.transpose(mask_ref[i], (1, 0))
        e = exp_ref[i] * m_col
        h = _conv_ln(e, w1_ref, b1_ref, g1_ref, be1_ref)
        h = _conv_ln(h, w2_ref, b2_ref, g2_ref, be2_ref)
        en = jnp.sum(h * lw_ref[...], axis=1, keepdims=True) + lb_ref[0, 0]
        en_ref[i] = jnp.transpose(en, (1, 0))

        et_row = e_ref[i]
        lo = bounds_lo_ref[...] < et_row
        hi = bounds_hi_ref[...] < et_row
        onehot_t = jnp.where(lo & jnp.logical_not(hi), 1.0, 0.0)
        emb_rows = lax.dot_general(
            onehot_t, emb_ref[...], (((0,), (0,)), ((), ())),
            preferred_element_type=jnp.float32)
        out_ref[i] = e + emb_rows


def _sc_gather_body(table_hbm, gidx_hbm, out_hbm, idx_v,
                    rows0, rows1, rows2, gs0, gs1, gs2, ws0, ws1, ws2):
    wid = lax.axis_index("s") * _NC + lax.axis_index("c")
    base = wid * _RPW
    pltpu.sync_copy(gidx_hbm.at[pl.ds(base, _RPW)], idx_v)
    bufs = (rows0, rows1, rows2)
    gsems = (gs0, gs1, gs2)
    wsems = (ws0, ws1, ws2)
    gh, wh = {}, {}
    for c in range(_NCHUNK):
        i = c % 3
        if c >= 3:
            wh[c - 3].wait()
        gh[c] = pltpu.async_copy(
            table_hbm.at[idx_v.at[pl.ds(c * _CH, _CH)]], bufs[i], gsems[i])
        if c >= 1:
            j = (c - 1) % 3
            gh[c - 1].wait()
            wh[c - 1] = pltpu.async_copy(
                bufs[j], out_hbm.at[pl.ds(base + (c - 1) * _CH, _CH)], wsems[j])
    last = _NCHUNK - 1
    gh[last].wait()
    wh[last] = pltpu.async_copy(
        bufs[last % 3], out_hbm.at[pl.ds(base + last * _CH, _CH)], wsems[last % 3])
    for c in (last - 2, last - 1, last):
        wh[c].wait()


def _full_spec(shape):
    return pl.BlockSpec(shape, lambda b: (0,) * len(shape))


def kernel(x, max_len, duration_target, energy_target,
           dp_w1, dp_b1, dp_g1, dp_be1, dp_w2, dp_b2, dp_g2, dp_be2,
           dp_lw, dp_lb, ep_w1, ep_b1, ep_g1, ep_be1, ep_w2, ep_b2,
           ep_g2, ep_be2, ep_lw, ep_lb, emb_table, bounds):
    f32 = jnp.float32

    dur3 = duration_target.reshape(B, 1, SRC)
    e3 = energy_target.reshape(B, 1, MAXLEN)
    bounds_lo = jnp.concatenate(
        [jnp.full((1,), -jnp.inf, f32), bounds]).reshape(NBINS, 1)
    bounds_hi = jnp.concatenate(
        [bounds, jnp.full((1,), jnp.inf, f32)]).reshape(NBINS, 1)

    dp_w1r = dp_w1.reshape(3 * D, FILT)
    dp_w2r = dp_w2.reshape(3 * FILT, FILT)
    ep_w1r = ep_w1.reshape(3 * D, FILT)
    ep_w2r = ep_w2.reshape(3 * FILT, FILT)
    row = lambda a: a.reshape(1, -1)

    gidx3, mask3 = pl.pallas_call(
        _idx_body,
        grid=(B // _AB,),
        in_specs=[pl.BlockSpec((_AB, 1, SRC), lambda b: (b, 0, 0))],
        out_specs=[
            pl.BlockSpec((_AB, 1, MAXLEN), lambda b: (b, 0, 0)),
            pl.BlockSpec((_AB, 1, MAXLEN), lambda b: (b, 0, 0)),
        ],
        out_shape=[
            jax.ShapeDtypeStruct((B, 1, MAXLEN), jnp.int32),
            jax.ShapeDtypeStruct((B, 1, MAXLEN), f32),
        ],
    )(dur3)

    dp3 = pl.pallas_call(
        _stage_a_body,
        grid=(B // _AB,),
        in_specs=[
            pl.BlockSpec((_AB, SRC, D), lambda b: (b, 0, 0)),
            _full_spec((3 * D, FILT)), _full_spec((1, FILT)),
            _full_spec((1, FILT)), _full_spec((1, FILT)),
            _full_spec((3 * FILT, FILT)), _full_spec((1, FILT)),
            _full_spec((1, FILT)), _full_spec((1, FILT)),
            _full_spec((1, FILT)), _full_spec((1, 1)),
        ],
        out_specs=pl.BlockSpec((_AB, 1, SRC), lambda b: (b, 0, 0)),
        out_shape=jax.ShapeDtypeStruct((B, 1, SRC), f32),
    )(x, dp_w1r, row(dp_b1), row(dp_g1), row(dp_be1),
      dp_w2r, row(dp_b2), row(dp_g2), row(dp_be2), row(dp_lw), dp_lb.reshape(1, 1))

    gidx_flat = gidx3.reshape(_ROWS)
    table = x.reshape(B * SRC, D)

    sc_gather = functools.partial(
        pl.kernel,
        mesh=plsc.VectorSubcoreMesh(core_axis_name="c", subcore_axis_name="s",
                                    num_cores=_NC, num_subcores=_NS),
        out_type=jax.ShapeDtypeStruct((_ROWS, D), f32),
        scratch_types=[
            pltpu.VMEM((_RPW,), jnp.int32),
            pltpu.VMEM((_CH, D), f32),
            pltpu.VMEM((_CH, D), f32),
            pltpu.VMEM((_CH, D), f32),
        ] + [pltpu.SemaphoreType.DMA] * 6,
    )(_sc_gather_body)
    expanded_raw = sc_gather(table, gidx_flat).reshape(B, MAXLEN, D)

    out, en3 = pl.pallas_call(
        _stage_b_body,
        grid=(B // _BB,),
        in_specs=[
            pl.BlockSpec((_BB, MAXLEN, D), lambda b: (b, 0, 0)),
            pl.BlockSpec((_BB, 1, MAXLEN), lambda b: (b, 0, 0)),
            pl.BlockSpec((_BB, 1, MAXLEN), lambda b: (b, 0, 0)),
            _full_spec((NBINS, 1)), _full_spec((NBINS, 1)),
            _full_spec((3 * D, FILT)), _full_spec((1, FILT)),
            _full_spec((1, FILT)), _full_spec((1, FILT)),
            _full_spec((3 * FILT, FILT)), _full_spec((1, FILT)),
            _full_spec((1, FILT)), _full_spec((1, FILT)),
            _full_spec((1, FILT)), _full_spec((1, 1)),
            _full_spec((NBINS, D)),
        ],
        out_specs=[
            pl.BlockSpec((_BB, MAXLEN, D), lambda b: (b, 0, 0)),
            pl.BlockSpec((_BB, 1, MAXLEN), lambda b: (b, 0, 0)),
        ],
        out_shape=[
            jax.ShapeDtypeStruct((B, MAXLEN, D), f32),
            jax.ShapeDtypeStruct((B, 1, MAXLEN), f32),
        ],
    )(expanded_raw, mask3, e3, bounds_lo, bounds_hi,
      ep_w1r, row(ep_b1), row(ep_g1), row(ep_be1),
      ep_w2r, row(ep_b2), row(ep_g2), row(ep_be2),
      row(ep_lw), ep_lb.reshape(1, 1), emb_table)

    return (out, dp3.reshape(B, SRC), en3.reshape(B, MAXLEN))

# --- scband reference (transcript-rebuilt; emitter-appended) ---
"""Pipeline reference for scband-variance-adaptor-38070590112517 (READ-ONLY COPY).

The authoritative reference and input builder live on the scoring server;
editing this copy changes nothing except your own understanding.
"""

import jax, jax.numpy as jnp
import numpy as np
from jax import lax

B, SRC, D = 16, 512, 256
FILT = 256
KS = 3
NBINS = 256
MAXLEN = 2048

def _layer_norm(h, g, b):
    m = jnp.mean(h, axis=-1, keepdims=True)
    v = jnp.var(h, axis=-1, keepdims=True)
    return (h - m) / jnp.sqrt(v + 1e-5) * g + b

def _conv1d(h, w, b):
    return lax.conv_general_dilated(h, w, (1,), 'SAME', dimension_numbers=('NWC', 'WIO', 'NWC')) + b

def _predictor(h, w1, b1, g1, be1, w2, b2, g2, be2, lw, lb):
    h = _layer_norm(jax.nn.relu(_conv1d(h, w1, b1)), g1, be1)
    h = _layer_norm(jax.nn.relu(_conv1d(h, w2, b2)), g2, be2)
    return (h @ lw + lb)[..., 0]

def setup_inputs(seed: int = 0):
    key = jax.random.key(seed)
    ks = jax.random.split(key, 10)
    inp = {}
    inp['x'] = jax.random.normal(ks[0], (B, SRC, D), dtype=jnp.float32)
    inp['max_len'] = MAXLEN
    inp['duration_target'] = jax.random.randint(ks[1], (B, SRC), 0, 8, dtype=jnp.int32)
    inp['energy_target'] = jax.random.normal(ks[2], (B, MAXLEN), dtype=jnp.float32)
    inp['dp_w1'] = jax.random.normal(ks[3], (KS, D, FILT), jnp.float32) * 0.02
    inp['dp_b1'] = jnp.zeros((FILT,), jnp.float32)
    inp['dp_g1'] = jnp.ones((FILT,), jnp.float32)
    inp['dp_be1'] = jnp.zeros((FILT,), jnp.float32)
    inp['dp_w2'] = jax.random.normal(ks[4], (KS, FILT, FILT), jnp.float32) * 0.02
    inp['dp_b2'] = jnp.zeros((FILT,), jnp.float32)
    inp['dp_g2'] = jnp.ones((FILT,), jnp.float32)
    inp['dp_be2'] = jnp.zeros((FILT,), jnp.float32)
    inp['dp_lw'] = jax.random.normal(ks[5], (FILT, 1), jnp.float32) * 0.02
    inp['dp_lb'] = jnp.zeros((1,), jnp.float32)
    inp['ep_w1'] = jax.random.normal(ks[6], (KS, D, FILT), jnp.float32) * 0.02
    inp['ep_b1'] = jnp.zeros((FILT,), jnp.float32)
    inp['ep_g1'] = jnp.ones((FILT,), jnp.float32)
    inp['ep_be1'] = jnp.zeros((FILT,), jnp.float32)
    inp['ep_w2'] = jax.random.normal(ks[7], (KS, FILT, FILT), jnp.float32) * 0.02
    inp['ep_b2'] = jnp.zeros((FILT,), jnp.float32)
    inp['ep_g2'] = jnp.ones((FILT,), jnp.float32)
    inp['ep_be2'] = jnp.zeros((FILT,), jnp.float32)
    inp['ep_lw'] = jax.random.normal(ks[8], (FILT, 1), jnp.float32) * 0.02
    inp['ep_lb'] = jnp.zeros((1,), jnp.float32)
    inp['emb_table'] = jax.random.normal(ks[9], (NBINS, D), jnp.float32) * 0.02
    inp['bounds'] = jnp.linspace(-1.0, 1.0, NBINS - 1).astype(jnp.float32)
    return inp

def reference(x, max_len, duration_target, energy_target, dp_w1, dp_b1, dp_g1, dp_be1, dp_w2, dp_b2, dp_g2, dp_be2, dp_lw, dp_lb, ep_w1, ep_b1, ep_g1, ep_be1, ep_w2, ep_b2, ep_g2, ep_be2, ep_lw, ep_lb, emb_table, bounds):
    # duration predictor on source tokens (LengthRegulator internal predictor)
    duration_prediction = _predictor(x, dp_w1, dp_b1, dp_g1, dp_be1, dp_w2, dp_b2, dp_g2, dp_be2, dp_lw, dp_lb)
    duration_prediction = jnp.clip(duration_prediction, 1e-08, None)
    # length regulation with ground-truth durations (target path), padded/truncated to max_len
    cum = jnp.cumsum(duration_target.astype(jnp.int32), axis=1)
    pos = jnp.arange(energy_target.shape[1], dtype=jnp.int32)
    pos = jnp.minimum(pos, jnp.asarray(max_len, dtype=jnp.int32) - 1)
    idx = jax.vmap(lambda c: jnp.searchsorted(c, pos, side='right'))(cum)
    mask = (pos[None, :] < cum[:, -1:]).astype(x.dtype)
    idx = jnp.clip(idx, 0, SRC - 1)
    expanded = jnp.take_along_axis(x, idx[:, :, None], axis=1) * mask[:, :, None]
    # energy predictor on expanded frames
    energy_prediction = _predictor(expanded, ep_w1, ep_b1, ep_g1, ep_be1, ep_w2, ep_b2, ep_g2, ep_be2, ep_lw, ep_lb) * 1.0
    # quantization embedding of energy target (torch.bucketize == searchsorted left)
    bucket = jnp.clip(jnp.searchsorted(bounds, energy_target, side='left'), 0, NBINS - 1)
    out = expanded + jnp.take(emb_table, bucket, axis=0)
    return (out, duration_prediction, energy_prediction)

if __name__ == "__main__":
    import jax
    _d = setup_inputs()
    print(jax.jit(kernel)(*tuple(_d.values())))

</pallas_src>

<mosaic_0001>
#map = affine_map<(d0, d1) -> (0, 0)>
#map1 = affine_map<(d0, d1) -> (0)>
module attributes {stable_mosaic.version = 14 : i64} {
  func.func @_sc_gather_body(%arg0: i32, %arg1: i32, %arg2: memref<8192x256xf32, #tpu.memory_space<hbm>>, %arg3: memref<32768xi32, #tpu.memory_space<hbm>>, %arg4: memref<32768x256xf32, #tpu.memory_space<hbm>>, %arg5: memref<1024xi32, #tpu.memory_space<vmem>>, %arg6: memref<128x256xf32, #tpu.memory_space<vmem>>, %arg7: memref<128x256xf32, #tpu.memory_space<vmem>>, %arg8: memref<128x256xf32, #tpu.memory_space<vmem>>, %arg9: memref<!tpu.dma_semaphore, #tpu.memory_space<semaphore_mem>>, %arg10: memref<!tpu.dma_semaphore, #tpu.memory_space<semaphore_mem>>, %arg11: memref<!tpu.dma_semaphore, #tpu.memory_space<semaphore_mem>>, %arg12: memref<!tpu.dma_semaphore, #tpu.memory_space<semaphore_mem>>, %arg13: memref<!tpu.dma_semaphore, #tpu.memory_space<semaphore_mem>>, %arg14: memref<!tpu.dma_semaphore, #tpu.memory_space<semaphore_mem>>) attributes {dimension_semantics = [#tpu.dimension_semantics<core_parallel>, #tpu.dimension_semantics<subcore_parallel>], iteration_bounds = array<i64: 2, 16>, scalar_prefetch = 0 : i64, scratch_operands = 10 : i64, tpu.core_type = #tpu.core_type<sc_vector_subcore>, window_params = [{transform_indices = #map}, {transform_indices = #map1}, {transform_indices = #map}]} {
    %mul3A = arith.constant 2 : i32
    %mul3A_0 = arith.muli %arg1, %mul3A : i32
    %add3A = arith.addi %mul3A_0, %arg0 : i32
    %mul3A_1 = arith.constant 1024 : i32
    %mul3A_2 = arith.muli %add3A, %mul3A_1 : i32
    "tpu.region"() ({
      %run_scoped3A = tpu.sem_alloc : memref<!tpu.dma_semaphore, #tpu.memory_space<semaphore_mem>>
      %dma_start3A_161 = tpu.memref_slice %arg3[%mul3A_2] : memref<32768xi32, #tpu.memory_space<hbm>> -> memref<1024xi32, #tpu.memory_space<hbm>>
      %dma_start3A_162 = tpu.memref_slice %arg3[%mul3A_2] : memref<32768xi32, #tpu.memory_space<hbm>> -> memref<1024xi32, #tpu.memory_space<hbm>>
      tpu.enqueue_dma source(%dma_start3A_162 : memref<1024xi32, #tpu.memory_space<hbm>>) target(%arg5 : memref<1024xi32, #tpu.memory_space<vmem>>) target_semaphore(%run_scoped3A : memref<!tpu.dma_semaphore, #tpu.memory_space<semaphore_mem>>)
      %dma_wait3A_163 = tpu.memref_slice %arg3[%mul3A_2] : memref<32768xi32, #tpu.memory_space<hbm>> -> memref<1024xi32, #tpu.memory_space<hbm>>
      %dma_wait3A_164 = tpu.memref_slice %arg3[%mul3A_2] : memref<32768xi32, #tpu.memory_space<hbm>> -> memref<1024xi32, #tpu.memory_space<hbm>>
      tpu.wait_dma2 semaphore(%run_scoped3A : memref<!tpu.dma_semaphore, #tpu.memory_space<semaphore_mem>>) src(%dma_wait3A_164 : memref<1024xi32, #tpu.memory_space<hbm>>) dst(%arg5 : memref<1024xi32, #tpu.memory_space<vmem>>)
      tpu.yield
    }) : () -> ()
    %dma_start3A = arith.constant 0 : i32
    %dma_start3A_3 = tpu.memref_slice %arg5[%dma_start3A] : memref<1024xi32, #tpu.memory_space<vmem>> -> memref<128xi32, #tpu.memory_space<vmem>>
    %dma_start3A_4 = arith.constant 0 : i32
    %dma_start3A_5 = arith.constant 0 : i32
    %dma_start3A_6 = tpu.memref_slice %arg2[%dma_start3A_4, %dma_start3A_5] : memref<8192x256xf32, #tpu.memory_space<hbm>> -> memref<8192x256xf32, #tpu.memory_space<hbm>>
    tpu.enqueue_indirect_dma source(%dma_start3A_6 : memref<8192x256xf32, #tpu.memory_space<hbm>>) target(%arg6 : memref<128x256xf32, #tpu.memory_space<vmem>>) offsets(%dma_start3A_3 : memref<128xi32, #tpu.memory_space<vmem>>) semaphore(%arg9 : memref<!tpu.dma_semaphore, #tpu.memory_space<semaphore_mem>>)
    %dma_start3A_7 = arith.constant 128 : i32
    %dma_start3A_8 = tpu.memref_slice %arg5[%dma_start3A_7] : memref<1024xi32, #tpu.memory_space<vmem>> -> memref<128xi32, #tpu.memory_space<vmem>>
    %dma_start3A_9 = arith.constant 0 : i32
    %dma_start3A_10 = arith.constant 0 : i32
    %dma_start3A_11 = tpu.memref_slice %arg2[%dma_start3A_9, %dma_start3A_10] : memref<8192x256xf32, #tpu.memory_space<hbm>> -> memref<8192x256xf32, #tpu.memory_space<hbm>>
    tpu.enqueue_indirect_dma source(%dma_start3A_11 : memref<8192x256xf32, #tpu.memory_space<hbm>>) target(%arg7 : memref<128x256xf32, #tpu.memory_space<vmem>>) offsets(%dma_start3A_8 : memref<128xi32, #tpu.memory_space<vmem>>) semaphore(%arg10 : memref<!tpu.dma_semaphore, #tpu.memory_space<semaphore_mem>>)
    %dma_wait3A = arith.constant 0 : i32
    %dma_wait3A_12 = tpu.memref_slice %arg5[%dma_wait3A] : memref<1024xi32, #tpu.memory_space<vmem>> -> memref<128xi32, #tpu.memory_space<vmem>>
    %dma_wait3A_13 = arith.constant 0 : i32
    %dma_wait3A_14 = arith.constant 0 : i32
    %dma_wait3A_15 = tpu.memref_slice %arg2[%dma_wait3A_13, %dma_wait3A_14] : memref<8192x256xf32, #tpu.memory_space<hbm>> -> memref<8192x256xf32, #tpu.memory_space<hbm>>
    tpu.wait_indirect_dma semaphore(%arg9 : memref<!tpu.dma_semaphore, #tpu.memory_space<semaphore_mem>>) src(%dma_wait3A_15 : memref<8192x256xf32, #tpu.memory_space<hbm>>) dst(%arg6 : memref<128x256xf32, #tpu.memory_space<vmem>>)
    %add3A_16 = arith.constant 0 : i32
    %add3A_17 = arith.addi %mul3A_2, %add3A_16 : i32
    %dma_start3A_18 = arith.constant 0 : i32
    %dma_start3A_19 = tpu.memref_slice %arg4[%add3A_17, %dma_start3A_18] : memref<32768x256xf32, #tpu.memory_space<hbm>> -> memref<128x256xf32, #tpu.memory_space<hbm>>
    %dma_start3A_20 = arith.constant 0 : i32
    %dma_start3A_21 = tpu.memref_slice %arg4[%add3A_17, %dma_start3A_20] : memref<32768x256xf32, #tpu.memory_space<hbm>> -> memref<128x256xf32, #tpu.memory_space<hbm>>
    tpu.enqueue_dma source(%arg6 : memref<128x256xf32, #tpu.memory_space<vmem>>) target(%dma_start3A_21 : memref<128x256xf32, #tpu.memory_space<hbm>>) target_semaphore(%arg12 : memref<!tpu.dma_semaphore, #tpu.memory_space<semaphore_mem>>)
    %dma_start3A_22 = arith.constant 256 : i32
    %dma_start3A_23 = tpu.memref_slice %arg5[%dma_start3A_22] : memref<1024xi32, #tpu.memory_space<vmem>> -> memref<128xi32, #tpu.memory_space<vmem>>
    %dma_start3A_24 = arith.constant 0 : i32
    %dma_start3A_25 = arith.constant 0 : i32
    %dma_start3A_26 = tpu.memref_slice %arg2[%dma_start3A_24, %dma_start3A_25] : memref<8192x256xf32, #tpu.memory_space<hbm>> -> memref<8192x256xf32, #tpu.memory_space<hbm>>
    tpu.enqueue_indirect_dma source(%dma_start3A_26 : memref<8192x256xf32, #tpu.memory_space<hbm>>) target(%arg8 : memref<128x256xf32, #tpu.memory_space<vmem>>) offsets(%dma_start3A_23 : memref<128xi32, #tpu.memory_space<vmem>>) semaphore(%arg11 : memref<!tpu.dma_semaphore, #tpu.memory_space<semaphore_mem>>)
    %dma_wait3A_27 = arith.constant 128 : i32
    %dma_wait3A_28 = tpu.memref_slice %arg5[%dma_wait3A_27] : memref<1024xi32, #tpu.memory_space<vmem>> -> memref<128xi32, #tpu.memory_space<vmem>>
    %dma_wait3A_29 = arith.constant 0 : i32
    %dma_wait3A_30 = arith.constant 0 : i32
    %dma_wait3A_31 = tpu.memref_slice %arg2[%dma_wait3A_29, %dma_wait3A_30] : memref<8192x256xf32, #tpu.memory_space<hbm>> -> memref<8192x256xf32, #tpu.memory_space<hbm>>
    tpu.wait_indirect_dma semaphore(%arg10 : memref<!tpu.dma_semaphore, #tpu.memory_space<semaphore_mem>>) src(%dma_wait3A_31 : memref<8192x256xf32, #tpu.memory_space<hbm>>) dst(%arg7 : memref<128x256xf32, #tpu.memory_space<vmem>>)
    %add3A_32 = arith.constant 128 : i32
    %add3A_33 = arith.addi %mul3A_2, %add3A_32 : i32
    %dma_start3A_34 = arith.constant 0 : i32
    %dma_start3A_35 = tpu.memref_slice %arg4[%add3A_33, %dma_start3A_34] : memref<32768x256xf32, #tpu.memory_space<hbm>> -> memref<128x256xf32, #tpu.memory_space<hbm>>
    %dma_start3A_36 = arith.constant 0 : i32
    %dma_start3A_37 = tpu.memref_slice %arg4[%add3A_33, %dma_start3A_36] : memref<32768x256xf32, #tpu.memory_space<hbm>> -> memref<128x256xf32, #tpu.memory_space<hbm>>
    tpu.enqueue_dma source(%arg7 : memref<128x256xf32, #tpu.memory_space<vmem>>) target(%dma_start3A_37 : memref<128x256xf32, #tpu.memory_space<hbm>>) target_semaphore(%arg13 : memref<!tpu.dma_semaphore, #tpu.memory_space<semaphore_mem>>)
    %dma_wait3A_38 = arith.constant 0 : i32
    %dma_wait3A_39 = tpu.memref_slice %arg4[%add3A_17, %dma_wait3A_38] : memref<32768x256xf32, #tpu.memory_space<hbm>> -> memref<128x256xf32, #tpu.memory_space<hbm>>
    %dma_wait3A_40 = arith.constant 0 : i32
    %dma_wait3A_41 = tpu.memref_slice %arg4[%add3A_17, %dma_wait3A_40] : memref<32768x256xf32, #tpu.memory_space<hbm>> -> memref<128x256xf32, #tpu.memory_space<hbm>>
    tpu.wait_dma2 semaphore(%arg12 : memref<!tpu.dma_semaphore, #tpu.memory_space<semaphore_mem>>) src(%arg6 : memref<128x256xf32, #tpu.memory_space<vmem>>) dst(%dma_wait3A_41 : memref<128x256xf32, #tpu.memory_space<hbm>>)
    %dma_start3A_42 = arith.constant 384 : i32
    %dma_start3A_43 = tpu.memref_slice %arg5[%dma_start3A_42] : memref<1024xi32, #tpu.memory_space<vmem>> -> memref<128xi32, #tpu.memory_space<vmem>>
    %dma_start3A_44 = arith.constant 0 : i32
    %dma_start3A_45 = arith.constant 0 : i32
    %dma_start3A_46 = tpu.memref_slice %arg2[%dma_start3A_44, %dma_start3A_45] : memref<8192x256xf32, #tpu.memory_space<hbm>> -> memref<8192x256xf32, #tpu.memory_space<hbm>>
    tpu.enqueue_indirect_dma source(%dma_start3A_46 : memref<8192x256xf32, #tpu.memory_space<hbm>>) target(%arg6 : memref<128x256xf32, #tpu.memory_space<vmem>>) offsets(%dma_start3A_43 : memref<128xi32, #tpu.memory_space<vmem>>) semaphore(%arg9 : memref<!tpu.dma_semaphore, #tpu.memory_space<semaphore_mem>>)
    %dma_wait3A_47 = arith.constant 256 : i32
    %dma_wait3A_48 = tpu.memref_slice %arg5[%dma_wait3A_47] : memref<1024xi32, #tpu.memory_space<vmem>> -> memref<128xi32, #tpu.memory_space<vmem>>
    %dma_wait3A_49 = arith.constant 0 : i32
    %dma_wait3A_50 = arith.constant 0 : i32
    %dma_wait3A_51 = tpu.memref_slice %arg2[%dma_wait3A_49, %dma_wait3A_50] : memref<8192x256xf32, #tpu.memory_space<hbm>> -> memref<8192x256xf32, #tpu.memory_space<hbm>>
    tpu.wait_indirect_dma semaphore(%arg11 : memref<!tpu.dma_semaphore, #tpu.memory_space<semaphore_mem>>) src(%dma_wait3A_51 : memref<8192x256xf32, #tpu.memory_space<hbm>>) dst(%arg8 : memref<128x256xf32, #tpu.memory_space<vmem>>)
    %add3A_52 = arith.constant 256 : i32
    %add3A_53 = arith.addi %mul3A_2, %add3A_52 : i32
    %dma_start3A_54 = arith.constant 0 : i32
    %dma_start3A_55 = tpu.memref_slice %arg4[%add3A_53, %dma_start3A_54] : memref<32768x256xf32, #tpu.memory_space<hbm>> -> memref<128x256xf32, #tpu.memory_space<hbm>>
    %dma_start3A_56 = arith.constant 0 : i32
    %dma_start3A_57 = tpu.memref_slice %arg4[%add3A_53, %dma_start3A_56] : memref<32768x256xf32, #tpu.memory_space<hbm>> -> memref<128x256xf32, #tpu.memory_space<hbm>>
    tpu.enqueue_dma source(%arg8 : memref<128x256xf32, #tpu.memory_space<vmem>>) target(%dma_start3A_57 : memref<128x256xf32, #tpu.memory_space<hbm>>) target_semaphore(%arg14 : memref<!tpu.dma_semaphore, #tpu.memory_space<semaphore_mem>>)
    %dma_wait3A_58 = arith.constant 0 : i32
    %dma_wait3A_59 = tpu.memref_slice %arg4[%add3A_33, %dma_wait3A_58] : memref<32768x256xf32, #tpu.memory_space<hbm>> -> memref<128x256xf32, #tpu.memory_space<hbm>>
    %dma_wait3A_60 = arith.constant 0 : i32
    %dma_wait3A_61 = tpu.memref_slice %arg4[%add3A_33, %dma_wait3A_60] : memref<32768x256xf32, #tpu.memory_space<hbm>> -> memref<128x256xf32, #tpu.memory_space<hbm>>
    tpu.wait_dma2 semaphore(%arg13 : memref<!tpu.dma_semaphore, #tpu.memory_space<semaphore_mem>>) src(%arg7 : memref<128x256xf32, #tpu.memory_space<vmem>>) dst(%dma_wait3A_61 : memref<128x256xf32, #tpu.memory_space<hbm>>)
    %dma_start3A_62 = arith.constant 512 : i32
    %dma_start3A_63 = tpu.memref_slice %arg5[%dma_start3A_62] : memref<1024xi32, #tpu.memory_space<vmem>> -> memref<128xi32, #tpu.memory_space<vmem>>
    %dma_start3A_64 = arith.constant 0 : i32
    %dma_start3A_65 = arith.constant 0 : i32
    %dma_start3A_66 = tpu.memref_slice %arg2[%dma_start3A_64, %dma_start3A_65] : memref<8192x256xf32, #tpu.memory_space<hbm>> -> memref<8192x256xf32, #tpu.memory_space<hbm>>
    tpu.enqueue_indirect_dma source(%dma_start3A_66 : memref<8192x256xf32, #tpu.memory_space<hbm>>) target(%arg7 : memref<128x256xf32, #tpu.memory_space<vmem>>) offsets(%dma_start3A_63 : memref<128xi32, #tpu.memory_space<vmem>>) semaphore(%arg10 : memref<!tpu.dma_semaphore, #tpu.memory_space<semaphore_mem>>)
    %dma_wait3A_67 = arith.constant 384 : i32
    %dma_wait3A_68 = tpu.memref_slice %arg5[%dma_wait3A_67] : memref<1024xi32, #tpu.memory_space<vmem>> -> memref<128xi32, #tpu.memory_space<vmem>>
    %dma_wait3A_69 = arith.constant 0 : i32
    %dma_wait3A_70 = arith.constant 0 : i32
    %dma_wait3A_71 = tpu.memref_slice %arg2[%dma_wait3A_69, %dma_wait3A_70] : memref<8192x256xf32, #tpu.memory_space<hbm>> -> memref<8192x256xf32, #tpu.memory_space<hbm>>
    tpu.wait_indirect_dma semaphore(%arg9 : memref<!tpu.dma_semaphore, #tpu.memory_space<semaphore_mem>>) src(%dma_wait3A_71 : memref<8192x256xf32, #tpu.memory_space<hbm>>) dst(%arg6 : memref<128x256xf32, #tpu.memory_space<vmem>>)
    %add3A_72 = arith.constant 384 : i32
    %add3A_73 = arith.addi %mul3A_2, %add3A_72 : i32
    %dma_start3A_74 = arith.constant 0 : i32
    %dma_start3A_75 = tpu.memref_slice %arg4[%add3A_73, %dma_start3A_74] : memref<32768x256xf32, #tpu.memory_space<hbm>> -> memref<128x256xf32, #tpu.memory_space<hbm>>
    %dma_start3A_76 = arith.constant 0 : i32
    %dma_start3A_77 = tpu.memref_slice %arg4[%add3A_73, %dma_start3A_76] : memref<32768x256xf32, #tpu.memory_space<hbm>> -> memref<128x256xf32, #tpu.memory_space<hbm>>
    tpu.enqueue_dma source(%arg6 : memref<128x256xf32, #tpu.memory_space<vmem>>) target(%dma_start3A_77 : memref<128x256xf32, #tpu.memory_space<hbm>>) target_semaphore(%arg12 : memref<!tpu.dma_semaphore, #tpu.memory_space<semaphore_mem>>)
    %dma_wait3A_78 = arith.constant 0 : i32
    %dma_wait3A_79 = tpu.memref_slice %arg4[%add3A_53, %dma_wait3A_78] : memref<32768x256xf32, #tpu.memory_space<hbm>> -> memref<128x256xf32, #tpu.memory_space<hbm>>
    %dma_wait3A_80 = arith.constant 0 : i32
    %dma_wait3A_81 = tpu.memref_slice %arg4[%add3A_53, %dma_wait3A_80] : memref<32768x256xf32, #tpu.memory_space<hbm>> -> memref<128x256xf32, #tpu.memory_space<hbm>>
    tpu.wait_dma2 semaphore(%arg14 : memref<!tpu.dma_semaphore, #tpu.memory_space<semaphore_mem>>) src(%arg8 : memref<128x256xf32, #tpu.memory_space<vmem>>) dst(%dma_wait3A_81 : memref<128x256xf32, #tpu.memory_space<hbm>>)
    %dma_start3A_82 = arith.constant 640 : i32
    %dma_start3A_83 = tpu.memref_slice %arg5[%dma_start3A_82] : memref<1024xi32, #tpu.memory_space<vmem>> -> memref<128xi32, #tpu.memory_space<vmem>>
    %dma_start3A_84 = arith.constant 0 : i32
    %dma_start3A_85 = arith.constant 0 : i32
    %dma_start3A_86 = tpu.memref_slice %arg2[%dma_start3A_84, %dma_start3A_85] : memref<8192x256xf32, #tpu.memory_space<hbm>> -> memref<8192x256xf32, #tpu.memory_space<hbm>>
    tpu.enqueue_indirect_dma source(%dma_start3A_86 : memref<8192x256xf32, #tpu.memory_space<hbm>>) target(%arg8 : memref<128x256xf32, #tpu.memory_space<vmem>>) offsets(%dma_start3A_83 : memref<128xi32, #tpu.memory_space<vmem>>) semaphore(%arg11 : memref<!tpu.dma_semaphore, #tpu.memory_space<semaphore_mem>>)
    %dma_wait3A_87 = arith.constant 512 : i32
    %dma_wait3A_88 = tpu.memref_slice %arg5[%dma_wait3A_87] : memref<1024xi32, #tpu.memory_space<vmem>> -> memref<128xi32, #tpu.memory_space<vmem>>
    %dma_wait3A_89 = arith.constant 0 : i32
    %dma_wait3A_90 = arith.constant 0 : i32
    %dma_wait3A_91 = tpu.memref_slice %arg2[%dma_wait3A_89, %dma_wait3A_90] : memref<8192x256xf32, #tpu.memory_space<hbm>> -> memref<8192x256xf32, #tpu.memory_space<hbm>>
    tpu.wait_indirect_dma semaphore(%arg10 : memref<!tpu.dma_semaphore, #tpu.memory_space<semaphore_mem>>) src(%dma_wait3A_91 : memref<8192x256xf32, #tpu.memory_space<hbm>>) dst(%arg7 : memref<128x256xf32, #tpu.memory_space<vmem>>)
    %add3A_92 = arith.constant 512 : i32
    %add3A_93 = arith.addi %mul3A_2, %add3A_92 : i32
    %dma_start3A_94 = arith.constant 0 : i32
    %dma_start3A_95 = tpu.memref_slice %arg4[%add3A_93, %dma_start3A_94] : memref<32768x256xf32, #tpu.memory_space<hbm>> -> memref<128x256xf32, #tpu.memory_space<hbm>>
    %dma_start3A_96 = arith.constant 0 : i32
    %dma_start3A_97 = tpu.memref_slice %arg4[%add3A_93, %dma_start3A_96] : memref<32768x256xf32, #tpu.memory_space<hbm>> -> memref<128x256xf32, #tpu.memory_space<hbm>>
    tpu.enqueue_dma source(%arg7 : memref<128x256xf32, #tpu.memory_space<vmem>>) target(%dma_start3A_97 : memref<128x256xf32, #tpu.memory_space<hbm>>) target_semaphore(%arg13 : memref<!tpu.dma_semaphore, #tpu.memory_space<semaphore_mem>>)
    %dma_wait3A_98 = arith.constant 0 : i32
    %dma_wait3A_99 = tpu.memref_slice %arg4[%add3A_73, %dma_wait3A_98] : memref<32768x256xf32, #tpu.memory_space<hbm>> -> memref<128x256xf32, #tpu.memory_space<hbm>>
    %dma_wait3A_100 = arith.constant 0 : i32
    %dma_wait3A_101 = tpu.memref_slice %arg4[%add3A_73, %dma_wait3A_100] : memref<32768x256xf32, #tpu.memory_space<hbm>> -> memref<128x256xf32, #tpu.memory_space<hbm>>
    tpu.wait_dma2 semaphore(%arg12 : memref<!tpu.dma_semaphore, #tpu.memory_space<semaphore_mem>>) src(%arg6 : memref<128x256xf32, #tpu.memory_space<vmem>>) dst(%dma_wait3A_101 : memref<128x256xf32, #tpu.memory_space<hbm>>)
    %dma_start3A_102 = arith.constant 768 : i32
    %dma_start3A_103 = tpu.memref_slice %arg5[%dma_start3A_102] : memref<1024xi32, #tpu.memory_space<vmem>> -> memref<128xi32, #tpu.memory_space<vmem>>
    %dma_start3A_104 = arith.constant 0 : i32
    %dma_start3A_105 = arith.constant 0 : i32
    %dma_start3A_106 = tpu.memref_slice %arg2[%dma_start3A_104, %dma_start3A_105] : memref<8192x256xf32, #tpu.memory_space<hbm>> -> memref<8192x256xf32, #tpu.memory_space<hbm>>
    tpu.enqueue_indirect_dma source(%dma_start3A_106 : memref<8192x256xf32, #tpu.memory_space<hbm>>) target(%arg6 : memref<128x256xf32, #tpu.memory_space<vmem>>) offsets(%dma_start3A_103 : memref<128xi32, #tpu.memory_space<vmem>>) semaphore(%arg9 : memref<!tpu.dma_semaphore, #tpu.memory_space<semaphore_mem>>)
    %dma_wait3A_107 = arith.constant 640 : i32
    %dma_wait3A_108 = tpu.memref_slice %arg5[%dma_wait3A_107] : memref<1024xi32, #tpu.memory_space<vmem>> -> memref<128xi32, #tpu.memory_space<vmem>>
    %dma_wait3A_109 = arith.constant 0 : i32
    %dma_wait3A_110 = arith.constant 0 : i32
    %dma_wait3A_111 = tpu.memref_slice %arg2[%dma_wait3A_109, %dma_wait3A_110] : memref<8192x256xf32, #tpu.memory_space<hbm>> -> memref<8192x256xf32, #tpu.memory_space<hbm>>
    tpu.wait_indirect_dma semaphore(%arg11 : memref<!tpu.dma_semaphore, #tpu.memory_space<semaphore_mem>>) src(%dma_wait3A_111 : memref<8192x256xf32, #tpu.memory_space<hbm>>) dst(%arg8 : memref<128x256xf32, #tpu.memory_space<vmem>>)
    %add3A_112 = arith.constant 640 : i32
    %add3A_113 = arith.addi %mul3A_2, %add3A_112 : i32
    %dma_start3A_114 = arith.constant 0 : i32
    %dma_start3A_115 = tpu.memref_slice %arg4[%add3A_113, %dma_start3A_114] : memref<32768x256xf32, #tpu.memory_space<hbm>> -> memref<128x256xf32, #tpu.memory_space<hbm>>
    %dma_start3A_116 = arith.constant 0 : i32
    %dma_start3A_117 = tpu.memref_slice %arg4[%add3A_113, %dma_start3A_116] : memref<32768x256xf32, #tpu.memory_space<hbm>> -> memref<128x256xf32, #tpu.memory_space<hbm>>
    tpu.enqueue_dma source(%arg8 : memref<128x256xf32, #tpu.memory_space<vmem>>) target(%dma_start3A_117 : memref<128x256xf32, #tpu.memory_space<hbm>>) target_semaphore(%arg14 : memref<!tpu.dma_semaphore, #tpu.memory_space<semaphore_mem>>)
    %dma_wait3A_118 = arith.constant 0 : i32
    %dma_wait3A_119 = tpu.memref_slice %arg4[%add3A_93, %dma_wait3A_118] : memref<32768x256xf32, #tpu.memory_space<hbm>> -> memref<128x256xf32, #tpu.memory_space<hbm>>
    %dma_wait3A_120 = arith.constant 0 : i32
    %dma_wait3A_121 = tpu.memref_slice %arg4[%add3A_93, %dma_wait3A_120] : memref<32768x256xf32, #tpu.memory_space<hbm>> -> memref<128x256xf32, #tpu.memory_space<hbm>>
    tpu.wait_dma2 semaphore(%arg13 : memref<!tpu.dma_semaphore, #tpu.memory_space<semaphore_mem>>) src(%arg7 : memref<128x256xf32, #tpu.memory_space<vmem>>) dst(%dma_wait3A_121 : memref<128x256xf32, #tpu.memory_space<hbm>>)
    %dma_start3A_122 = arith.constant 896 : i32
    %dma_start3A_123 = tpu.memref_slice %arg5[%dma_start3A_122] : memref<1024xi32, #tpu.memory_space<vmem>> -> memref<128xi32, #tpu.memory_space<vmem>>
    %dma_start3A_124 = arith.constant 0 : i32
    %dma_start3A_125 = arith.constant 0 : i32
    %dma_start3A_126 = tpu.memref_slice %arg2[%dma_start3A_124, %dma_start3A_125] : memref<8192x256xf32, #tpu.memory_space<hbm>> -> memref<8192x256xf32, #tpu.memory_space<hbm>>
    tpu.enqueue_indirect_dma source(%dma_start3A_126 : memref<8192x256xf32, #tpu.memory_space<hbm>>) target(%arg7 : memref<128x256xf32, #tpu.memory_space<vmem>>) offsets(%dma_start3A_123 : memref<128xi32, #tpu.memory_space<vmem>>) semaphore(%arg10 : memref<!tpu.dma_semaphore, #tpu.memory_space<semaphore_mem>>)
    %dma_wait3A_127 = arith.constant 768 : i32
    %dma_wait3A_128 = tpu.memref_slice %arg5[%dma_wait3A_127] : memref<1024xi32, #tpu.memory_space<vmem>> -> memref<128xi32, #tpu.memory_space<vmem>>
    %dma_wait3A_129 = arith.constant 0 : i32
    %dma_wait3A_130 = arith.constant 0 : i32
    %dma_wait3A_131 = tpu.memref_slice %arg2[%dma_wait3A_129, %dma_wait3A_130] : memref<8192x256xf32, #tpu.memory_space<hbm>> -> memref<8192x256xf32, #tpu.memory_space<hbm>>
    tpu.wait_indirect_dma semaphore(%arg9 : memref<!tpu.dma_semaphore, #tpu.memory_space<semaphore_mem>>) src(%dma_wait3A_131 : memref<8192x256xf32, #tpu.memory_space<hbm>>) dst(%arg6 : memref<128x256xf32, #tpu.memory_space<vmem>>)
    %add3A_132 = arith.constant 768 : i32
    %add3A_133 = arith.addi %mul3A_2, %add3A_132 : i32
    %dma_start3A_134 = arith.constant 0 : i32
    %dma_start3A_135 = tpu.memref_slice %arg4[%add3A_133, %dma_start3A_134] : memref<32768x256xf32, #tpu.memory_space<hbm>> -> memref<128x256xf32, #tpu.memory_space<hbm>>
    %dma_start3A_136 = arith.constant 0 : i32
    %dma_start3A_137 = tpu.memref_slice %arg4[%add3A_133, %dma_start3A_136] : memref<32768x256xf32, #tpu.memory_space<hbm>> -> memref<128x256xf32, #tpu.memory_space<hbm>>
    tpu.enqueue_dma source(%arg6 : memref<128x256xf32, #tpu.memory_space<vmem>>) target(%dma_start3A_137 : memref<128x256xf32, #tpu.memory_space<hbm>>) target_semaphore(%arg12 : memref<!tpu.dma_semaphore, #tpu.memory_space<semaphore_mem>>)
    %dma_wait3A_138 = arith.constant 896 : i32
    %dma_wait3A_139 = tpu.memref_slice %arg5[%dma_wait3A_138] : memref<1024xi32, #tpu.memory_space<vmem>> -> memref<128xi32, #tpu.memory_space<vmem>>
    %dma_wait3A_140 = arith.constant 0 : i32
    %dma_wait3A_141 = arith.constant 0 : i32
    %dma_wait3A_142 = tpu.memref_slice %arg2[%dma_wait3A_140, %dma_wait3A_141] : memref<8192x256xf32, #tpu.memory_space<hbm>> -> memref<8192x256xf32, #tpu.memory_space<hbm>>
    tpu.wait_indirect_dma semaphore(%arg10 : memref<!tpu.dma_semaphore, #tpu.memory_space<semaphore_mem>>) src(%dma_wait3A_142 : memref<8192x256xf32, #tpu.memory_space<hbm>>) dst(%arg7 : memref<128x256xf32, #tpu.memory_space<vmem>>)
    %add3A_143 = arith.constant 896 : i32
    %add3A_144 = arith.addi %mul3A_2, %add3A_143 : i32
    %dma_start3A_145 = arith.constant 0 : i32
    %dma_start3A_146 = tpu.memref_slice %arg4[%add3A_144, %dma_start3A_145] : memref<32768x256xf32, #tpu.memory_space<hbm>> -> memref<128x256xf32, #tpu.memory_space<hbm>>
    %dma_start3A_147 = arith.constant 0 : i32
    %dma_start3A_148 = tpu.memref_slice %arg4[%add3A_144, %dma_start3A_147] : memref<32768x256xf32, #tpu.memory_space<hbm>> -> memref<128x256xf32, #tpu.memory_space<hbm>>
    tpu.enqueue_dma source(%arg7 : memref<128x256xf32, #tpu.memory_space<vmem>>) target(%dma_start3A_148 : memref<128x256xf32, #tpu.memory_space<hbm>>) target_semaphore(%arg13 : memref<!tpu.dma_semaphore, #tpu.memory_space<semaphore_mem>>)
    %dma_wait3A_149 = arith.constant 0 : i32
    %dma_wait3A_150 = tpu.memref_slice %arg4[%add3A_113, %dma_wait3A_149] : memref<32768x256xf32, #tpu.memory_space<hbm>> -> memref<128x256xf32, #tpu.memory_space<hbm>>
    %dma_wait3A_151 = arith.constant 0 : i32
    %dma_wait3A_152 = tpu.memref_slice %arg4[%add3A_113, %dma_wait3A_151] : memref<32768x256xf32, #tpu.memory_space<hbm>> -> memref<128x256xf32, #tpu.memory_space<hbm>>
    tpu.wait_dma2 semaphore(%arg14 : memref<!tpu.dma_semaphore, #tpu.memory_space<semaphore_mem>>) src(%arg8 : memref<128x256xf32, #tpu.memory_space<vmem>>) dst(%dma_wait3A_152 : memref<128x256xf32, #tpu.memory_space<hbm>>)
    %dma_wait3A_153 = arith.constant 0 : i32
    %dma_wait3A_154 = tpu.memref_slice %arg4[%add3A_133, %dma_wait3A_153] : memref<32768x256xf32, #tpu.memory_space<hbm>> -> memref<128x256xf32, #tpu.memory_space<hbm>>
    %dma_wait3A_155 = arith.constant 0 : i32
    %dma_wait3A_156 = tpu.memref_slice %arg4[%add3A_133, %dma_wait3A_155] : memref<32768x256xf32, #tpu.memory_space<hbm>> -> memref<128x256xf32, #tpu.memory_space<hbm>>
    tpu.wait_dma2 semaphore(%arg12 : memref<!tpu.dma_semaphore, #tpu.memory_space<semaphore_mem>>) src(%arg6 : memref<128x256xf32, #tpu.memory_space<vmem>>) dst(%dma_wait3A_156 : memref<128x256xf32, #tpu.memory_space<hbm>>)
    %dma_wait3A_157 = arith.constant 0 : i32
    %dma_wait3A_158 = tpu.memref_slice %arg4[%add3A_144, %dma_wait3A_157] : memref<32768x256xf32, #tpu.memory_space<hbm>> -> memref<128x256xf32, #tpu.memory_space<hbm>>
    %dma_wait3A_159 = arith.constant 0 : i32
    %dma_wait3A_160 = tpu.memref_slice %arg4[%add3A_144, %dma_wait3A_159] : memref<32768x256xf32, #tpu.memory_space<hbm>> -> memref<128x256xf32, #tpu.memory_space<hbm>>
    tpu.wait_dma2 semaphore(%arg13 : memref<!tpu.dma_semaphore, #tpu.memory_space<semaphore_mem>>) src(%arg7 : memref<128x256xf32, #tpu.memory_space<vmem>>) dst(%dma_wait3A_160 : memref<128x256xf32, #tpu.memory_space<hbm>>)
    return
  }
}

module attributes {stable_mosaic.version = 14 : i64} {
  func.func @_stage_a_body(%arg0: i32, %arg1: memref<4x512x256xf32, #tpu.memory_space<vmem>>, %arg2: memref<768x256xf32, #tpu.memory_space<vmem>>, %arg3: memref<1x256xf32, #tpu.memory_space<vmem>>, %arg4: memref<1x256xf32, #tpu.memory_space<vmem>>, %arg5: memref<1x256xf32, #tpu.memory_space<vmem>>, %arg6: memref<768x256xf32, #tpu.memory_space<vmem>>, %arg7: memref<1x256xf32, #tpu.memory_space<vmem>>, %arg8: memref<1x256xf32, #tpu.memory_space<vmem>>, %arg9: memref<1x256xf32, #tpu.memory_space<vmem>>, %arg10: memref<1x256xf32, #tpu.memory_space<vmem>>, %arg11: memref<1x1xf32, #tpu.memory_space<vmem>>, %arg12: memref<4x1x512xf32, #tpu.memory_space<vmem>>) attributes {dimension_semantics = [#tpu.dimension_semantics<arbitrary>], iteration_bounds = array<i64: 4>, scalar_prefetch = 0 : i64, scratch_operands = 0 : i64, tpu.core_type = #tpu.core_type<tc>, window_params = [{transform_indices = @transform_0, window_bounds = array<i64: 4, 512, 256>}, {pipeline_mode = #tpu.pipeline_mode<synchronous>, transform_indices = @transform_1, window_bounds = array<i64: 768, 256>}, {pipeline_mode = #tpu.pipeline_mode<synchronous>, transform_indices = @transform_2, window_bounds = array<i64: 1, 256>}, {pipeline_mode = #tpu.pipeline_mode<synchronous>, transform_indices = @transform_3, window_bounds = array<i64: 1, 256>}, {pipeline_mode = #tpu.pipeline_mode<synchronous>, transform_indices = @transform_4, window_bounds = array<i64: 1, 256>}, {pipeline_mode = #tpu.pipeline_mode<synchronous>, transform_indices = @transform_5, window_bounds = array<i64: 768, 256>}, {pipeline_mode = #tpu.pipeline_mode<synchronous>, transform_indices = @transform_6, window_bounds = array<i64: 1, 256>}, {pipeline_mode = #tpu.pipeline_mode<synchronous>, transform_indices = @transform_7, window_bounds = array<i64: 1, 256>}, {pipeline_mode = #tpu.pipeline_mode<synchronous>, transform_indices = @transform_8, window_bounds = array<i64: 1, 256>}, {pipeline_mode = #tpu.pipeline_mode<synchronous>, transform_indices = @transform_9, window_bounds = array<i64: 1, 256>}, {pipeline_mode = #tpu.pipeline_mode<synchronous>, transform_indices = @transform_10, window_bounds = array<i64: 1, 1>}, {transform_indices = @transform_11, window_bounds = array<i64: 4, 1, 512>}]} {
    %get3A = arith.constant 0 : index
    %get3A_0 = arith.constant 0 : index
    %get3A_1 = arith.constant 0 : index
    %get3A_2 = vector.load %arg1[%get3A, %get3A_0, %get3A_1] : memref<4x512x256xf32, #tpu.memory_space<vmem>>, vector<1x512x256xf32>
    %get3A_3 = vector.shape_cast %get3A_2 : vector<1x512x256xf32> to vector<512x256xf32>
    %get3A_4 = arith.constant 0 : index
    %get3A_5 = arith.constant 0 : index
    %get3A_6 = vector.load %arg2[%get3A_4, %get3A_5] : memref<768x256xf32, #tpu.memory_space<vmem>>, vector<256x256xf32>
    %dot_general3A = arith.constant dense<0.000000e+00> : vector<512x256xf32>
    %dot_general3A_7 = tpu.matmul %get3A_3, %get3A_6, %dot_general3A {dimension_numbers = #tpu.dot_dimension_numbers<[1], [0], [0], [1], [0, 0, 1, 1], [], []>, transpose_lhs_hint = false} : vector<512x256xf32>, vector<256x256xf32>, vector<512x256xf32> -> vector<512x256xf32>
    %get3A_8 = arith.constant 256 : index
    %get3A_9 = arith.constant 0 : index
    %get3A_10 = vector.load %arg2[%get3A_8, %get3A_9] : memref<768x256xf32, #tpu.memory_space<vmem>>, vector<256x256xf32>
    %dot_general3A_11 = arith.constant dense<0.000000e+00> : vector<512x256xf32>
    %dot_general3A_12 = tpu.matmul %get3A_3, %get3A_10, %dot_general3A_11 {dimension_numbers = #tpu.dot_dimension_numbers<[1], [0], [0], [1], [0, 0, 1, 1], [], []>, transpose_lhs_hint = false} : vector<512x256xf32>, vector<256x256xf32>, vector<512x256xf32> -> vector<512x256xf32>
    %get3A_13 = arith.constant 512 : index
    %get3A_14 = arith.constant 0 : index
    %get3A_15 = vector.load %arg2[%get3A_13, %get3A_14] : memref<768x256xf32, #tpu.memory_space<vmem>>, vector<256x256xf32>
    %dot_general3A_16 = arith.constant dense<0.000000e+00> : vector<512x256xf32>
    %dot_general3A_17 = tpu.matmul %get3A_3, %get3A_15, %dot_general3A_16 {dimension_numbers = #tpu.dot_dimension_numbers<[1], [0], [0], [1], [0, 0, 1, 1], [], []>, transpose_lhs_hint = false} : vector<512x256xf32>, vector<256x256xf32>, vector<512x256xf32> -> vector<512x256xf32>
    %broadcast_in_dim3A = arith.constant 0.000000e+00 : f32
    %broadcast_in_dim3A_18 = vector.broadcast %broadcast_in_dim3A : f32 to vector<1x256xf32>
    %slice3A = vector.extract_strided_slice %dot_general3A_7 {offsets = [0, 0], sizes = [511, 256], strides = [1, 1]} : vector<512x256xf32> to vector<511x256xf32>
    %concatenate3A = tpu.concatenate %broadcast_in_dim3A_18, %slice3A in 0 : vector<1x256xf32>, vector<511x256xf32> -> vector<512x256xf32>
    %add3A = arith.addf %dot_general3A_12, %concatenate3A : vector<512x256xf32>
    %slice3A_19 = vector.extract_strided_slice %dot_general3A_17 {offsets = [1, 0], sizes = [511, 256], strides = [1, 1]} : vector<512x256xf32> to vector<511x256xf32>
    %concatenate3A_20 = tpu.concatenate %slice3A_19, %broadcast_in_dim3A_18 in 0 : vector<511x256xf32>, vector<1x256xf32> -> vector<512x256xf32>
    %add3A_21 = arith.addf %add3A, %concatenate3A_20 : vector<512x256xf32>
    %get3A_22 = arith.constant 0 : index
    %get3A_23 = arith.constant 0 : index
    %get3A_24 = vector.load %arg3[%get3A_22, %get3A_23] : memref<1x256xf32, #tpu.memory_space<vmem>>, vector<1x256xf32>
    %add3A_25 = vector.broadcast %get3A_24 : vector<1x256xf32> to vector<512x256xf32>
    %add3A_26 = arith.addf %add3A_21, %add3A_25 : vector<512x256xf32>
    %max3A = arith.constant 0.000000e+00 : f32
    %max3A_27 = vector.broadcast %max3A : f32 to vector<512x256xf32>
    %max3A_28 = arith.maximumf %add3A_26, %max3A_27 : vector<512x256xf32>
    %reduce_sum3A = arith.constant dense<0.000000e+00> : vector<512xf32>
    %reduce_sum3A_29 = vector.multi_reduction <add>, %max3A_28, %reduce_sum3A [1] : vector<512x256xf32> to vector<512xf32>
    %broadcast_in_dim3A_30 = vector.shape_cast %reduce_sum3A_29 : vector<512xf32> to vector<512x1xf32>
    %div3A = arith.constant 2.560000e+02 : f32
    %div3A_31 = vector.broadcast %div3A : f32 to vector<512x1xf32>
    %div3A_32 = arith.divf %broadcast_in_dim3A_30, %div3A_31 : vector<512x1xf32>
    %sub3A = vector.broadcast %div3A_32 : vector<512x1xf32> to vector<512x256xf32>
    %sub3A_33 = arith.subf %max3A_28, %sub3A : vector<512x256xf32>
    %integer_pow3A = arith.mulf %sub3A_33, %sub3A_33 : vector<512x256xf32>
    %reduce_sum3A_34 = arith.constant dense<0.000000e+00> : vector<512xf32>
    %reduce_sum3A_35 = vector.multi_reduction <add>, %integer_pow3A, %reduce_sum3A_34 [1] : vector<512x256xf32> to vector<512xf32>
    %broadcast_in_dim3A_36 = vector.shape_cast %reduce_sum3A_35 : vector<512xf32> to vector<512x1xf32>
    %div3A_37 = arith.constant 2.560000e+02 : f32
    %div3A_38 = vector.broadcast %div3A_37 : f32 to vector<512x1xf32>
    %div3A_39 = arith.divf %broadcast_in_dim3A_36, %div3A_38 : vector<512x1xf32>
    %sub3A_40 = vector.broadcast %div3A_32 : vector<512x1xf32> to vector<512x256xf32>
    %sub3A_41 = arith.subf %max3A_28, %sub3A_40 : vector<512x256xf32>
    %add3A_42 = arith.constant 9.99999974E-6 : f32
    %add3A_43 = vector.broadcast %add3A_42 : f32 to vector<512x1xf32>
    %add3A_44 = arith.addf %div3A_39, %add3A_43 : vector<512x1xf32>
    %rsqrt3A = math.rsqrt %add3A_44 : vector<512x1xf32>
    %mul3A = vector.broadcast %rsqrt3A : vector<512x1xf32> to vector<512x256xf32>
    %mul3A_45 = arith.mulf %sub3A_41, %mul3A : vector<512x256xf32>
    %get3A_46 = arith.constant 0 : index
    %get3A_47 = arith.constant 0 : index
    %get3A_48 = vector.load %arg4[%get3A_46, %get3A_47] : memref<1x256xf32, #tpu.memory_space<vmem>>, vector<1x256xf32>
    %mul3A_49 = vector.broadcast %get3A_48 : vector<1x256xf32> to vector<512x256xf32>
    %mul3A_50 = arith.mulf %mul3A_45, %mul3A_49 : vector<512x256xf32>
    %get3A_51 = arith.constant 0 : index
    %get3A_52 = arith.constant 0 : index
    %get3A_53 = vector.load %arg5[%get3A_51, %get3A_52] : memref<1x256xf32, #tpu.memory_space<vmem>>, vector<1x256xf32>
    %add3A_54 = vector.broadcast %get3A_53 : vector<1x256xf32> to vector<512x256xf32>
    %add3A_55 = arith.addf %mul3A_50, %add3A_54 : vector<512x256xf32>
    %get3A_56 = arith.constant 0 : index
    %get3A_57 = arith.constant 0 : index
    %get3A_58 = vector.load %arg6[%get3A_56, %get3A_57] : memref<768x256xf32, #tpu.memory_space<vmem>>, vector<256x256xf32>
    %dot_general3A_59 = arith.constant dense<0.000000e+00> : vector<512x256xf32>
    %dot_general3A_60 = tpu.matmul %add3A_55, %get3A_58, %dot_general3A_59 {dimension_numbers = #tpu.dot_dimension_numbers<[1], [0], [0], [1], [0, 0, 1, 1], [], []>, transpose_lhs_hint = false} : vector<512x256xf32>, vector<256x256xf32>, vector<512x256xf32> -> vector<512x256xf32>
    %get3A_61 = arith.constant 256 : index
    %get3A_62 = arith.constant 0 : index
    %get3A_63 = vector.load %arg6[%get3A_61, %get3A_62] : memref<768x256xf32, #tpu.memory_space<vmem>>, vector<256x256xf32>
    %dot_general3A_64 = arith.constant dense<0.000000e+00> : vector<512x256xf32>
    %dot_general3A_65 = tpu.matmul %add3A_55, %get3A_63, %dot_general3A_64 {dimension_numbers = #tpu.dot_dimension_numbers<[1], [0], [0], [1], [0, 0, 1, 1], [], []>, transpose_lhs_hint = false} : vector<512x256xf32>, vector<256x256xf32>, vector<512x256xf32> -> vector<512x256xf32>
    %get3A_66 = arith.constant 512 : index
    %get3A_67 = arith.constant 0 : index
    %get3A_68 = vector.load %arg6[%get3A_66, %get3A_67] : memref<768x256xf32, #tpu.memory_space<vmem>>, vector<256x256xf32>
    %dot_general3A_69 = arith.constant dense<0.000000e+00> : vector<512x256xf32>
    %dot_general3A_70 = tpu.matmul %add3A_55, %get3A_68, %dot_general3A_69 {dimension_numbers = #tpu.dot_dimension_numbers<[1], [0], [0], [1], [0, 0, 1, 1], [], []>, transpose_lhs_hint = false} : vector<512x256xf32>, vector<256x256xf32>, vector<512x256xf32> -> vector<512x256xf32>
    %broadcast_in_dim3A_71 = arith.constant 0.000000e+00 : f32
    %broadcast_in_dim3A_72 = vector.broadcast %broadcast_in_dim3A_71 : f32 to vector<1x256xf32>
    %slice3A_73 = vector.extract_strided_slice %dot_general3A_60 {offsets = [0, 0], sizes = [511, 256], strides = [1, 1]} : vector<512x256xf32> to vector<511x256xf32>
    %concatenate3A_74 = tpu.concatenate %broadcast_in_dim3A_72, %slice3A_73 in 0 : vector<1x256xf32>, vector<511x256xf32> -> vector<512x256xf32>
    %add3A_75 = arith.addf %dot_general3A_65, %concatenate3A_74 : vector<512x256xf32>
    %slice3A_76 = vector.extract_strided_slice %dot_general3A_70 {offsets = [1, 0], sizes = [511, 256], strides = [1, 1]} : vector<512x256xf32> to vector<511x256xf32>
    %concatenate3A_77 = tpu.concatenate %slice3A_76, %broadcast_in_dim3A_72 in 0 : vector<511x256xf32>, vector<1x256xf32> -> vector<512x256xf32>
    %add3A_78 = arith.addf %add3A_75, %concatenate3A_77 : vector<512x256xf32>
    %get3A_79 = arith.constant 0 : index
    %get3A_80 = arith.constant 0 : index
    %get3A_81 = vector.load %arg7[%get3A_79, %get3A_80] : memref<1x256xf32, #tpu.memory_space<vmem>>, vector<1x256xf32>
    %add3A_82 = vector.broadcast %get3A_81 : vector<1x256xf32> to vector<512x256xf32>
    %add3A_83 = arith.addf %add3A_78, %add3A_82 : vector<512x256xf32>
    %max3A_84 = arith.constant 0.000000e+00 : f32
    %max3A_85 = vector.broadcast %max3A_84 : f32 to vector<512x256xf32>
    %max3A_86 = arith.maximumf %add3A_83, %max3A_85 : vector<512x256xf32>
    %reduce_sum3A_87 = arith.constant dense<0.000000e+00> : vector<512xf32>
    %reduce_sum3A_88 = vector.multi_reduction <add>, %max3A_86, %reduce_sum3A_87 [1] : vector<512x256xf32> to vector<512xf32>
    %broadcast_in_dim3A_89 = vector.shape_cast %reduce_sum3A_88 : vector<512xf32> to vector<512x1xf32>
    %div3A_90 = arith.constant 2.560000e+02 : f32
    %div3A_91 = vector.broadcast %div3A_90 : f32 to vector<512x1xf32>
    %div3A_92 = arith.divf %broadcast_in_dim3A_89, %div3A_91 : vector<512x1xf32>
    %sub3A_93 = vector.broadcast %div3A_92 : vector<512x1xf32> to vector<512x256xf32>
    %sub3A_94 = arith.subf %max3A_86, %sub3A_93 : vector<512x256xf32>
    %integer_pow3A_95 = arith.mulf %sub3A_94, %sub3A_94 : vector<512x256xf32>
    %reduce_sum3A_96 = arith.constant dense<0.000000e+00> : vector<512xf32>
    %reduce_sum3A_97 = vector.multi_reduction <add>, %integer_pow3A_95, %reduce_sum3A_96 [1] : vector<512x256xf32> to vector<512xf32>
    %broadcast_in_dim3A_98 = vector.shape_cast %reduce_sum3A_97 : vector<512xf32> to vector<512x1xf32>
    %div3A_99 = arith.constant 2.560000e+02 : f32
    %div3A_100 = vector.broadcast %div3A_99 : f32 to vector<512x1xf32>
    %div3A_101 = arith.divf %broadcast_in_dim3A_98, %div3A_100 : vector<512x1xf32>
    %sub3A_102 = vector.broadcast %div3A_92 : vector<512x1xf32> to vector<512x256xf32>
    %sub3A_103 = arith.subf %max3A_86, %sub3A_102 : vector<512x256xf32>
    %add3A_104 = arith.constant 9.99999974E-6 : f32
    %add3A_105 = vector.broadcast %add3A_104 : f32 to vector<512x1xf32>
    %add3A_106 = arith.addf %div3A_101, %add3A_105 : vector<512x1xf32>
    %rsqrt3A_107 = math.rsqrt %add3A_106 : vector<512x1xf32>
    %mul3A_108 = vector.broadcast %rsqrt3A_107 : vector<512x1xf32> to vector<512x256xf32>
    %mul3A_109 = arith.mulf %sub3A_103, %mul3A_108 : vector<512x256xf32>
    %get3A_110 = arith.constant 0 : index
    %get3A_111 = arith.constant 0 : index
    %get3A_112 = vector.load %arg8[%get3A_110, %get3A_111] : memref<1x256xf32, #tpu.memory_space<vmem>>, vector<1x256xf32>
    %mul3A_113 = vector.broadcast %get3A_112 : vector<1x256xf32> to vector<512x256xf32>
    %mul3A_114 = arith.mulf %mul3A_109, %mul3A_113 : vector<512x256xf32>
    %get3A_115 = arith.constant 0 : index
    %get3A_116 = arith.constant 0 : index
    %get3A_117 = vector.load %arg9[%get3A_115, %get3A_116] : memref<1x256xf32, #tpu.memory_space<vmem>>, vector<1x256xf32>
    %add3A_118 = vector.broadcast %get3A_117 : vector<1x256xf32> to vector<512x256xf32>
    %add3A_119 = arith.addf %mul3A_114, %add3A_118 : vector<512x256xf32>
    %get3A_120 = arith.constant 0 : index
    %get3A_121 = arith.constant 0 : index
    %get3A_122 = vector.load %arg10[%get3A_120, %get3A_121] : memref<1x256xf32, #tpu.memory_space<vmem>>, vector<1x256xf32>
    %mul3A_123 = vector.broadcast %get3A_122 : vector<1x256xf32> to vector<512x256xf32>
    %mul3A_124 = arith.mulf %add3A_119, %mul3A_123 : vector<512x256xf32>
    %reduce_sum3A_125 = arith.constant dense<0.000000e+00> : vector<512xf32>
    %reduce_sum3A_126 = vector.multi_reduction <add>, %mul3A_124, %reduce_sum3A_125 [1] : vector<512x256xf32> to vector<512xf32>
    %broadcast_in_dim3A_127 = vector.shape_cast %reduce_sum3A_126 : vector<512xf32> to vector<512x1xf32>
    %get3A_128 = arith.constant 0 : index
    %get3A_129 = arith.constant 0 : index
    %get3A_130 = vector.load %arg11[%get3A_128, %get3A_129] : memref<1x1xf32, #tpu.memory_space<vmem>>, vector<1x1xf32>
    %get3A_131 = vector.extract %get3A_130[0, 0] : f32 from vector<1x1xf32>
    %add3A_132 = vector.broadcast %get3A_131 : f32 to vector<512x1xf32>
    %add3A_133 = arith.addf %broadcast_in_dim3A_127, %add3A_132 : vector<512x1xf32>
    %max3A_134 = arith.constant 9.99999993E-9 : f32
    %max3A_135 = vector.broadcast %max3A_134 : f32 to vector<512x1xf32>
    %max3A_136 = arith.maximumf %add3A_133, %max3A_135 : vector<512x1xf32>
    %transpose3A = tpu.transpose %max3A_136, [1, 0] : vector<512x1xf32> -> vector<1x512xf32>
    %swap3A = arith.constant 0 : index
    %swap3A_137 = arith.constant 0 : index
    %swap3A_138 = arith.constant 0 : index
    %swap3A_139 = vector.load %arg12[%swap3A, %swap3A_137, %swap3A_138] : memref<4x1x512xf32, #tpu.memory_space<vmem>>, vector<1x1x512xf32>
    %swap3A_140 = vector.shape_cast %swap3A_139 : vector<1x1x512xf32> to vector<1x512xf32>
    %swap3A_141 = vector.shape_cast %transpose3A : vector<1x512xf32> to vector<1x1x512xf32>
    tpu.vector_store %arg12[%swap3A, %swap3A_137, %swap3A_138], %swap3A_141 {strides = array<i32>} : memref<4x1x512xf32, #tpu.memory_space<vmem>>, vector<1x1x512xf32>,
    %get3A_142 = arith.constant 1 : index
    %get3A_143 = arith.constant 0 : index
    %get3A_144 = arith.constant 0 : index
    %get3A_145 = vector.load %arg1[%get3A_142, %get3A_143, %get3A_144] : memref<4x512x256xf32, #tpu.memory_space<vmem>>, vector<1x512x256xf32>
    %get3A_146 = vector.shape_cast %get3A_145 : vector<1x512x256xf32> to vector<512x256xf32>
    %get3A_147 = arith.constant 0 : index
    %get3A_148 = arith.constant 0 : index
    %get3A_149 = vector.load %arg2[%get3A_147, %get3A_148] : memref<768x256xf32, #tpu.memory_space<vmem>>, vector<256x256xf32>
    %dot_general3A_150 = arith.constant dense<0.000000e+00> : vector<512x256xf32>
    %dot_general3A_151 = tpu.matmul %get3A_146, %get3A_149, %dot_general3A_150 {dimension_numbers = #tpu.dot_dimension_numbers<[1], [0], [0], [1], [0, 0, 1, 1], [], []>, transpose_lhs_hint = false} : vector<512x256xf32>, vector<256x256xf32>, vector<512x256xf32> -> vector<512x256xf32>
    %get3A_152 = arith.constant 256 : index
    %get3A_153 = arith.constant 0 : index
    %get3A_154 = vector.load %arg2[%get3A_152, %get3A_153] : memref<768x256xf32, #tpu.memory_space<vmem>>, vector<256x256xf32>
    %dot_general3A_155 = arith.constant dense<0.000000e+00> : vector<512x256xf32>
    %dot_general3A_156 = tpu.matmul %get3A_146, %get3A_154, %dot_general3A_155 {dimension_numbers = #tpu.dot_dimension_numbers<[1], [0], [0], [1], [0, 0, 1, 1], [], []>, transpose_lhs_hint = false} : vector<512x256xf32>, vector<256x256xf32>, vector<512x256xf32> -> vector<512x256xf32>
    %get3A_157 = arith.constant 512 : index
    %get3A_158 = arith.constant 0 : index
    %get3A_159 = vector.load %arg2[%get3A_157, %get3A_158] : memref<768x256xf32, #tpu.memory_space<vmem>>, vector<256x256xf32>
    %dot_general3A_160 = arith.constant dense<0.000000e+00> : vector<512x256xf32>
    %dot_general3A_161 = tpu.matmul %get3A_146, %get3A_159, %dot_general3A_160 {dimension_numbers = #tpu.dot_dimension_numbers<[1], [0], [0], [1], [0, 0, 1, 1], [], []>, transpose_lhs_hint = false} : vector<512x256xf32>, vector<256x256xf32>, vector<512x256xf32> -> vector<512x256xf32>
    %broadcast_in_dim3A_162 = arith.constant 0.000000e+00 : f32
    %broadcast_in_dim3A_163 = vector.broadcast %broadcast_in_dim3A_162 : f32 to vector<1x256xf32>
    %slice3A_164 = vector.extract_strided_slice %dot_general3A_151 {offsets = [0, 0], sizes = [511, 256], strides = [1, 1]} : vector<512x256xf32> to vector<511x256xf32>
    %concatenate3A_165 = tpu.concatenate %broadcast_in_dim3A_163, %slice3A_164 in 0 : vector<1x256xf32>, vector<511x256xf32> -> vector<512x256xf32>
    %add3A_166 = arith.addf %dot_general3A_156, %concatenate3A_165 : vector<512x256xf32>
    %slice3A_167 = vector.extract_strided_slice %dot_general3A_161 {offsets = [1, 0], sizes = [511, 256], strides = [1, 1]} : vector<512x256xf32> to vector<511x256xf32>
    %concatenate3A_168 = tpu.concatenate %slice3A_167, %broadcast_in_dim3A_163 in 0 : vector<511x256xf32>, vector<1x256xf32> -> vector<512x256xf32>
    %add3A_169 = arith.addf %add3A_166, %concatenate3A_168 : vector<512x256xf32>
    %get3A_170 = arith.constant 0 : index
    %get3A_171 = arith.constant 0 : index
    %get3A_172 = vector.load %arg3[%get3A_170, %get3A_171] : memref<1x256xf32, #tpu.memory_space<vmem>>, vector<1x256xf32>
    %add3A_173 = vector.broadcast %get3A_172 : vector<1x256xf32> to vector<512x256xf32>
    %add3A_174 = arith.addf %add3A_169, %add3A_173 : vector<512x256xf32>
    %max3A_175 = arith.constant 0.000000e+00 : f32
    %max3A_176 = vector.broadcast %max3A_175 : f32 to vector<512x256xf32>
    %max3A_177 = arith.maximumf %add3A_174, %max3A_176 : vector<512x256xf32>
    %reduce_sum3A_178 = arith.constant dense<0.000000e+00> : vector<512xf32>
    %reduce_sum3A_179 = vector.multi_reduction <add>, %max3A_177, %reduce_sum3A_178 [1] : vector<512x256xf32> to vector<512xf32>
    %broadcast_in_dim3A_180 = vector.shape_cast %reduce_sum3A_179 : vector<512xf32> to vector<512x1xf32>
    %div3A_181 = arith.constant 2.560000e+02 : f32
    %div3A_182 = vector.broadcast %div3A_181 : f32 to vector<512x1xf32>
    %div3A_183 = arith.divf %broadcast_in_dim3A_180, %div3A_182 : vector<512x1xf32>
    %sub3A_184 = vector.broadcast %div3A_183 : vector<512x1xf32> to vector<512x256xf32>
    %sub3A_185 = arith.subf %max3A_177, %sub3A_184 : vector<512x256xf32>
    %integer_pow3A_186 = arith.mulf %sub3A_185, %sub3A_185 : vector<512x256xf32>
    %reduce_sum3A_187 = arith.constant dense<0.000000e+00> : vector<512xf32>
    %reduce_sum3A_188 = vector.multi_reduction <add>, %integer_pow3A_186, %reduce_sum3A_187 [1] : vector<512x256xf32> to vector<512xf32>
    %broadcast_in_dim3A_189 = vector.shape_cast %reduce_sum3A_188 : vector<512xf32> to vector<512x1xf32>
    %div3A_190 = arith.constant 2.560000e+02 : f32
    %div3A_191 = vector.broadcast %div3A_190 : f32 to vector<512x1xf32>
    %div3A_192 = arith.divf %broadcast_in_dim3A_189, %div3A_191 : vector<512x1xf32>
    %sub3A_193 = vector.broadcast %div3A_183 : vector<512x1xf32> to vector<512x256xf32>
    %sub3A_194 = arith.subf %max3A_177, %sub3A_193 : vector<512x256xf32>
    %add3A_195 = arith.constant 9.99999974E-6 : f32
    %add3A_196 = vector.broadcast %add3A_195 : f32 to vector<512x1xf32>
    %add3A_197 = arith.addf %div3A_192, %add3A_196 : vector<512x1xf32>
    %rsqrt3A_198 = math.rsqrt %add3A_197 : vector<512x1xf32>
    %mul3A_199 = vector.broadcast %rsqrt3A_198 : vector<512x1xf32> to vector<512x256xf32>
    %mul3A_200 = arith.mulf %sub3A_194, %mul3A_199 : vector<512x256xf32>
    %get3A_201 = arith.constant 0 : index
    %get3A_202 = arith.constant 0 : index
    %get3A_203 = vector.load %arg4[%get3A_201, %get3A_202] : memref<1x256xf32, #tpu.memory_space<vmem>>, vector<1x256xf32>
    %mul3A_204 = vector.broadcast %get3A_203 : vector<1x256xf32> to vector<512x256xf32>
    %mul3A_205 = arith.mulf %mul3A_200, %mul3A_204 : vector<512x256xf32>
    %get3A_206 = arith.constant 0 : index
    %get3A_207 = arith.constant 0 : index
    %get3A_208 = vector.load %arg5[%get3A_206, %get3A_207] : memref<1x256xf32, #tpu.memory_space<vmem>>, vector<1x256xf32>
    %add3A_209 = vector.broadcast %get3A_208 : vector<1x256xf32> to vector<512x256xf32>
    %add3A_210 = arith.addf %mul3A_205, %add3A_209 : vector<512x256xf32>
    %get3A_211 = arith.constant 0 : index
    %get3A_212 = arith.constant 0 : index
    %get3A_213 = vector.load %arg6[%get3A_211, %get3A_212] : memref<768x256xf32, #tpu.memory_space<vmem>>, vector<256x256xf32>
    %dot_general3A_214 = arith.constant dense<0.000000e+00> : vector<512x256xf32>
    %dot_general3A_215 = tpu.matmul %add3A_210, %get3A_213, %dot_general3A_214 {dimension_numbers = #tpu.dot_dimension_numbers<[1], [0], [0], [1], [0, 0, 1, 1], [], []>, transpose_lhs_hint = false} : vector<512x256xf32>, vector<256x256xf32>, vector<512x256xf32> -> vector<512x256xf32>
    %get3A_216 = arith.constant 256 : index
    %get3A_217 = arith.constant 0 : index
    %get3A_218 = vector.load %arg6[%get3A_216, %get3A_217] : memref<768x256xf32, #tpu.memory_space<vmem>>, vector<256x256xf32>
    %dot_general3A_219 = arith.constant dense<0.000000e+00> : vector<512x256xf32>
    %dot_general3A_220 = tpu.matmul %add3A_210, %get3A_218, %dot_general3A_219 {dimension_numbers = #tpu.dot_dimension_numbers<[1], [0], [0], [1], [0, 0, 1, 1], [], []>, transpose_lhs_hint = false} : vector<512x256xf32>, vector<256x256xf32>, vector<512x256xf32> -> vector<512x256xf32>
    %get3A_221 = arith.constant 512 : index
    %get3A_222 = arith.constant 0 : index
    %get3A_223 = vector.load %arg6[%get3A_221, %get3A_222] : memref<768x256xf32, #tpu.memory_space<vmem>>, vector<256x256xf32>
    %dot_general3A_224 = arith.constant dense<0.000000e+00> : vector<512x256xf32>
    %dot_general3A_225 = tpu.matmul %add3A_210, %get3A_223, %dot_general3A_224 {dimension_numbers = #tpu.dot_dimension_numbers<[1], [0], [0], [1], [0, 0, 1, 1], [], []>, transpose_lhs_hint = false} : vector<512x256xf32>, vector<256x256xf32>, vector<512x256xf32> -> vector<512x256xf32>
    %broadcast_in_dim3A_226 = arith.constant 0.000000e+00 : f32
    %broadcast_in_dim3A_227 = vector.broadcast %broadcast_in_dim3A_226 : f32 to vector<1x256xf32>
    %slice3A_228 = vector.extract_strided_slice %dot_general3A_215 {offsets = [0, 0], sizes = [511, 256], strides = [1, 1]} : vector<512x256xf32> to vector<511x256xf32>
    %concatenate3A_229 = tpu.concatenate %broadcast_in_dim3A_227, %slice3A_228 in 0 : vector<1x256xf32>, vector<511x256xf32> -> vector<512x256xf32>
    %add3A_230 = arith.addf %dot_general3A_220, %concatenate3A_229 : vector<512x256xf32>
    %slice3A_231 = vector.extract_strided_slice %dot_general3A_225 {offsets = [1, 0], sizes = [511, 256], strides = [1, 1]} : vector<512x256xf32> to vector<511x256xf32>
    %concatenate3A_232 = tpu.concatenate %slice3A_231, %broadcast_in_dim3A_227 in 0 : vector<511x256xf32>, vector<1x256xf32> -> vector<512x256xf32>
    %add3A_233 = arith.addf %add3A_230, %concatenate3A_232 : vector<512x256xf32>
    %get3A_234 = arith.constant 0 : index
    %get3A_235 = arith.constant 0 : index
    %get3A_236 = vector.load %arg7[%get3A_234, %get3A_235] : memref<1x256xf32, #tpu.memory_space<vmem>>, vector<1x256xf32>
    %add3A_237 = vector.broadcast %get3A_236 : vector<1x256xf32> to vector<512x256xf32>
    %add3A_238 = arith.addf %add3A_233, %add3A_237 : vector<512x256xf32>
    %max3A_239 = arith.constant 0.000000e+00 : f32
    %max3A_240 = vector.broadcast %max3A_239 : f32 to vector<512x256xf32>
    %max3A_241 = arith.maximumf %add3A_238, %max3A_240 : vector<512x256xf32>
    %reduce_sum3A_242 = arith.constant dense<0.000000e+00> : vector<512xf32>
    %reduce_sum3A_243 = vector.multi_reduction <add>, %max3A_241, %reduce_sum3A_242 [1] : vector<512x256xf32> to vector<512xf32>
    %broadcast_in_dim3A_244 = vector.shape_cast %reduce_sum3A_243 : vector<512xf32> to vector<512x1xf32>
    %div3A_245 = arith.constant 2.560000e+02 : f32
    %div3A_246 = vector.broadcast %div3A_245 : f32 to vector<512x1xf32>
    %div3A_247 = arith.divf %broadcast_in_dim3A_244, %div3A_246 : vector<512x1xf32>
    %sub3A_248 = vector.broadcast %div3A_247 : vector<512x1xf32> to vector<512x256xf32>
    %sub3A_249 = arith.subf %max3A_241, %sub3A_248 : vector<512x256xf32>
    %integer_pow3A_250 = arith.mulf %sub3A_249, %sub3A_249 : vector<512x256xf32>
    %reduce_sum3A_251 = arith.constant dense<0.000000e+00> : vector<512xf32>
    %reduce_sum3A_252 = vector.multi_reduction <add>, %integer_pow3A_250, %reduce_sum3A_251 [1] : vector<512x256xf32> to vector<512xf32>
    %broadcast_in_dim3A_253 = vector.shape_cast %reduce_sum3A_252 : vector<512xf32> to vector<512x1xf32>
    %div3A_254 = arith.constant 2.560000e+02 : f32
    %div3A_255 = vector.broadcast %div3A_254 : f32 to vector<512x1xf32>
    %div3A_256 = arith.divf %broadcast_in_dim3A_253, %div3A_255 : vector<512x1xf32>
    %sub3A_257 = vector.broadcast %div3A_247 : vector<512x1xf32> to vector<512x256xf32>
    %sub3A_258 = arith.subf %max3A_241, %sub3A_257 : vector<512x256xf32>
    %add3A_259 = arith.constant 9.99999974E-6 : f32
    %add3A_260 = vector.broadcast %add3A_259 : f32 to vector<512x1xf32>
    %add3A_261 = arith.addf %div3A_256, %add3A_260 : vector<512x1xf32>
    %rsqrt3A_262 = math.rsqrt %add3A_261 : vector<512x1xf32>
    %mul3A_263 = vector.broadcast %rsqrt3A_262 : vector<512x1xf32> to vector<512x256xf32>
    %mul3A_264 = arith.mulf %sub3A_258, %mul3A_263 : vector<512x256xf32>
    %get3A_265 = arith.constant 0 : index
    %get3A_266 = arith.constant 0 : index
    %get3A_267 = vector.load %arg8[%get3A_265, %get3A_266] : memref<1x256xf32, #tpu.memory_space<vmem>>, vector<1x256xf32>
    %mul3A_268 = vector.broadcast %get3A_267 : vector<1x256xf32> to vector<512x256xf32>
    %mul3A_269 = arith.mulf %mul3A_264, %mul3A_268 : vector<512x256xf32>
    %get3A_270 = arith.constant 0 : index
    %get3A_271 = arith.constant 0 : index
    %get3A_272 = vector.load %arg9[%get3A_270, %get3A_271] : memref<1x256xf32, #tpu.memory_space<vmem>>, vector<1x256xf32>
    %add3A_273 = vector.broadcast %get3A_272 : vector<1x256xf32> to vector<512x256xf32>
    %add3A_274 = arith.addf %mul3A_269, %add3A_273 : vector<512x256xf32>
    %get3A_275 = arith.constant 0 : index
    %get3A_276 = arith.constant 0 : index
    %get3A_277 = vector.load %arg10[%get3A_275, %get3A_276] : memref<1x256xf32, #tpu.memory_space<vmem>>, vector<1x256xf32>
    %mul3A_278 = vector.broadcast %get3A_277 : vector<1x256xf32> to vector<512x256xf32>
    %mul3A_279 = arith.mulf %add3A_274, %mul3A_278 : vector<512x256xf32>
    %reduce_sum3A_280 = arith.constant dense<0.000000e+00> : vector<512xf32>
    %reduce_sum3A_281 = vector.multi_reduction <add>, %mul3A_279, %reduce_sum3A_280 [1] : vector<512x256xf32> to vector<512xf32>
    %broadcast_in_dim3A_282 = vector.shape_cast %reduce_sum3A_281 : vector<512xf32> to vector<512x1xf32>
    %get3A_283 = arith.constant 0 : index
    %get3A_284 = arith.constant 0 : index
    %get3A_285 = vector.load %arg11[%get3A_283, %get3A_284] : memref<1x1xf32, #tpu.memory_space<vmem>>, vector<1x1xf32>
    %get3A_286 = vector.extract %get3A_285[0, 0] : f32 from vector<1x1xf32>
    %add3A_287 = vector.broadcast %get3A_286 : f32 to vector<512x1xf32>
    %add3A_288 = arith.addf %broadcast_in_dim3A_282, %add3A_287 : vector<512x1xf32>
    %max3A_289 = arith.constant 9.99999993E-9 : f32
    %max3A_290 = vector.broadcast %max3A_289 : f32 to vector<512x1xf32>
    %max3A_291 = arith.maximumf %add3A_288, %max3A_290 : vector<512x1xf32>
    %transpose3A_292 = tpu.transpose %max3A_291, [1, 0] : vector<512x1xf32> -> vector<1x512xf32>
    %swap3A_293 = arith.constant 1 : index
    %swap3A_294 = arith.constant 0 : index
    %swap3A_295 = arith.constant 0 : index
    %swap3A_296 = vector.load %arg12[%swap3A_293, %swap3A_294, %swap3A_295] : memref<4x1x512xf32, #tpu.memory_space<vmem>>, vector<1x1x512xf32>
    %swap3A_297 = vector.shape_cast %swap3A_296 : vector<1x1x512xf32> to vector<1x512xf32>
    %swap3A_298 = vector.shape_cast %transpose3A_292 : vector<1x512xf32> to vector<1x1x512xf32>
    tpu.vector_store %arg12[%swap3A_293, %swap3A_294, %swap3A_295], %swap3A_298 {strides = array<i32>} : memref<4x1x512xf32, #tpu.memory_space<vmem>>, vector<1x1x512xf32>,
    %get3A_299 = arith.constant 2 : index
    %get3A_300 = arith.constant 0 : index
    %get3A_301 = arith.constant 0 : index
    %get3A_302 = vector.load %arg1[%get3A_299, %get3A_300, %get3A_301] : memref<4x512x256xf32, #tpu.memory_space<vmem>>, vector<1x512x256xf32>
    %get3A_303 = vector.shape_cast %get3A_302 : vector<1x512x256xf32> to vector<512x256xf32>
    %get3A_304 = arith.constant 0 : index
    %get3A_305 = arith.constant 0 : index
    %get3A_306 = vector.load %arg2[%get3A_304, %get3A_305] : memref<768x256xf32, #tpu.memory_space<vmem>>, vector<256x256xf32>
    %dot_general3A_307 = arith.constant dense<0.000000e+00> : vector<512x256xf32>
    %dot_general3A_308 = tpu.matmul %get3A_303, %get3A_306, %dot_general3A_307 {dimension_numbers = #tpu.dot_dimension_numbers<[1], [0], [0], [1], [0, 0, 1, 1], [], []>, transpose_lhs_hint = false} : vector<512x256xf32>, vector<256x256xf32>, vector<512x256xf32> -> vector<512x256xf32>
    %get3A_309 = arith.constant 256 : index
    %get3A_310 = arith.constant 0 : index
    %get3A_311 = vector.load %arg2[%get3A_309, %get3A_310] : memref<768x256xf32, #tpu.memory_space<vmem>>, vector<256x256xf32>
    %dot_general3A_312 = arith.constant dense<0.000000e+00> : vector<512x256xf32>
    %dot_general3A_313 = tpu.matmul %get3A_303, %get3A_311, %dot_general3A_312 {dimension_numbers = #tpu.dot_dimension_numbers<[1], [0], [0], [1], [0, 0, 1, 1], [], []>, transpose_lhs_hint = false} : vector<512x256xf32>, vector<256x256xf32>, vector<512x256xf32> -> vector<512x256xf32>
    %get3A_314 = arith.constant 512 : index
    %get3A_315 = arith.constant 0 : index
    %get3A_316 = vector.load %arg2[%get3A_314, %get3A_315] : memref<768x256xf32, #tpu.memory_space<vmem>>, vector<256x256xf32>
    %dot_general3A_317 = arith.constant dense<0.000000e+00> : vector<512x256xf32>
    %dot_general3A_318 = tpu.matmul %get3A_303, %get3A_316, %dot_general3A_317 {dimension_numbers = #tpu.dot_dimension_numbers<[1], [0], [0], [1], [0, 0, 1, 1], [], []>, transpose_lhs_hint = false} : vector<512x256xf32>, vector<256x256xf32>, vector<512x256xf32> -> vector<512x256xf32>
    %broadcast_in_dim3A_319 = arith.constant 0.000000e+00 : f32
    %broadcast_in_dim3A_320 = vector.broadcast %broadcast_in_dim3A_319 : f32 to vector<1x256xf32>
    %slice3A_321 = vector.extract_strided_slice %dot_general3A_308 {offsets = [0, 0], sizes = [511, 256], strides = [1, 1]} : vector<512x256xf32> to vector<511x256xf32>
    %concatenate3A_322 = tpu.concatenate %broadcast_in_dim3A_320, %slice3A_321 in 0 : vector<1x256xf32>, vector<511x256xf32> -> vector<512x256xf32>
    %add3A_323 = arith.addf %dot_general3A_313, %concatenate3A_322 : vector<512x256xf32>
    %slice3A_324 = vector.extract_strided_slice %dot_general3A_318 {offsets = [1, 0], sizes = [511, 256], strides = [1, 1]} : vector<512x256xf32> to vector<511x256xf32>
    %concatenate3A_325 = tpu.concatenate %slice3A_324, %broadcast_in_dim3A_320 in 0 : vector<511x256xf32>, vector<1x256xf32> -> vector<512x256xf32>
    %add3A_326 = arith.addf %add3A_323, %concatenate3A_325 : vector<512x256xf32>
    %get3A_327 = arith.constant 0 : index
    %get3A_328 = arith.constant 0 : index
    %get3A_329 = vector.load %arg3[%get3A_327, %get3A_328] : memref<1x256xf32, #tpu.memory_space<vmem>>, vector<1x256xf32>
    %add3A_330 = vector.broadcast %get3A_329 : vector<1x256xf32> to vector<512x256xf32>
    %add3A_331 = arith.addf %add3A_326, %add3A_330 : vector<512x256xf32>
    %max3A_332 = arith.constant 0.000000e+00 : f32
    %max3A_333 = vector.broadcast %max3A_332 : f32 to vector<512x256xf32>
    %max3A_334 = arith.maximumf %add3A_331, %max3A_333 : vector<512x256xf32>
    %reduce_sum3A_335 = arith.constant dense<0.000000e+00> : vector<512xf32>
    %reduce_sum3A_336 = vector.multi_reduction <add>, %max3A_334, %reduce_sum3A_335 [1] : vector<512x256xf32> to vector<512xf32>
    %broadcast_in_dim3A_337 = vector.shape_cast %reduce_sum3A_336 : vector<512xf32> to vector<512x1xf32>
    %div3A_338 = arith.constant 2.560000e+02 : f32
    %div3A_339 = vector.broadcast %div3A_338 : f32 to vector<512x1xf32>
    %div3A_340 = arith.divf %broadcast_in_dim3A_337, %div3A_339 : vector<512x1xf32>
    %sub3A_341 = vector.broadcast %div3A_340 : vector<512x1xf32> to vector<512x256xf32>
    %sub3A_342 = arith.subf %max3A_334, %sub3A_341 : vector<512x256xf32>
    %integer_pow3A_343 = arith.mulf %sub3A_342, %sub3A_342 : vector<512x256xf32>
    %reduce_sum3A_344 = arith.constant dense<0.000000e+00> : vector<512xf32>
    %reduce_sum3A_345 = vector.multi_reduction <add>, %integer_pow3A_343, %reduce_sum3A_344 [1] : vector<512x256xf32> to vector<512xf32>
    %broadcast_in_dim3A_346 = vector.shape_cast %reduce_sum3A_345 : vector<512xf32> to vector<512x1xf32>
    %div3A_347 = arith.constant 2.560000e+02 : f32
    %div3A_348 = vector.broadcast %div3A_347 : f32 to vector<512x1xf32>
    %div3A_349 = arith.divf %broadcast_in_dim3A_346, %div3A_348 : vector<512x1xf32>
    %sub3A_350 = vector.broadcast %div3A_340 : vector<512x1xf32> to vector<512x256xf32>
    %sub3A_351 = arith.subf %max3A_334, %sub3A_350 : vector<512x256xf32>
    %add3A_352 = arith.constant 9.99999974E-6 : f32
    %add3A_353 = vector.broadcast %add3A_352 : f32 to vector<512x1xf32>
    %add3A_354 = arith.addf %div3A_349, %add3A_353 : vector<512x1xf32>
    %rsqrt3A_355 = math.rsqrt %add3A_354 : vector<512x1xf32>
    %mul3A_356 = vector.broadcast %rsqrt3A_355 : vector<512x1xf32> to vector<512x256xf32>
    %mul3A_357 = arith.mulf %sub3A_351, %mul3A_356 : vector<512x256xf32>
    %get3A_358 = arith.constant 0 : index
    %get3A_359 = arith.constant 0 : index
    %get3A_360 = vector.load %arg4[%get3A_358, %get3A_359] : memref<1x256xf32, #tpu.memory_space<vmem>>, vector<1x256xf32>
    %mul3A_361 = vector.broadcast %get3A_360 : vector<1x256xf32> to vector<512x256xf32>
    %mul3A_362 = arith.mulf %mul3A_357, %mul3A_361 : vector<512x256xf32>
    %get3A_363 = arith.constant 0 : index
    %get3A_364 = arith.constant 0 : index
    %get3A_365 = vector.load %arg5[%get3A_363, %get3A_364] : memref<1x256xf32, #tpu.memory_space<vmem>>, vector<1x256xf32>
    %add3A_366 = vector.broadcast %get3A_365 : vector<1x256xf32> to vector<512x256xf32>
    %add3A_367 = arith.addf %mul3A_362, %add3A_366 : vector<512x256xf32>
    %get3A_368 = arith.constant 0 : index
    %get3A_369 = arith.constant 0 : index
    %get3A_370 = vector.load %arg6[%get3A_368, %get3A_369] : memref<768x256xf32, #tpu.memory_space<vmem>>, vector<256x256xf32>
    %dot_general3A_371 = arith.constant dense<0.000000e+00> : vector<512x256xf32>
    %dot_general3A_372 = tpu.matmul %add3A_367, %get3A_370, %dot_general3A_371 {dimension_numbers = #tpu.dot_dimension_numbers<[1], [0], [0], [1], [0, 0, 1, 1], [], []>, transpose_lhs_hint = false} : vector<512x256xf32>, vector<256x256xf32>, vector<512x256xf32> -> vector<512x256xf32>
    %get3A_373 = arith.constant 256 : index
    %get3A_374 = arith.constant 0 : index
    %get3A_375 = vector.load %arg6[%get3A_373, %get3A_374] : memref<768x256xf32, #tpu.memory_space<vmem>>, vector<256x256xf32>
    %dot_general3A_376 = arith.constant dense<0.000000e+00> : vector<512x256xf32>
    %dot_general3A_377 = tpu.matmul %add3A_367, %get3A_375, %dot_general3A_376 {dimension_numbers = #tpu.dot_dimension_numbers<[1], [0], [0], [1], [0, 0, 1, 1], [], []>, transpose_lhs_hint = false} : vector<512x256xf32>, vector<256x256xf32>, vector<512x256xf32> -> vector<512x256xf32>
    %get3A_378 = arith.constant 512 : index
    %get3A_379 = arith.constant 0 : index
    %get3A_380 = vector.load %arg6[%get3A_378, %get3A_379] : memref<768x256xf32, #tpu.memory_space<vmem>>, vector<256x256xf32>
    %dot_general3A_381 = arith.constant dense<0.000000e+00> : vector<512x256xf32>
    %dot_general3A_382 = tpu.matmul %add3A_367, %get3A_380, %dot_general3A_381 {dimension_numbers = #tpu.dot_dimension_numbers<[1], [0], [0], [1], [0, 0, 1, 1], [], []>, transpose_lhs_hint = false} : vector<512x256xf32>, vector<256x256xf32>, vector<512x256xf32> -> vector<512x256xf32>
    %broadcast_in_dim3A_383 = arith.constant 0.000000e+00 : f32
    %broadcast_in_dim3A_384 = vector.broadcast %broadcast_in_dim3A_383 : f32 to vector<1x256xf32>
    %slice3A_385 = vector.extract_strided_slice %dot_general3A_372 {offsets = [0, 0], sizes = [511, 256], strides = [1, 1]} : vector<512x256xf32> to vector<511x256xf32>
    %concatenate3A_386 = tpu.concatenate %broadcast_in_dim3A_384, %slice3A_385 in 0 : vector<1x256xf32>, vector<511x256xf32> -> vector<512x256xf32>
    %add3A_387 = arith.addf %dot_general3A_377, %concatenate3A_386 : vector<512x256xf32>
    %slice3A_388 = vector.extract_strided_slice %dot_general3A_382 {offsets = [1, 0], sizes = [511, 256], strides = [1, 1]} : vector<512x256xf32> to vector<511x256xf32>
    %concatenate3A_389 = tpu.concatenate %slice3A_388, %broadcast_in_dim3A_384 in 0 : vector<511x256xf32>, vector<1x256xf32> -> vector<512x256xf32>
    %add3A_390 = arith.addf %add3A_387, %concatenate3A_389 : vector<512x256xf32>
    %get3A_391 = arith.constant 0 : index
    %get3A_392 = arith.constant 0 : index
    %get3A_393 = vector.load %arg7[%get3A_391, %get3A_392] : memref<1x256xf32, #tpu.memory_space<vmem>>, vector<1x256xf32>
    %add3A_394 = vector.broadcast %get3A_393 : vector<1x256xf32> to vector<512x256xf32>
    %add3A_395 = arith.addf %add3A_390, %add3A_394 : vector<512x256xf32>
    %max3A_396 = arith.constant 0.000000e+00 : f32
    %max3A_397 = vector.broadcast %max3A_396 : f32 to vector<512x256xf32>
    %max3A_398 = arith.maximumf %add3A_395, %max3A_397 : vector<512x256xf32>
    %reduce_sum3A_399 = arith.constant dense<0.000000e+00> : vector<512xf32>
    %reduce_sum3A_400 = vector.multi_reduction <add>, %max3A_398, %reduce_sum3A_399 [1] : vector<512x256xf32> to vector<512xf32>
    %broadcast_in_dim3A_401 = vector.shape_cast %reduce_sum3A_400 : vector<512xf32> to vector<512x1xf32>
    %div3A_402 = arith.constant 2.560000e+02 : f32
    %div3A_403 = vector.broadcast %div3A_402 : f32 to vector<512x1xf32>
    %div3A_404 = arith.divf %broadcast_in_dim3A_401, %div3A_403 : vector<512x1xf32>
    %sub3A_405 = vector.broadcast %div3A_404 : vector<512x1xf32> to vector<512x256xf32>
    %sub3A_406 = arith.subf %max3A_398, %sub3A_405 : vector<512x256xf32>
    %integer_pow3A_407 = arith.mulf %sub3A_406, %sub3A_406 : vector<512x256xf32>
    %reduce_sum3A_408 = arith.constant dense<0.000000e+00> : vector<512xf32>
    %reduce_sum3A_409 = vector.multi_reduction <add>, %integer_pow3A_407, %reduce_sum3A_408 [1] : vector<512x256xf32> to vector<512xf32>
    %broadcast_in_dim3A_410 = vector.shape_cast %reduce_sum3A_409 : vector<512xf32> to vector<512x1xf32>
    %div3A_411 = arith.constant 2.560000e+02 : f32
    %div3A_412 = vector.broadcast %div3A_411 : f32 to vector<512x1xf32>
    %div3A_413 = arith.divf %broadcast_in_dim3A_410, %div3A_412 : vector<512x1xf32>
    %sub3A_414 = vector.broadcast %div3A_404 : vector<512x1xf32> to vector<512x256xf32>
    %sub3A_415 = arith.subf %max3A_398, %sub3A_414 : vector<512x256xf32>
    %add3A_416 = arith.constant 9.99999974E-6 : f32
    %add3A_417 = vector.broadcast %add3A_416 : f32 to vector<512x1xf32>
    %add3A_418 = arith.addf %div3A_413, %add3A_417 : vector<512x1xf32>
    %rsqrt3A_419 = math.rsqrt %add3A_418 : vector<512x1xf32>
    %mul3A_420 = vector.broadcast %rsqrt3A_419 : vector<512x1xf32> to vector<512x256xf32>
    %mul3A_421 = arith.mulf %sub3A_415, %mul3A_420 : vector<512x256xf32>
    %get3A_422 = arith.constant 0 : index
    %get3A_423 = arith.constant 0 : index
    %get3A_424 = vector.load %arg8[%get3A_422, %get3A_423] : memref<1x256xf32, #tpu.memory_space<vmem>>, vector<1x256xf32>
    %mul3A_425 = vector.broadcast %get3A_424 : vector<1x256xf32> to vector<512x256xf32>
    %mul3A_426 = arith.mulf %mul3A_421, %mul3A_425 : vector<512x256xf32>
    %get3A_427 = arith.constant 0 : index
    %get3A_428 = arith.constant 0 : index
    %get3A_429 = vector.load %arg9[%get3A_427, %get3A_428] : memref<1x256xf32, #tpu.memory_space<vmem>>, vector<1x256xf32>
    %add3A_430 = vector.broadcast %get3A_429 : vector<1x256xf32> to vector<512x256xf32>
    %add3A_431 = arith.addf %mul3A_426, %add3A_430 : vector<512x256xf32>
    %get3A_432 = arith.constant 0 : index
    %get3A_433 = arith.constant 0 : index
    %get3A_434 = vector.load %arg10[%get3A_432, %get3A_433] : memref<1x256xf32, #tpu.memory_space<vmem>>, vector<1x256xf32>
    %mul3A_435 = vector.broadcast %get3A_434 : vector<1x256xf32> to vector<512x256xf32>
    %mul3A_436 = arith.mulf %add3A_431, %mul3A_435 : vector<512x256xf32>
    %reduce_sum3A_437 = arith.constant dense<0.000000e+00> : vector<512xf32>
    %reduce_sum3A_438 = vector.multi_reduction <add>, %mul3A_436, %reduce_sum3A_437 [1] : vector<512x256xf32> to vector<512xf32>
    %broadcast_in_dim3A_439 = vector.shape_cast %reduce_sum3A_438 : vector<512xf32> to vector<512x1xf32>
    %get3A_440 = arith.constant 0 : index
    %get3A_441 = arith.constant 0 : index
    %get3A_442 = vector.load %arg11[%get3A_440, %get3A_441] : memref<1x1xf32, #tpu.memory_space<vmem>>, vector<1x1xf32>
    %get3A_443 = vector.extract %get3A_442[0, 0] : f32 from vector<1x1xf32>
    %add3A_444 = vector.broadcast %get3A_443 : f32 to vector<512x1xf32>
    %add3A_445 = arith.addf %broadcast_in_dim3A_439, %add3A_444 : vector<512x1xf32>
    %max3A_446 = arith.constant 9.99999993E-9 : f32
    %max3A_447 = vector.broadcast %max3A_446 : f32 to vector<512x1xf32>
    %max3A_448 = arith.maximumf %add3A_445, %max3A_447 : vector<512x1xf32>
    %transpose3A_449 = tpu.transpose %max3A_448, [1, 0] : vector<512x1xf32> -> vector<1x512xf32>
    %swap3A_450 = arith.constant 2 : index
    %swap3A_451 = arith.constant 0 : index
    %swap3A_452 = arith.constant 0 : index
    %swap3A_453 = vector.load %arg12[%swap3A_450, %swap3A_451, %swap3A_452] : memref<4x1x512xf32, #tpu.memory_space<vmem>>, vector<1x1x512xf32>
    %swap3A_454 = vector.shape_cast %swap3A_453 : vector<1x1x512xf32> to vector<1x512xf32>
    %swap3A_455 = vector.shape_cast %transpose3A_449 : vector<1x512xf32> to vector<1x1x512xf32>
    tpu.vector_store %arg12[%swap3A_450, %swap3A_451, %swap3A_452], %swap3A_455 {strides = array<i32>} : memref<4x1x512xf32, #tpu.memory_space<vmem>>, vector<1x1x512xf32>,
    %get3A_456 = arith.constant 3 : index
    %get3A_457 = arith.constant 0 : index
    %get3A_458 = arith.constant 0 : index
    %get3A_459 = vector.load %arg1[%get3A_456, %get3A_457, %get3A_458] : memref<4x512x256xf32, #tpu.memory_space<vmem>>, vector<1x512x256xf32>
    %get3A_460 = vector.shape_cast %get3A_459 : vector<1x512x256xf32> to vector<512x256xf32>
    %get3A_461 = arith.constant 0 : index
    %get3A_462 = arith.constant 0 : index
    %get3A_463 = vector.load %arg2[%get3A_461, %get3A_462] : memref<768x256xf32, #tpu.memory_space<vmem>>, vector<256x256xf32>
    %dot_general3A_464 = arith.constant dense<0.000000e+00> : vector<512x256xf32>
    %dot_general3A_465 = tpu.matmul %get3A_460, %get3A_463, %dot_general3A_464 {dimension_numbers = #tpu.dot_dimension_numbers<[1], [0], [0], [1], [0, 0, 1, 1], [], []>, transpose_lhs_hint = false} : vector<512x256xf32>, vector<256x256xf32>, vector<512x256xf32> -> vector<512x256xf32>
    %get3A_466 = arith.constant 256 : index
    %get3A_467 = arith.constant 0 : index
    %get3A_468 = vector.load %arg2[%get3A_466, %get3A_467] : memref<768x256xf32, #tpu.memory_space<vmem>>, vector<256x256xf32>
    %dot_general3A_469 = arith.constant dense<0.000000e+00> : vector<512x256xf32>
    %dot_general3A_470 = tpu.matmul %get3A_460, %get3A_468, %dot_general3A_469 {dimension_numbers = #tpu.dot_dimension_numbers<[1], [0], [0], [1], [0, 0, 1, 1], [], []>, transpose_lhs_hint = false} : vector<512x256xf32>, vector<256x256xf32>, vector<512x256xf32> -> vector<512x256xf32>
    %get3A_471 = arith.constant 512 : index
    %get3A_472 = arith.constant 0 : index
    %get3A_473 = vector.load %arg2[%get3A_471, %get3A_472] : memref<768x256xf32, #tpu.memory_space<vmem>>, vector<256x256xf32>
    %dot_general3A_474 = arith.constant dense<0.000000e+00> : vector<512x256xf32>
    %dot_general3A_475 = tpu.matmul %get3A_460, %get3A_473, %dot_general3A_474 {dimension_numbers = #tpu.dot_dimension_numbers<[1], [0], [0], [1], [0, 0, 1, 1], [], []>, transpose_lhs_hint = false} : vector<512x256xf32>, vector<256x256xf32>, vector<512x256xf32> -> vector<512x256xf32>
    %broadcast_in_dim3A_476 = arith.constant 0.000000e+00 : f32
    %broadcast_in_dim3A_477 = vector.broadcast %broadcast_in_dim3A_476 : f32 to vector<1x256xf32>
    %slice3A_478 = vector.extract_strided_slice %dot_general3A_465 {offsets = [0, 0], sizes = [511, 256], strides = [1, 1]} : vector<512x256xf32> to vector<511x256xf32>
    %concatenate3A_479 = tpu.concatenate %broadcast_in_dim3A_477, %slice3A_478 in 0 : vector<1x256xf32>, vector<511x256xf32> -> vector<512x256xf32>
    %add3A_480 = arith.addf %dot_general3A_470, %concatenate3A_479 : vector<512x256xf32>
    %slice3A_481 = vector.extract_strided_slice %dot_general3A_475 {offsets = [1, 0], sizes = [511, 256], strides = [1, 1]} : vector<512x256xf32> to vector<511x256xf32>
    %concatenate3A_482 = tpu.concatenate %slice3A_481, %broadcast_in_dim3A_477 in 0 : vector<511x256xf32>, vector<1x256xf32> -> vector<512x256xf32>
    %add3A_483 = arith.addf %add3A_480, %concatenate3A_482 : vector<512x256xf32>
    %get3A_484 = arith.constant 0 : index
    %get3A_485 = arith.constant 0 : index
    %get3A_486 = vector.load %arg3[%get3A_484, %get3A_485] : memref<1x256xf32, #tpu.memory_space<vmem>>, vector<1x256xf32>
    %add3A_487 = vector.broadcast %get3A_486 : vector<1x256xf32> to vector<512x256xf32>
    %add3A_488 = arith.addf %add3A_483, %add3A_487 : vector<512x256xf32>
    %max3A_489 = arith.constant 0.000000e+00 : f32
    %max3A_490 = vector.broadcast %max3A_489 : f32 to vector<512x256xf32>
    %max3A_491 = arith.maximumf %add3A_488, %max3A_490 : vector<512x256xf32>
    %reduce_sum3A_492 = arith.constant dense<0.000000e+00> : vector<512xf32>
    %reduce_sum3A_493 = vector.multi_reduction <add>, %max3A_491, %reduce_sum3A_492 [1] : vector<512x256xf32> to vector<512xf32>
    %broadcast_in_dim3A_494 = vector.shape_cast %reduce_sum3A_493 : vector<512xf32> to vector<512x1xf32>
    %div3A_495 = arith.constant 2.560000e+02 : f32
    %div3A_496 = vector.broadcast %div3A_495 : f32 to vector<512x1xf32>
    %div3A_497 = arith.divf %broadcast_in_dim3A_494, %div3A_496 : vector<512x1xf32>
    %sub3A_498 = vector.broadcast %div3A_497 : vector<512x1xf32> to vector<512x256xf32>
    %sub3A_499 = arith.subf %max3A_491, %sub3A_498 : vector<512x256xf32>
    %integer_pow3A_500 = arith.mulf %sub3A_499, %sub3A_499 : vector<512x256xf32>
    %reduce_sum3A_501 = arith.constant dense<0.000000e+00> : vector<512xf32>
    %reduce_sum3A_502 = vector.multi_reduction <add>, %integer_pow3A_500, %reduce_sum3A_501 [1] : vector<512x256xf32> to vector<512xf32>
    %broadcast_in_dim3A_503 = vector.shape_cast %reduce_sum3A_502 : vector<512xf32> to vector<512x1xf32>
    %div3A_504 = arith.constant 2.560000e+02 : f32
    %div3A_505 = vector.broadcast %div3A_504 : f32 to vector<512x1xf32>
    %div3A_506 = arith.divf %broadcast_in_dim3A_503, %div3A_505 : vector<512x1xf32>
    %sub3A_507 = vector.broadcast %div3A_497 : vector<512x1xf32> to vector<512x256xf32>
    %sub3A_508 = arith.subf %max3A_491, %sub3A_507 : vector<512x256xf32>
    %add3A_509 = arith.constant 9.99999974E-6 : f32
    %add3A_510 = vector.broadcast %add3A_509 : f32 to vector<512x1xf32>
    %add3A_511 = arith.addf %div3A_506, %add3A_510 : vector<512x1xf32>
    %rsqrt3A_512 = math.rsqrt %add3A_511 : vector<512x1xf32>
    %mul3A_513 = vector.broadcast %rsqrt3A_512 : vector<512x1xf32> to vector<512x256xf32>
    %mul3A_514 = arith.mulf %sub3A_508, %mul3A_513 : vector<512x256xf32>
    %get3A_515 = arith.constant 0 : index
    %get3A_516 = arith.constant 0 : index
    %get3A_517 = vector.load %arg4[%get3A_515, %get3A_516] : memref<1x256xf32, #tpu.memory_space<vmem>>, vector<1x256xf32>
    %mul3A_518 = vector.broadcast %get3A_517 : vector<1x256xf32> to vector<512x256xf32>
    %mul3A_519 = arith.mulf %mul3A_514, %mul3A_518 : vector<512x256xf32>
    %get3A_520 = arith.constant 0 : index
    %get3A_521 = arith.constant 0 : index
    %get3A_522 = vector.load %arg5[%get3A_520, %get3A_521] : memref<1x256xf32, #tpu.memory_space<vmem>>, vector<1x256xf32>
    %add3A_523 = vector.broadcast %get3A_522 : vector<1x256xf32> to vector<512x256xf32>
    %add3A_524 = arith.addf %mul3A_519, %add3A_523 : vector<512x256xf32>
    %get3A_525 = arith.constant 0 : index
    %get3A_526 = arith.constant 0 : index
    %get3A_527 = vector.load %arg6[%get3A_525, %get3A_526] : memref<768x256xf32, #tpu.memory_space<vmem>>, vector<256x256xf32>
    %dot_general3A_528 = arith.constant dense<0.000000e+00> : vector<512x256xf32>
    %dot_general3A_529 = tpu.matmul %add3A_524, %get3A_527, %dot_general3A_528 {dimension_numbers = #tpu.dot_dimension_numbers<[1], [0], [0], [1], [0, 0, 1, 1], [], []>, transpose_lhs_hint = false} : vector<512x256xf32>, vector<256x256xf32>, vector<512x256xf32> -> vector<512x256xf32>
    %get3A_530 = arith.constant 256 : index
    %get3A_531 = arith.constant 0 : index
    %get3A_532 = vector.load %arg6[%get3A_530, %get3A_531] : memref<768x256xf32, #tpu.memory_space<vmem>>, vector<256x256xf32>
    %dot_general3A_533 = arith.constant dense<0.000000e+00> : vector<512x256xf32>
    %dot_general3A_534 = tpu.matmul %add3A_524, %get3A_532, %dot_general3A_533 {dimension_numbers = #tpu.dot_dimension_numbers<[1], [0], [0], [1], [0, 0, 1, 1], [], []>, transpose_lhs_hint = false} : vector<512x256xf32>, vector<256x256xf32>, vector<512x256xf32> -> vector<512x256xf32>
    %get3A_535 = arith.constant 512 : index
    %get3A_536 = arith.constant 0 : index
    %get3A_537 = vector.load %arg6[%get3A_535, %get3A_536] : memref<768x256xf32, #tpu.memory_space<vmem>>, vector<256x256xf32>
    %dot_general3A_538 = arith.constant dense<0.000000e+00> : vector<512x256xf32>
    %dot_general3A_539 = tpu.matmul %add3A_524, %get3A_537, %dot_general3A_538 {dimension_numbers = #tpu.dot_dimension_numbers<[1], [0], [0], [1], [0, 0, 1, 1], [], []>, transpose_lhs_hint = false} : vector<512x256xf32>, vector<256x256xf32>, vector<512x256xf32> -> vector<512x256xf32>
    %broadcast_in_dim3A_540 = arith.constant 0.000000e+00 : f32
    %broadcast_in_dim3A_541 = vector.broadcast %broadcast_in_dim3A_540 : f32 to vector<1x256xf32>
    %slice3A_542 = vector.extract_strided_slice %dot_general3A_529 {offsets = [0, 0], sizes = [511, 256], strides = [1, 1]} : vector<512x256xf32> to vector<511x256xf32>
    %concatenate3A_543 = tpu.concatenate %broadcast_in_dim3A_541, %slice3A_542 in 0 : vector<1x256xf32>, vector<511x256xf32> -> vector<512x256xf32>
    %add3A_544 = arith.addf %dot_general3A_534, %concatenate3A_543 : vector<512x256xf32>
    %slice3A_545 = vector.extract_strided_slice %dot_general3A_539 {offsets = [1, 0], sizes = [511, 256], strides = [1, 1]} : vector<512x256xf32> to vector<511x256xf32>
    %concatenate3A_546 = tpu.concatenate %slice3A_545, %broadcast_in_dim3A_541 in 0 : vector<511x256xf32>, vector<1x256xf32> -> vector<512x256xf32>
    %add3A_547 = arith.addf %add3A_544, %concatenate3A_546 : vector<512x256xf32>
    %get3A_548 = arith.constant 0 : index
    %get3A_549 = arith.constant 0 : index
    %get3A_550 = vector.load %arg7[%get3A_548, %get3A_549] : memref<1x256xf32, #tpu.memory_space<vmem>>, vector<1x256xf32>
    %add3A_551 = vector.broadcast %get3A_550 : vector<1x256xf32> to vector<512x256xf32>
    %add3A_552 = arith.addf %add3A_547, %add3A_551 : vector<512x256xf32>
    %max3A_553 = arith.constant 0.000000e+00 : f32
    %max3A_554 = vector.broadcast %max3A_553 : f32 to vector<512x256xf32>
    %max3A_555 = arith.maximumf %add3A_552, %max3A_554 : vector<512x256xf32>
    %reduce_sum3A_556 = arith.constant dense<0.000000e+00> : vector<512xf32>
    %reduce_sum3A_557 = vector.multi_reduction <add>, %max3A_555, %reduce_sum3A_556 [1] : vector<512x256xf32> to vector<512xf32>
    %broadcast_in_dim3A_558 = vector.shape_cast %reduce_sum3A_557 : vector<512xf32> to vector<512x1xf32>
    %div3A_559 = arith.constant 2.560000e+02 : f32
    %div3A_560 = vector.broadcast %div3A_559 : f32 to vector<512x1xf32>
    %div3A_561 = arith.divf %broadcast_in_dim3A_558, %div3A_560 : vector<512x1xf32>
    %sub3A_562 = vector.broadcast %div3A_561 : vector<512x1xf32> to vector<512x256xf32>
    %sub3A_563 = arith.subf %max3A_555, %sub3A_562 : vector<512x256xf32>
    %integer_pow3A_564 = arith.mulf %sub3A_563, %sub3A_563 : vector<512x256xf32>
    %reduce_sum3A_565 = arith.constant dense<0.000000e+00> : vector<512xf32>
    %reduce_sum3A_566 = vector.multi_reduction <add>, %integer_pow3A_564, %reduce_sum3A_565 [1] : vector<512x256xf32> to vector<512xf32>
    %broadcast_in_dim3A_567 = vector.shape_cast %reduce_sum3A_566 : vector<512xf32> to vector<512x1xf32>
    %div3A_568 = arith.constant 2.560000e+02 : f32
    %div3A_569 = vector.broadcast %div3A_568 : f32 to vector<512x1xf32>
    %div3A_570 = arith.divf %broadcast_in_dim3A_567, %div3A_569 : vector<512x1xf32>
    %sub3A_571 = vector.broadcast %div3A_561 : vector<512x1xf32> to vector<512x256xf32>
    %sub3A_572 = arith.subf %max3A_555, %sub3A_571 : vector<512x256xf32>
    %add3A_573 = arith.constant 9.99999974E-6 : f32
    %add3A_574 = vector.broadcast %add3A_573 : f32 to vector<512x1xf32>
    %add3A_575 = arith.addf %div3A_570, %add3A_574 : vector<512x1xf32>
    %rsqrt3A_576 = math.rsqrt %add3A_575 : vector<512x1xf32>
    %mul3A_577 = vector.broadcast %rsqrt3A_576 : vector<512x1xf32> to vector<512x256xf32>
    %mul3A_578 = arith.mulf %sub3A_572, %mul3A_577 : vector<512x256xf32>
    %get3A_579 = arith.constant 0 : index
    %get3A_580 = arith.constant 0 : index
    %get3A_581 = vector.load %arg8[%get3A_579, %get3A_580] : memref<1x256xf32, #tpu.memory_space<vmem>>, vector<1x256xf32>
    %mul3A_582 = vector.broadcast %get3A_581 : vector<1x256xf32> to vector<512x256xf32>
    %mul3A_583 = arith.mulf %mul3A_578, %mul3A_582 : vector<512x256xf32>
    %get3A_584 = arith.constant 0 : index
    %get3A_585 = arith.constant 0 : index
    %get3A_586 = vector.load %arg9[%get3A_584, %get3A_585] : memref<1x256xf32, #tpu.memory_space<vmem>>, vector<1x256xf32>
    %add3A_587 = vector.broadcast %get3A_586 : vector<1x256xf32> to vector<512x256xf32>
    %add3A_588 = arith.addf %mul3A_583, %add3A_587 : vector<512x256xf32>
    %get3A_589 = arith.constant 0 : index
    %get3A_590 = arith.constant 0 : index
    %get3A_591 = vector.load %arg10[%get3A_589, %get3A_590] : memref<1x256xf32, #tpu.memory_space<vmem>>, vector<1x256xf32>
    %mul3A_592 = vector.broadcast %get3A_591 : vector<1x256xf32> to vector<512x256xf32>
    %mul3A_593 = arith.mulf %add3A_588, %mul3A_592 : vector<512x256xf32>
    %reduce_sum3A_594 = arith.constant dense<0.000000e+00> : vector<512xf32>
    %reduce_sum3A_595 = vector.multi_reduction <add>, %mul3A_593, %reduce_sum3A_594 [1] : vector<512x256xf32> to vector<512xf32>
    %broadcast_in_dim3A_596 = vector.shape_cast %reduce_sum3A_595 : vector<512xf32> to vector<512x1xf32>
    %get3A_597 = arith.constant 0 : index
    %get3A_598 = arith.constant 0 : index
    %get3A_599 = vector.load %arg11[%get3A_597, %get3A_598] : memref<1x1xf32, #tpu.memory_space<vmem>>, vector<1x1xf32>
    %get3A_600 = vector.extract %get3A_599[0, 0] : f32 from vector<1x1xf32>
    %add3A_601 = vector.broadcast %get3A_600 : f32 to vector<512x1xf32>
    %add3A_602 = arith.addf %broadcast_in_dim3A_596, %add3A_601 : vector<512x1xf32>
    %max3A_603 = arith.constant 9.99999993E-9 : f32
    %max3A_604 = vector.broadcast %max3A_603 : f32 to vector<512x1xf32>
    %max3A_605 = arith.maximumf %add3A_602, %max3A_604 : vector<512x1xf32>
    %transpose3A_606 = tpu.transpose %max3A_605, [1, 0] : vector<512x1xf32> -> vector<1x512xf32>
    %swap3A_607 = arith.constant 3 : index
    %swap3A_608 = arith.constant 0 : index
    %swap3A_609 = arith.constant 0 : index
    %swap3A_610 = vector.load %arg12[%swap3A_607, %swap3A_608, %swap3A_609] : memref<4x1x512xf32, #tpu.memory_space<vmem>>, vector<1x1x512xf32>
    %swap3A_611 = vector.shape_cast %swap3A_610 : vector<1x1x512xf32> to vector<1x512xf32>
    %swap3A_612 = vector.shape_cast %transpose3A_606 : vector<1x512xf32> to vector<1x1x512xf32>
    tpu.vector_store %arg12[%swap3A_607, %swap3A_608, %swap3A_609], %swap3A_612 {strides = array<i32>} : memref<4x1x512xf32, #tpu.memory_space<vmem>>, vector<1x1x512xf32>,
    return
  }
  func.func @transform_0(%arg0: i32) -> (i32, i32, i32) {
    %c0_i32 = arith.constant 0 : i32
    %c0_i32_0 = arith.constant 0 : i32
    %c0_i32_1 = arith.constant 0 : i32
    return %arg0, %c0_i32, %c0_i32_0 : i32, i32, i32
  }
  func.func @transform_1(%arg0: i32) -> (i32, i32) {
    %c0_i32 = arith.constant 0 : i32
    %c0_i32_0 = arith.constant 0 : i32
    %c0_i32_1 = arith.constant 0 : i32
    return %c0_i32, %c0_i32_0 : i32, i32
  }
  func.func @transform_2(%arg0: i32) -> (i32, i32) {
    %c0_i32 = arith.constant 0 : i32
    %c0_i32_0 = arith.constant 0 : i32
    %c0_i32_1 = arith.constant 0 : i32
    return %c0_i32, %c0_i32_0 : i32, i32
  }
  func.func @transform_3(%arg0: i32) -> (i32, i32) {
    %c0_i32 = arith.constant 0 : i32
    %c0_i32_0 = arith.constant 0 : i32
    %c0_i32_1 = arith.constant 0 : i32
    return %c0_i32, %c0_i32_0 : i32, i32
  }
  func.func @transform_4(%arg0: i32) -> (i32, i32) {
    %c0_i32 = arith.constant 0 : i32
    %c0_i32_0 = arith.constant 0 : i32
    %c0_i32_1 = arith.constant 0 : i32
    return %c0_i32, %c0_i32_0 : i32, i32
  }
  func.func @transform_5(%arg0: i32) -> (i32, i32) {
    %c0_i32 = arith.constant 0 : i32
    %c0_i32_0 = arith.constant 0 : i32
    %c0_i32_1 = arith.constant 0 : i32
    return %c0_i32, %c0_i32_0 : i32, i32
  }
  func.func @transform_6(%arg0: i32) -> (i32, i32) {
    %c0_i32 = arith.constant 0 : i32
    %c0_i32_0 = arith.constant 0 : i32
    %c0_i32_1 = arith.constant 0 : i32
    return %c0_i32, %c0_i32_0 : i32, i32
  }
  func.func @transform_7(%arg0: i32) -> (i32, i32) {
    %c0_i32 = arith.constant 0 : i32
    %c0_i32_0 = arith.constant 0 : i32
    %c0_i32_1 = arith.constant 0 : i32
    return %c0_i32, %c0_i32_0 : i32, i32
  }
  func.func @transform_8(%arg0: i32) -> (i32, i32) {
    %c0_i32 = arith.constant 0 : i32
    %c0_i32_0 = arith.constant 0 : i32
    %c0_i32_1 = arith.constant 0 : i32
    return %c0_i32, %c0_i32_0 : i32, i32
  }
  func.func @transform_9(%arg0: i32) -> (i32, i32) {
    %c0_i32 = arith.constant 0 : i32
    %c0_i32_0 = arith.constant 0 : i32
    %c0_i32_1 = arith.constant 0 : i32
    return %c0_i32, %c0_i32_0 : i32, i32
  }
  func.func @transform_10(%arg0: i32) -> (i32, i32) {
    %c0_i32 = arith.constant 0 : i32
    %c0_i32_0 = arith.constant 0 : i32
    %c0_i32_1 = arith.constant 0 : i32
    return %c0_i32, %c0_i32_0 : i32, i32
  }
  func.func @transform_11(%arg0: i32) -> (i32, i32, i32) {
    %c0_i32 = arith.constant 0 : i32
    %c0_i32_0 = arith.constant 0 : i32
    %c0_i32_1 = arith.constant 0 : i32
    return %arg0, %c0_i32, %c0_i32_0 : i32, i32, i32
  }
}

module attributes {stable_mosaic.version = 14 : i64} {
  func.func @_idx_body(%arg0: i32, %arg1: memref<4x1x512xi32, #tpu.memory_space<vmem>>, %arg2: memref<4x1x2048xi32, #tpu.memory_space<vmem>>, %arg3: memref<4x1x2048xf32, #tpu.memory_space<vmem>>) attributes {dimension_semantics = [#tpu.dimension_semantics<arbitrary>], iteration_bounds = array<i64: 4>, scalar_prefetch = 0 : i64, scratch_operands = 0 : i64, tpu.core_type = #tpu.core_type<tc>, window_params = [{transform_indices = @transform_0, window_bounds = array<i64: 4, 1, 512>}, {transform_indices = @transform_1, window_bounds = array<i64: 4, 1, 2048>}, {transform_indices = @transform_2, window_bounds = array<i64: 4, 1, 2048>}]} {
    %iota3A = tpu.iota {dimensions = array<i32: 0>} : vector<512x1xi32>
    %iota3A_0 = tpu.iota {dimensions = array<i32: 1>} : vector<1x512xi32>
    %le3A = vector.broadcast %iota3A : vector<512x1xi32> to vector<512x512xi32>
    %le3A_1 = vector.broadcast %iota3A_0 : vector<1x512xi32> to vector<512x512xi32>
    %le3A_2 = arith.cmpi sle, %le3A, %le3A_1 : vector<512x512xi32>
    %convert_element_type3A = arith.extui %le3A_2 : vector<512x512xi1> to vector<512x512xi32>
    %convert_element_type3A_3 = arith.sitofp %convert_element_type3A : vector<512x512xi32> to vector<512x512xf32>
    %iota3A_4 = tpu.iota {dimensions = array<i32: 1>} : vector<1x2048xi32>
    %broadcast_in_dim3A = arith.constant 1.000000e+00 : f32
    %broadcast_in_dim3A_5 = vector.broadcast %broadcast_in_dim3A : f32 to vector<1x512xf32>
    %and3A = arith.constant 511 : i32
    %and3A_6 = vector.broadcast %and3A : i32 to vector<1x2048xi32>
    %and3A_7 = arith.andi %iota3A_4, %and3A_6 : vector<1x2048xi32>
    %mul3A = arith.constant 4 : i32
    %mul3A_8 = arith.muli %arg0, %mul3A : i32
    %add3A = arith.constant 0 : i32
    %add3A_9 = arith.addi %mul3A_8, %add3A : i32
    %get3A = arith.constant 0 : index
    %get3A_10 = arith.constant 0 : index
    %get3A_11 = arith.constant 0 : index
    %get3A_12 = vector.load %arg1[%get3A, %get3A_10, %get3A_11] : memref<4x1x512xi32, #tpu.memory_space<vmem>>, vector<1x1x512xi32>
    %get3A_13 = vector.shape_cast %get3A_12 : vector<1x1x512xi32> to vector<1x512xi32>
    %convert_element_type3A_14 = arith.sitofp %get3A_13 : vector<1x512xi32> to vector<1x512xf32>
    %dot_general3A = arith.constant dense<0.000000e+00> : vector<1x512xf32>
    %dot_general3A_15 = tpu.matmul %convert_element_type3A_14, %convert_element_type3A_3, %dot_general3A {dimension_numbers = #tpu.dot_dimension_numbers<[1], [0], [0], [1], [0, 0, 1, 1], [], []>, transpose_lhs_hint = false} : vector<1x512xf32>, vector<512x512xf32>, vector<1x512xf32> -> vector<1x512xf32>
    %transpose3A = tpu.transpose %dot_general3A_15, [1, 0] : vector<1x512xf32> -> vector<512x1xf32>
    %convert_element_type3A_16 = arith.sitofp %iota3A_4 : vector<1x2048xi32> to vector<1x2048xf32>
    %le3A_17 = vector.broadcast %transpose3A : vector<512x1xf32> to vector<512x2048xf32>
    %le3A_18 = vector.broadcast %convert_element_type3A_16 : vector<1x2048xf32> to vector<512x2048xf32>
    %le3A_19 = arith.cmpf ole, %le3A_17, %le3A_18 : vector<512x2048xf32>
    %convert_element_type3A_20 = arith.extui %le3A_19 : vector<512x2048xi1> to vector<512x2048xi32>
    %convert_element_type3A_21 = arith.sitofp %convert_element_type3A_20 : vector<512x2048xi32> to vector<512x2048xf32>
    %dot_general3A_22 = arith.constant dense<0.000000e+00> : vector<1x2048xf32>
    %dot_general3A_23 = tpu.matmul %broadcast_in_dim3A_5, %convert_element_type3A_21, %dot_general3A_22 {dimension_numbers = #tpu.dot_dimension_numbers<[1], [0], [0], [1], [0, 0, 1, 1], [], []>, transpose_lhs_hint = false} : vector<1x512xf32>, vector<512x2048xf32>, vector<1x2048xf32> -> vector<1x2048xf32>
    %min3A = arith.constant 5.110000e+02 : f32
    %min3A_24 = vector.broadcast %min3A : f32 to vector<1x2048xf32>
    %min3A_25 = arith.minimumf %dot_general3A_23, %min3A_24 : vector<1x2048xf32>
    %convert_element_type3A_26 = arith.fptosi %min3A_25 : vector<1x2048xf32> to vector<1x2048xi32>
    %slice3A = vector.extract_strided_slice %convert_element_type3A_21 {offsets = [511, 0], sizes = [1, 2048], strides = [1, 1]} : vector<512x2048xf32> to vector<1x2048xf32>
    %eq3A = arith.constant 0.000000e+00 : f32
    %eq3A_27 = vector.broadcast %eq3A : f32 to vector<1x2048xf32>
    %eq3A_28 = arith.cmpf oeq, %slice3A, %eq3A_27 : vector<1x2048xf32>
    %select_n3A = arith.select %eq3A_28, %convert_element_type3A_26, %and3A_7 : vector<1x2048xi1>, vector<1x2048xi32>
    %mul3A_29 = arith.constant 512 : i32
    %mul3A_30 = arith.muli %add3A_9, %mul3A_29 : i32
    %add3A_31 = vector.broadcast %mul3A_30 : i32 to vector<1x2048xi32>
    %add3A_32 = arith.addi %select_n3A, %add3A_31 : vector<1x2048xi32>
    %swap3A = arith.constant 0 : index
    %swap3A_33 = arith.constant 0 : index
    %swap3A_34 = arith.constant 0 : index
    %swap3A_35 = vector.load %arg2[%swap3A, %swap3A_33, %swap3A_34] : memref<4x1x2048xi32, #tpu.memory_space<vmem>>, vector<1x1x2048xi32>
    %swap3A_36 = vector.shape_cast %swap3A_35 : vector<1x1x2048xi32> to vector<1x2048xi32>
    %swap3A_37 = vector.shape_cast %add3A_32 : vector<1x2048xi32> to vector<1x1x2048xi32>
    tpu.vector_store %arg2[%swap3A, %swap3A_33, %swap3A_34], %swap3A_37 {strides = array<i32>} : memref<4x1x2048xi32, #tpu.memory_space<vmem>>, vector<1x1x2048xi32>,
    %sub3A = arith.constant 1.000000e+00 : f32
    %sub3A_38 = vector.broadcast %sub3A : f32 to vector<1x2048xf32>
    %sub3A_39 = arith.subf %sub3A_38, %slice3A : vector<1x2048xf32>
    %swap3A_40 = arith.constant 0 : index
    %swap3A_41 = arith.constant 0 : index
    %swap3A_42 = arith.constant 0 : index
    %swap3A_43 = vector.load %arg3[%swap3A_40, %swap3A_41, %swap3A_42] : memref<4x1x2048xf32, #tpu.memory_space<vmem>>, vector<1x1x2048xf32>
    %swap3A_44 = vector.shape_cast %swap3A_43 : vector<1x1x2048xf32> to vector<1x2048xf32>
    %swap3A_45 = vector.shape_cast %sub3A_39 : vector<1x2048xf32> to vector<1x1x2048xf32>
    tpu.vector_store %arg3[%swap3A_40, %swap3A_41, %swap3A_42], %swap3A_45 {strides = array<i32>} : memref<4x1x2048xf32, #tpu.memory_space<vmem>>, vector<1x1x2048xf32>,
    %mul3A_46 = arith.constant 4 : i32
    %mul3A_47 = arith.muli %arg0, %mul3A_46 : i32
    %add3A_48 = arith.constant 1 : i32
    %add3A_49 = arith.addi %mul3A_47, %add3A_48 : i32
    %get3A_50 = arith.constant 1 : index
    %get3A_51 = arith.constant 0 : index
    %get3A_52 = arith.constant 0 : index
    %get3A_53 = vector.load %arg1[%get3A_50, %get3A_51, %get3A_52] : memref<4x1x512xi32, #tpu.memory_space<vmem>>, vector<1x1x512xi32>
    %get3A_54 = vector.shape_cast %get3A_53 : vector<1x1x512xi32> to vector<1x512xi32>
    %convert_element_type3A_55 = arith.sitofp %get3A_54 : vector<1x512xi32> to vector<1x512xf32>
    %dot_general3A_56 = arith.constant dense<0.000000e+00> : vector<1x512xf32>
    %dot_general3A_57 = tpu.matmul %convert_element_type3A_55, %convert_element_type3A_3, %dot_general3A_56 {dimension_numbers = #tpu.dot_dimension_numbers<[1], [0], [0], [1], [0, 0, 1, 1], [], []>, transpose_lhs_hint = false} : vector<1x512xf32>, vector<512x512xf32>, vector<1x512xf32> -> vector<1x512xf32>
    %transpose3A_58 = tpu.transpose %dot_general3A_57, [1, 0] : vector<1x512xf32> -> vector<512x1xf32>
    %convert_element_type3A_59 = arith.sitofp %iota3A_4 : vector<1x2048xi32> to vector<1x2048xf32>
    %le3A_60 = vector.broadcast %transpose3A_58 : vector<512x1xf32> to vector<512x2048xf32>
    %le3A_61 = vector.broadcast %convert_element_type3A_59 : vector<1x2048xf32> to vector<512x2048xf32>
    %le3A_62 = arith.cmpf ole, %le3A_60, %le3A_61 : vector<512x2048xf32>
    %convert_element_type3A_63 = arith.extui %le3A_62 : vector<512x2048xi1> to vector<512x2048xi32>
    %convert_element_type3A_64 = arith.sitofp %convert_element_type3A_63 : vector<512x2048xi32> to vector<512x2048xf32>
    %dot_general3A_65 = arith.constant dense<0.000000e+00> : vector<1x2048xf32>
    %dot_general3A_66 = tpu.matmul %broadcast_in_dim3A_5, %convert_element_type3A_64, %dot_general3A_65 {dimension_numbers = #tpu.dot_dimension_numbers<[1], [0], [0], [1], [0, 0, 1, 1], [], []>, transpose_lhs_hint = false} : vector<1x512xf32>, vector<512x2048xf32>, vector<1x2048xf32> -> vector<1x2048xf32>
    %min3A_67 = arith.constant 5.110000e+02 : f32
    %min3A_68 = vector.broadcast %min3A_67 : f32 to vector<1x2048xf32>
    %min3A_69 = arith.minimumf %dot_general3A_66, %min3A_68 : vector<1x2048xf32>
    %convert_element_type3A_70 = arith.fptosi %min3A_69 : vector<1x2048xf32> to vector<1x2048xi32>
    %slice3A_71 = vector.extract_strided_slice %convert_element_type3A_64 {offsets = [511, 0], sizes = [1, 2048], strides = [1, 1]} : vector<512x2048xf32> to vector<1x2048xf32>
    %eq3A_72 = arith.constant 0.000000e+00 : f32
    %eq3A_73 = vector.broadcast %eq3A_72 : f32 to vector<1x2048xf32>
    %eq3A_74 = arith.cmpf oeq, %slice3A_71, %eq3A_73 : vector<1x2048xf32>
    %select_n3A_75 = arith.select %eq3A_74, %convert_element_type3A_70, %and3A_7 : vector<1x2048xi1>, vector<1x2048xi32>
    %mul3A_76 = arith.constant 512 : i32
    %mul3A_77 = arith.muli %add3A_49, %mul3A_76 : i32
    %add3A_78 = vector.broadcast %mul3A_77 : i32 to vector<1x2048xi32>
    %add3A_79 = arith.addi %select_n3A_75, %add3A_78 : vector<1x2048xi32>
    %swap3A_80 = arith.constant 1 : index
    %swap3A_81 = arith.constant 0 : index
    %swap3A_82 = arith.constant 0 : index
    %swap3A_83 = vector.load %arg2[%swap3A_80, %swap3A_81, %swap3A_82] : memref<4x1x2048xi32, #tpu.memory_space<vmem>>, vector<1x1x2048xi32>
    %swap3A_84 = vector.shape_cast %swap3A_83 : vector<1x1x2048xi32> to vector<1x2048xi32>
    %swap3A_85 = vector.shape_cast %add3A_79 : vector<1x2048xi32> to vector<1x1x2048xi32>
    tpu.vector_store %arg2[%swap3A_80, %swap3A_81, %swap3A_82], %swap3A_85 {strides = array<i32>} : memref<4x1x2048xi32, #tpu.memory_space<vmem>>, vector<1x1x2048xi32>,
    %sub3A_86 = arith.constant 1.000000e+00 : f32
    %sub3A_87 = vector.broadcast %sub3A_86 : f32 to vector<1x2048xf32>
    %sub3A_88 = arith.subf %sub3A_87, %slice3A_71 : vector<1x2048xf32>
    %swap3A_89 = arith.constant 1 : index
    %swap3A_90 = arith.constant 0 : index
    %swap3A_91 = arith.constant 0 : index
    %swap3A_92 = vector.load %arg3[%swap3A_89, %swap3A_90, %swap3A_91] : memref<4x1x2048xf32, #tpu.memory_space<vmem>>, vector<1x1x2048xf32>
    %swap3A_93 = vector.shape_cast %swap3A_92 : vector<1x1x2048xf32> to vector<1x2048xf32>
    %swap3A_94 = vector.shape_cast %sub3A_88 : vector<1x2048xf32> to vector<1x1x2048xf32>
    tpu.vector_store %arg3[%swap3A_89, %swap3A_90, %swap3A_91], %swap3A_94 {strides = array<i32>} : memref<4x1x2048xf32, #tpu.memory_space<vmem>>, vector<1x1x2048xf32>,
    %mul3A_95 = arith.constant 4 : i32
    %mul3A_96 = arith.muli %arg0, %mul3A_95 : i32
    %add3A_97 = arith.constant 2 : i32
    %add3A_98 = arith.addi %mul3A_96, %add3A_97 : i32
    %get3A_99 = arith.constant 2 : index
    %get3A_100 = arith.constant 0 : index
    %get3A_101 = arith.constant 0 : index
    %get3A_102 = vector.load %arg1[%get3A_99, %get3A_100, %get3A_101] : memref<4x1x512xi32, #tpu.memory_space<vmem>>, vector<1x1x512xi32>
    %get3A_103 = vector.shape_cast %get3A_102 : vector<1x1x512xi32> to vector<1x512xi32>
    %convert_element_type3A_104 = arith.sitofp %get3A_103 : vector<1x512xi32> to vector<1x512xf32>
    %dot_general3A_105 = arith.constant dense<0.000000e+00> : vector<1x512xf32>
    %dot_general3A_106 = tpu.matmul %convert_element_type3A_104, %convert_element_type3A_3, %dot_general3A_105 {dimension_numbers = #tpu.dot_dimension_numbers<[1], [0], [0], [1], [0, 0, 1, 1], [], []>, transpose_lhs_hint = false} : vector<1x512xf32>, vector<512x512xf32>, vector<1x512xf32> -> vector<1x512xf32>
    %transpose3A_107 = tpu.transpose %dot_general3A_106, [1, 0] : vector<1x512xf32> -> vector<512x1xf32>
    %convert_element_type3A_108 = arith.sitofp %iota3A_4 : vector<1x2048xi32> to vector<1x2048xf32>
    %le3A_109 = vector.broadcast %transpose3A_107 : vector<512x1xf32> to vector<512x2048xf32>
    %le3A_110 = vector.broadcast %convert_element_type3A_108 : vector<1x2048xf32> to vector<512x2048xf32>
    %le3A_111 = arith.cmpf ole, %le3A_109, %le3A_110 : vector<512x2048xf32>
    %convert_element_type3A_112 = arith.extui %le3A_111 : vector<512x2048xi1> to vector<512x2048xi32>
    %convert_element_type3A_113 = arith.sitofp %convert_element_type3A_112 : vector<512x2048xi32> to vector<512x2048xf32>
    %dot_general3A_114 = arith.constant dense<0.000000e+00> : vector<1x2048xf32>
    %dot_general3A_115 = tpu.matmul %broadcast_in_dim3A_5, %convert_element_type3A_113, %dot_general3A_114 {dimension_numbers = #tpu.dot_dimension_numbers<[1], [0], [0], [1], [0, 0, 1, 1], [], []>, transpose_lhs_hint = false} : vector<1x512xf32>, vector<512x2048xf32>, vector<1x2048xf32> -> vector<1x2048xf32>
    %min3A_116 = arith.constant 5.110000e+02 : f32
    %min3A_117 = vector.broadcast %min3A_116 : f32 to vector<1x2048xf32>
    %min3A_118 = arith.minimumf %dot_general3A_115, %min3A_117 : vector<1x2048xf32>
    %convert_element_type3A_119 = arith.fptosi %min3A_118 : vector<1x2048xf32> to vector<1x2048xi32>
    %slice3A_120 = vector.extract_strided_slice %convert_element_type3A_113 {offsets = [511, 0], sizes = [1, 2048], strides = [1, 1]} : vector<512x2048xf32> to vector<1x2048xf32>
    %eq3A_121 = arith.constant 0.000000e+00 : f32
    %eq3A_122 = vector.broadcast %eq3A_121 : f32 to vector<1x2048xf32>
    %eq3A_123 = arith.cmpf oeq, %slice3A_120, %eq3A_122 : vector<1x2048xf32>
    %select_n3A_124 = arith.select %eq3A_123, %convert_element_type3A_119, %and3A_7 : vector<1x2048xi1>, vector<1x2048xi32>
    %mul3A_125 = arith.constant 512 : i32
    %mul3A_126 = arith.muli %add3A_98, %mul3A_125 : i32
    %add3A_127 = vector.broadcast %mul3A_126 : i32 to vector<1x2048xi32>
    %add3A_128 = arith.addi %select_n3A_124, %add3A_127 : vector<1x2048xi32>
    %swap3A_129 = arith.constant 2 : index
    %swap3A_130 = arith.constant 0 : index
    %swap3A_131 = arith.constant 0 : index
    %swap3A_132 = vector.load %arg2[%swap3A_129, %swap3A_130, %swap3A_131] : memref<4x1x2048xi32, #tpu.memory_space<vmem>>, vector<1x1x2048xi32>
    %swap3A_133 = vector.shape_cast %swap3A_132 : vector<1x1x2048xi32> to vector<1x2048xi32>
    %swap3A_134 = vector.shape_cast %add3A_128 : vector<1x2048xi32> to vector<1x1x2048xi32>
    tpu.vector_store %arg2[%swap3A_129, %swap3A_130, %swap3A_131], %swap3A_134 {strides = array<i32>} : memref<4x1x2048xi32, #tpu.memory_space<vmem>>, vector<1x1x2048xi32>,
    %sub3A_135 = arith.constant 1.000000e+00 : f32
    %sub3A_136 = vector.broadcast %sub3A_135 : f32 to vector<1x2048xf32>
    %sub3A_137 = arith.subf %sub3A_136, %slice3A_120 : vector<1x2048xf32>
    %swap3A_138 = arith.constant 2 : index
    %swap3A_139 = arith.constant 0 : index
    %swap3A_140 = arith.constant 0 : index
    %swap3A_141 = vector.load %arg3[%swap3A_138, %swap3A_139, %swap3A_140] : memref<4x1x2048xf32, #tpu.memory_space<vmem>>, vector<1x1x2048xf32>
    %swap3A_142 = vector.shape_cast %swap3A_141 : vector<1x1x2048xf32> to vector<1x2048xf32>
    %swap3A_143 = vector.shape_cast %sub3A_137 : vector<1x2048xf32> to vector<1x1x2048xf32>
    tpu.vector_store %arg3[%swap3A_138, %swap3A_139, %swap3A_140], %swap3A_143 {strides = array<i32>} : memref<4x1x2048xf32, #tpu.memory_space<vmem>>, vector<1x1x2048xf32>,
    %mul3A_144 = arith.constant 4 : i32
    %mul3A_145 = arith.muli %arg0, %mul3A_144 : i32
    %add3A_146 = arith.constant 3 : i32
    %add3A_147 = arith.addi %mul3A_145, %add3A_146 : i32
    %get3A_148 = arith.constant 3 : index
    %get3A_149 = arith.constant 0 : index
    %get3A_150 = arith.constant 0 : index
    %get3A_151 = vector.load %arg1[%get3A_148, %get3A_149, %get3A_150] : memref<4x1x512xi32, #tpu.memory_space<vmem>>, vector<1x1x512xi32>
    %get3A_152 = vector.shape_cast %get3A_151 : vector<1x1x512xi32> to vector<1x512xi32>
    %convert_element_type3A_153 = arith.sitofp %get3A_152 : vector<1x512xi32> to vector<1x512xf32>
    %dot_general3A_154 = arith.constant dense<0.000000e+00> : vector<1x512xf32>
    %dot_general3A_155 = tpu.matmul %convert_element_type3A_153, %convert_element_type3A_3, %dot_general3A_154 {dimension_numbers = #tpu.dot_dimension_numbers<[1], [0], [0], [1], [0, 0, 1, 1], [], []>, transpose_lhs_hint = false} : vector<1x512xf32>, vector<512x512xf32>, vector<1x512xf32> -> vector<1x512xf32>
    %transpose3A_156 = tpu.transpose %dot_general3A_155, [1, 0] : vector<1x512xf32> -> vector<512x1xf32>
    %convert_element_type3A_157 = arith.sitofp %iota3A_4 : vector<1x2048xi32> to vector<1x2048xf32>
    %le3A_158 = vector.broadcast %transpose3A_156 : vector<512x1xf32> to vector<512x2048xf32>
    %le3A_159 = vector.broadcast %convert_element_type3A_157 : vector<1x2048xf32> to vector<512x2048xf32>
    %le3A_160 = arith.cmpf ole, %le3A_158, %le3A_159 : vector<512x2048xf32>
    %convert_element_type3A_161 = arith.extui %le3A_160 : vector<512x2048xi1> to vector<512x2048xi32>
    %convert_element_type3A_162 = arith.sitofp %convert_element_type3A_161 : vector<512x2048xi32> to vector<512x2048xf32>
    %dot_general3A_163 = arith.constant dense<0.000000e+00> : vector<1x2048xf32>
    %dot_general3A_164 = tpu.matmul %broadcast_in_dim3A_5, %convert_element_type3A_162, %dot_general3A_163 {dimension_numbers = #tpu.dot_dimension_numbers<[1], [0], [0], [1], [0, 0, 1, 1], [], []>, transpose_lhs_hint = false} : vector<1x512xf32>, vector<512x2048xf32>, vector<1x2048xf32> -> vector<1x2048xf32>
    %min3A_165 = arith.constant 5.110000e+02 : f32
    %min3A_166 = vector.broadcast %min3A_165 : f32 to vector<1x2048xf32>
    %min3A_167 = arith.minimumf %dot_general3A_164, %min3A_166 : vector<1x2048xf32>
    %convert_element_type3A_168 = arith.fptosi %min3A_167 : vector<1x2048xf32> to vector<1x2048xi32>
    %slice3A_169 = vector.extract_strided_slice %convert_element_type3A_162 {offsets = [511, 0], sizes = [1, 2048], strides = [1, 1]} : vector<512x2048xf32> to vector<1x2048xf32>
    %eq3A_170 = arith.constant 0.000000e+00 : f32
    %eq3A_171 = vector.broadcast %eq3A_170 : f32 to vector<1x2048xf32>
    %eq3A_172 = arith.cmpf oeq, %slice3A_169, %eq3A_171 : vector<1x2048xf32>
    %select_n3A_173 = arith.select %eq3A_172, %convert_element_type3A_168, %and3A_7 : vector<1x2048xi1>, vector<1x2048xi32>
    %mul3A_174 = arith.constant 512 : i32
    %mul3A_175 = arith.muli %add3A_147, %mul3A_174 : i32
    %add3A_176 = vector.broadcast %mul3A_175 : i32 to vector<1x2048xi32>
    %add3A_177 = arith.addi %select_n3A_173, %add3A_176 : vector<1x2048xi32>
    %swap3A_178 = arith.constant 3 : index
    %swap3A_179 = arith.constant 0 : index
    %swap3A_180 = arith.constant 0 : index
    %swap3A_181 = vector.load %arg2[%swap3A_178, %swap3A_179, %swap3A_180] : memref<4x1x2048xi32, #tpu.memory_space<vmem>>, vector<1x1x2048xi32>
    %swap3A_182 = vector.shape_cast %swap3A_181 : vector<1x1x2048xi32> to vector<1x2048xi32>
    %swap3A_183 = vector.shape_cast %add3A_177 : vector<1x2048xi32> to vector<1x1x2048xi32>
    tpu.vector_store %arg2[%swap3A_178, %swap3A_179, %swap3A_180], %swap3A_183 {strides = array<i32>} : memref<4x1x2048xi32, #tpu.memory_space<vmem>>, vector<1x1x2048xi32>,
    %sub3A_184 = arith.constant 1.000000e+00 : f32
    %sub3A_185 = vector.broadcast %sub3A_184 : f32 to vector<1x2048xf32>
    %sub3A_186 = arith.subf %sub3A_185, %slice3A_169 : vector<1x2048xf32>
    %swap3A_187 = arith.constant 3 : index
    %swap3A_188 = arith.constant 0 : index
    %swap3A_189 = arith.constant 0 : index
    %swap3A_190 = vector.load %arg3[%swap3A_187, %swap3A_188, %swap3A_189] : memref<4x1x2048xf32, #tpu.memory_space<vmem>>, vector<1x1x2048xf32>
    %swap3A_191 = vector.shape_cast %swap3A_190 : vector<1x1x2048xf32> to vector<1x2048xf32>
    %swap3A_192 = vector.shape_cast %sub3A_186 : vector<1x2048xf32> to vector<1x1x2048xf32>
    tpu.vector_store %arg3[%swap3A_187, %swap3A_188, %swap3A_189], %swap3A_192 {strides = array<i32>} : memref<4x1x2048xf32, #tpu.memory_space<vmem>>, vector<1x1x2048xf32>,
    return
  }
  func.func @transform_0(%arg0: i32) -> (i32, i32, i32) {
    %c0_i32 = arith.constant 0 : i32
    %c0_i32_0 = arith.constant 0 : i32
    %c0_i32_1 = arith.constant 0 : i32
    return %arg0, %c0_i32, %c0_i32_0 : i32, i32, i32
  }
  func.func @transform_1(%arg0: i32) -> (i32, i32, i32) {
    %c0_i32 = arith.constant 0 : i32
    %c0_i32_0 = arith.constant 0 : i32
    %c0_i32_1 = arith.constant 0 : i32
    return %arg0, %c0_i32, %c0_i32_0 : i32, i32, i32
  }
  func.func @transform_2(%arg0: i32) -> (i32, i32, i32) {
    %c0_i32 = arith.constant 0 : i32
    %c0_i32_0 = arith.constant 0 : i32
    %c0_i32_1 = arith.constant 0 : i32
    return %arg0, %c0_i32, %c0_i32_0 : i32, i32, i32
  }
}

module attributes {stable_mosaic.version = 14 : i64} {
  func.func @_stage_b_body(%arg0: i32, %arg1: memref<2x2048x256xf32, #tpu.memory_space<vmem>>, %arg2: memref<2x1x2048xf32, #tpu.memory_space<vmem>>, %arg3: memref<2x1x2048xf32, #tpu.memory_space<vmem>>, %arg4: memref<256x1xf32, #tpu.memory_space<vmem>>, %arg5: memref<256x1xf32, #tpu.memory_space<vmem>>, %arg6: memref<768x256xf32, #tpu.memory_space<vmem>>, %arg7: memref<1x256xf32, #tpu.memory_space<vmem>>, %arg8: memref<1x256xf32, #tpu.memory_space<vmem>>, %arg9: memref<1x256xf32, #tpu.memory_space<vmem>>, %arg10: memref<768x256xf32, #tpu.memory_space<vmem>>, %arg11: memref<1x256xf32, #tpu.memory_space<vmem>>, %arg12: memref<1x256xf32, #tpu.memory_space<vmem>>, %arg13: memref<1x256xf32, #tpu.memory_space<vmem>>, %arg14: memref<1x256xf32, #tpu.memory_space<vmem>>, %arg15: memref<1x1xf32, #tpu.memory_space<vmem>>, %arg16: memref<256x256xf32, #tpu.memory_space<vmem>>, %arg17: memref<2x2048x256xf32, #tpu.memory_space<vmem>>, %arg18: memref<2x1x2048xf32, #tpu.memory_space<vmem>>) attributes {dimension_semantics = [#tpu.dimension_semantics<arbitrary>], iteration_bounds = array<i64: 8>, scalar_prefetch = 0 : i64, scratch_operands = 0 : i64, tpu.core_type = #tpu.core_type<tc>, window_params = [{transform_indices = @transform_0, window_bounds = array<i64: 2, 2048, 256>}, {transform_indices = @transform_1, window_bounds = array<i64: 2, 1, 2048>}, {transform_indices = @transform_2, window_bounds = array<i64: 2, 1, 2048>}, {pipeline_mode = #tpu.pipeline_mode<synchronous>, transform_indices = @transform_3, window_bounds = array<i64: 256, 1>}, {pipeline_mode = #tpu.pipeline_mode<synchronous>, transform_indices = @transform_4, window_bounds = array<i64: 256, 1>}, {pipeline_mode = #tpu.pipeline_mode<synchronous>, transform_indices = @transform_5, window_bounds = array<i64: 768, 256>}, {pipeline_mode = #tpu.pipeline_mode<synchronous>, transform_indices = @transform_6, window_bounds = array<i64: 1, 256>}, {pipeline_mode = #tpu.pipeline_mode<synchronous>, transform_indices = @transform_7, window_bounds = array<i64: 1, 256>}, {pipeline_mode = #tpu.pipeline_mode<synchronous>, transform_indices = @transform_8, window_bounds = array<i64: 1, 256>}, {pipeline_mode = #tpu.pipeline_mode<synchronous>, transform_indices = @transform_9, window_bounds = array<i64: 768, 256>}, {pipeline_mode = #tpu.pipeline_mode<synchronous>, transform_indices = @transform_10, window_bounds = array<i64: 1, 256>}, {pipeline_mode = #tpu.pipeline_mode<synchronous>, transform_indices = @transform_11, window_bounds = array<i64: 1, 256>}, {pipeline_mode = #tpu.pipeline_mode<synchronous>, transform_indices = @transform_12, window_bounds = array<i64: 1, 256>}, {pipeline_mode = #tpu.pipeline_mode<synchronous>, transform_indices = @transform_13, window_bounds = array<i64: 1, 256>}, {pipeline_mode = #tpu.pipeline_mode<synchronous>, transform_indices = @transform_14, window_bounds = array<i64: 1, 1>}, {pipeline_mode = #tpu.pipeline_mode<synchronous>, transform_indices = @transform_15, window_bounds = array<i64: 256, 256>}, {transform_indices = @transform_16, window_bounds = array<i64: 2, 2048, 256>}, {transform_indices = @transform_17, window_bounds = array<i64: 2, 1, 2048>}]} {
    %get3A = arith.constant 0 : index
    %get3A_0 = arith.constant 0 : index
    %get3A_1 = arith.constant 0 : index
    %get3A_2 = vector.load %arg2[%get3A, %get3A_0, %get3A_1] : memref<2x1x2048xf32, #tpu.memory_space<vmem>>, vector<1x1x2048xf32>
    %get3A_3 = vector.shape_cast %get3A_2 : vector<1x1x2048xf32> to vector<1x2048xf32>
    %transpose3A = tpu.transpose %get3A_3, [1, 0] : vector<1x2048xf32> -> vector<2048x1xf32>
    %get3A_4 = arith.constant 0 : index
    %get3A_5 = arith.constant 0 : index
    %get3A_6 = arith.constant 0 : index
    %get3A_7 = vector.load %arg1[%get3A_4, %get3A_5, %get3A_6] : memref<2x2048x256xf32, #tpu.memory_space<vmem>>, vector<1x2048x256xf32>
    %get3A_8 = vector.shape_cast %get3A_7 : vector<1x2048x256xf32> to vector<2048x256xf32>
    %mul3A = vector.broadcast %transpose3A : vector<2048x1xf32> to vector<2048x256xf32>
    %mul3A_9 = arith.mulf %get3A_8, %mul3A : vector<2048x256xf32>
    %get3A_10 = arith.constant 0 : index
    %get3A_11 = arith.constant 0 : index
    %get3A_12 = vector.load %arg6[%get3A_10, %get3A_11] : memref<768x256xf32, #tpu.memory_space<vmem>>, vector<256x256xf32>
    %dot_general3A = arith.constant dense<0.000000e+00> : vector<2048x256xf32>
    %dot_general3A_13 = tpu.matmul %mul3A_9, %get3A_12, %dot_general3A {dimension_numbers = #tpu.dot_dimension_numbers<[1], [0], [0], [1], [0, 0, 1, 1], [], []>, transpose_lhs_hint = false} : vector<2048x256xf32>, vector<256x256xf32>, vector<2048x256xf32> -> vector<2048x256xf32>
    %get3A_14 = arith.constant 256 : index
    %get3A_15 = arith.constant 0 : index
    %get3A_16 = vector.load %arg6[%get3A_14, %get3A_15] : memref<768x256xf32, #tpu.memory_space<vmem>>, vector<256x256xf32>
    %dot_general3A_17 = arith.constant dense<0.000000e+00> : vector<2048x256xf32>
    %dot_general3A_18 = tpu.matmul %mul3A_9, %get3A_16, %dot_general3A_17 {dimension_numbers = #tpu.dot_dimension_numbers<[1], [0], [0], [1], [0, 0, 1, 1], [], []>, transpose_lhs_hint = false} : vector<2048x256xf32>, vector<256x256xf32>, vector<2048x256xf32> -> vector<2048x256xf32>
    %get3A_19 = arith.constant 512 : index
    %get3A_20 = arith.constant 0 : index
    %get3A_21 = vector.load %arg6[%get3A_19, %get3A_20] : memref<768x256xf32, #tpu.memory_space<vmem>>, vector<256x256xf32>
    %dot_general3A_22 = arith.constant dense<0.000000e+00> : vector<2048x256xf32>
    %dot_general3A_23 = tpu.matmul %mul3A_9, %get3A_21, %dot_general3A_22 {dimension_numbers = #tpu.dot_dimension_numbers<[1], [0], [0], [1], [0, 0, 1, 1], [], []>, transpose_lhs_hint = false} : vector<2048x256xf32>, vector<256x256xf32>, vector<2048x256xf32> -> vector<2048x256xf32>
    %broadcast_in_dim3A = arith.constant 0.000000e+00 : f32
    %broadcast_in_dim3A_24 = vector.broadcast %broadcast_in_dim3A : f32 to vector<1x256xf32>
    %slice3A = vector.extract_strided_slice %dot_general3A_13 {offsets = [0, 0], sizes = [2047, 256], strides = [1, 1]} : vector<2048x256xf32> to vector<2047x256xf32>
    %concatenate3A = tpu.concatenate %broadcast_in_dim3A_24, %slice3A in 0 : vector<1x256xf32>, vector<2047x256xf32> -> vector<2048x256xf32>
    %add3A = arith.addf %dot_general3A_18, %concatenate3A : vector<2048x256xf32>
    %slice3A_25 = vector.extract_strided_slice %dot_general3A_23 {offsets = [1, 0], sizes = [2047, 256], strides = [1, 1]} : vector<2048x256xf32> to vector<2047x256xf32>
    %concatenate3A_26 = tpu.concatenate %slice3A_25, %broadcast_in_dim3A_24 in 0 : vector<2047x256xf32>, vector<1x256xf32> -> vector<2048x256xf32>
    %add3A_27 = arith.addf %add3A, %concatenate3A_26 : vector<2048x256xf32>
    %get3A_28 = arith.constant 0 : index
    %get3A_29 = arith.constant 0 : index
    %get3A_30 = vector.load %arg7[%get3A_28, %get3A_29] : memref<1x256xf32, #tpu.memory_space<vmem>>, vector<1x256xf32>
    %add3A_31 = vector.broadcast %get3A_30 : vector<1x256xf32> to vector<2048x256xf32>
    %add3A_32 = arith.addf %add3A_27, %add3A_31 : vector<2048x256xf32>
    %max3A = arith.constant 0.000000e+00 : f32
    %max3A_33 = vector.broadcast %max3A : f32 to vector<2048x256xf32>
    %max3A_34 = arith.maximumf %add3A_32, %max3A_33 : vector<2048x256xf32>
    %reduce_sum3A = arith.constant dense<0.000000e+00> : vector<2048xf32>
    %reduce_sum3A_35 = vector.multi_reduction <add>, %max3A_34, %reduce_sum3A [1] : vector<2048x256xf32> to vector<2048xf32>
    %broadcast_in_dim3A_36 = vector.shape_cast %reduce_sum3A_35 : vector<2048xf32> to vector<2048x1xf32>
    %div3A = arith.constant 2.560000e+02 : f32
    %div3A_37 = vector.broadcast %div3A : f32 to vector<2048x1xf32>
    %div3A_38 = arith.divf %broadcast_in_dim3A_36, %div3A_37 : vector<2048x1xf32>
    %sub3A = vector.broadcast %div3A_38 : vector<2048x1xf32> to vector<2048x256xf32>
    %sub3A_39 = arith.subf %max3A_34, %sub3A : vector<2048x256xf32>
    %integer_pow3A = arith.mulf %sub3A_39, %sub3A_39 : vector<2048x256xf32>
    %reduce_sum3A_40 = arith.constant dense<0.000000e+00> : vector<2048xf32>
    %reduce_sum3A_41 = vector.multi_reduction <add>, %integer_pow3A, %reduce_sum3A_40 [1] : vector<2048x256xf32> to vector<2048xf32>
    %broadcast_in_dim3A_42 = vector.shape_cast %reduce_sum3A_41 : vector<2048xf32> to vector<2048x1xf32>
    %div3A_43 = arith.constant 2.560000e+02 : f32
    %div3A_44 = vector.broadcast %div3A_43 : f32 to vector<2048x1xf32>
    %div3A_45 = arith.divf %broadcast_in_dim3A_42, %div3A_44 : vector<2048x1xf32>
    %sub3A_46 = vector.broadcast %div3A_38 : vector<2048x1xf32> to vector<2048x256xf32>
    %sub3A_47 = arith.subf %max3A_34, %sub3A_46 : vector<2048x256xf32>
    %add3A_48 = arith.constant 9.99999974E-6 : f32
    %add3A_49 = vector.broadcast %add3A_48 : f32 to vector<2048x1xf32>
    %add3A_50 = arith.addf %div3A_45, %add3A_49 : vector<2048x1xf32>
    %rsqrt3A = math.rsqrt %add3A_50 : vector<2048x1xf32>
    %mul3A_51 = vector.broadcast %rsqrt3A : vector<2048x1xf32> to vector<2048x256xf32>
    %mul3A_52 = arith.mulf %sub3A_47, %mul3A_51 : vector<2048x256xf32>
    %get3A_53 = arith.constant 0 : index
    %get3A_54 = arith.constant 0 : index
    %get3A_55 = vector.load %arg8[%get3A_53, %get3A_54] : memref<1x256xf32, #tpu.memory_space<vmem>>, vector<1x256xf32>
    %mul3A_56 = vector.broadcast %get3A_55 : vector<1x256xf32> to vector<2048x256xf32>
    %mul3A_57 = arith.mulf %mul3A_52, %mul3A_56 : vector<2048x256xf32>
    %get3A_58 = arith.constant 0 : index
    %get3A_59 = arith.constant 0 : index
    %get3A_60 = vector.load %arg9[%get3A_58, %get3A_59] : memref<1x256xf32, #tpu.memory_space<vmem>>, vector<1x256xf32>
    %add3A_61 = vector.broadcast %get3A_60 : vector<1x256xf32> to vector<2048x256xf32>
    %add3A_62 = arith.addf %mul3A_57, %add3A_61 : vector<2048x256xf32>
    %get3A_63 = arith.constant 0 : index
    %get3A_64 = arith.constant 0 : index
    %get3A_65 = vector.load %arg10[%get3A_63, %get3A_64] : memref<768x256xf32, #tpu.memory_space<vmem>>, vector<256x256xf32>
    %dot_general3A_66 = arith.constant dense<0.000000e+00> : vector<2048x256xf32>
    %dot_general3A_67 = tpu.matmul %add3A_62, %get3A_65, %dot_general3A_66 {dimension_numbers = #tpu.dot_dimension_numbers<[1], [0], [0], [1], [0, 0, 1, 1], [], []>, transpose_lhs_hint = false} : vector<2048x256xf32>, vector<256x256xf32>, vector<2048x256xf32> -> vector<2048x256xf32>
    %get3A_68 = arith.constant 256 : index
    %get3A_69 = arith.constant 0 : index
    %get3A_70 = vector.load %arg10[%get3A_68, %get3A_69] : memref<768x256xf32, #tpu.memory_space<vmem>>, vector<256x256xf32>
    %dot_general3A_71 = arith.constant dense<0.000000e+00> : vector<2048x256xf32>
    %dot_general3A_72 = tpu.matmul %add3A_62, %get3A_70, %dot_general3A_71 {dimension_numbers = #tpu.dot_dimension_numbers<[1], [0], [0], [1], [0, 0, 1, 1], [], []>, transpose_lhs_hint = false} : vector<2048x256xf32>, vector<256x256xf32>, vector<2048x256xf32> -> vector<2048x256xf32>
    %get3A_73 = arith.constant 512 : index
    %get3A_74 = arith.constant 0 : index
    %get3A_75 = vector.load %arg10[%get3A_73, %get3A_74] : memref<768x256xf32, #tpu.memory_space<vmem>>, vector<256x256xf32>
    %dot_general3A_76 = arith.constant dense<0.000000e+00> : vector<2048x256xf32>
    %dot_general3A_77 = tpu.matmul %add3A_62, %get3A_75, %dot_general3A_76 {dimension_numbers = #tpu.dot_dimension_numbers<[1], [0], [0], [1], [0, 0, 1, 1], [], []>, transpose_lhs_hint = false} : vector<2048x256xf32>, vector<256x256xf32>, vector<2048x256xf32> -> vector<2048x256xf32>
    %broadcast_in_dim3A_78 = arith.constant 0.000000e+00 : f32
    %broadcast_in_dim3A_79 = vector.broadcast %broadcast_in_dim3A_78 : f32 to vector<1x256xf32>
    %slice3A_80 = vector.extract_strided_slice %dot_general3A_67 {offsets = [0, 0], sizes = [2047, 256], strides = [1, 1]} : vector<2048x256xf32> to vector<2047x256xf32>
    %concatenate3A_81 = tpu.concatenate %broadcast_in_dim3A_79, %slice3A_80 in 0 : vector<1x256xf32>, vector<2047x256xf32> -> vector<2048x256xf32>
    %add3A_82 = arith.addf %dot_general3A_72, %concatenate3A_81 : vector<2048x256xf32>
    %slice3A_83 = vector.extract_strided_slice %dot_general3A_77 {offsets = [1, 0], sizes = [2047, 256], strides = [1, 1]} : vector<2048x256xf32> to vector<2047x256xf32>
    %concatenate3A_84 = tpu.concatenate %slice3A_83, %broadcast_in_dim3A_79 in 0 : vector<2047x256xf32>, vector<1x256xf32> -> vector<2048x256xf32>
    %add3A_85 = arith.addf %add3A_82, %concatenate3A_84 : vector<2048x256xf32>
    %get3A_86 = arith.constant 0 : index
    %get3A_87 = arith.constant 0 : index
    %get3A_88 = vector.load %arg11[%get3A_86, %get3A_87] : memref<1x256xf32, #tpu.memory_space<vmem>>, vector<1x256xf32>
    %add3A_89 = vector.broadcast %get3A_88 : vector<1x256xf32> to vector<2048x256xf32>
    %add3A_90 = arith.addf %add3A_85, %add3A_89 : vector<2048x256xf32>
    %max3A_91 = arith.constant 0.000000e+00 : f32
    %max3A_92 = vector.broadcast %max3A_91 : f32 to vector<2048x256xf32>
    %max3A_93 = arith.maximumf %add3A_90, %max3A_92 : vector<2048x256xf32>
    %reduce_sum3A_94 = arith.constant dense<0.000000e+00> : vector<2048xf32>
    %reduce_sum3A_95 = vector.multi_reduction <add>, %max3A_93, %reduce_sum3A_94 [1] : vector<2048x256xf32> to vector<2048xf32>
    %broadcast_in_dim3A_96 = vector.shape_cast %reduce_sum3A_95 : vector<2048xf32> to vector<2048x1xf32>
    %div3A_97 = arith.constant 2.560000e+02 : f32
    %div3A_98 = vector.broadcast %div3A_97 : f32 to vector<2048x1xf32>
    %div3A_99 = arith.divf %broadcast_in_dim3A_96, %div3A_98 : vector<2048x1xf32>
    %sub3A_100 = vector.broadcast %div3A_99 : vector<2048x1xf32> to vector<2048x256xf32>
    %sub3A_101 = arith.subf %max3A_93, %sub3A_100 : vector<2048x256xf32>
    %integer_pow3A_102 = arith.mulf %sub3A_101, %sub3A_101 : vector<2048x256xf32>
    %reduce_sum3A_103 = arith.constant dense<0.000000e+00> : vector<2048xf32>
    %reduce_sum3A_104 = vector.multi_reduction <add>, %integer_pow3A_102, %reduce_sum3A_103 [1] : vector<2048x256xf32> to vector<2048xf32>
    %broadcast_in_dim3A_105 = vector.shape_cast %reduce_sum3A_104 : vector<2048xf32> to vector<2048x1xf32>
    %div3A_106 = arith.constant 2.560000e+02 : f32
    %div3A_107 = vector.broadcast %div3A_106 : f32 to vector<2048x1xf32>
    %div3A_108 = arith.divf %broadcast_in_dim3A_105, %div3A_107 : vector<2048x1xf32>
    %sub3A_109 = vector.broadcast %div3A_99 : vector<2048x1xf32> to vector<2048x256xf32>
    %sub3A_110 = arith.subf %max3A_93, %sub3A_109 : vector<2048x256xf32>
    %add3A_111 = arith.constant 9.99999974E-6 : f32
    %add3A_112 = vector.broadcast %add3A_111 : f32 to vector<2048x1xf32>
    %add3A_113 = arith.addf %div3A_108, %add3A_112 : vector<2048x1xf32>
    %rsqrt3A_114 = math.rsqrt %add3A_113 : vector<2048x1xf32>
    %mul3A_115 = vector.broadcast %rsqrt3A_114 : vector<2048x1xf32> to vector<2048x256xf32>
    %mul3A_116 = arith.mulf %sub3A_110, %mul3A_115 : vector<2048x256xf32>
    %get3A_117 = arith.constant 0 : index
    %get3A_118 = arith.constant 0 : index
    %get3A_119 = vector.load %arg12[%get3A_117, %get3A_118] : memref<1x256xf32, #tpu.memory_space<vmem>>, vector<1x256xf32>
    %mul3A_120 = vector.broadcast %get3A_119 : vector<1x256xf32> to vector<2048x256xf32>
    %mul3A_121 = arith.mulf %mul3A_116, %mul3A_120 : vector<2048x256xf32>
    %get3A_122 = arith.constant 0 : index
    %get3A_123 = arith.constant 0 : index
    %get3A_124 = vector.load %arg13[%get3A_122, %get3A_123] : memref<1x256xf32, #tpu.memory_space<vmem>>, vector<1x256xf32>
    %add3A_125 = vector.broadcast %get3A_124 : vector<1x256xf32> to vector<2048x256xf32>
    %add3A_126 = arith.addf %mul3A_121, %add3A_125 : vector<2048x256xf32>
    %get3A_127 = arith.constant 0 : index
    %get3A_128 = arith.constant 0 : index
    %get3A_129 = vector.load %arg14[%get3A_127, %get3A_128] : memref<1x256xf32, #tpu.memory_space<vmem>>, vector<1x256xf32>
    %mul3A_130 = vector.broadcast %get3A_129 : vector<1x256xf32> to vector<2048x256xf32>
    %mul3A_131 = arith.mulf %add3A_126, %mul3A_130 : vector<2048x256xf32>
    %reduce_sum3A_132 = arith.constant dense<0.000000e+00> : vector<2048xf32>
    %reduce_sum3A_133 = vector.multi_reduction <add>, %mul3A_131, %reduce_sum3A_132 [1] : vector<2048x256xf32> to vector<2048xf32>
    %broadcast_in_dim3A_134 = vector.shape_cast %reduce_sum3A_133 : vector<2048xf32> to vector<2048x1xf32>
    %get3A_135 = arith.constant 0 : index
    %get3A_136 = arith.constant 0 : index
    %get3A_137 = vector.load %arg15[%get3A_135, %get3A_136] : memref<1x1xf32, #tpu.memory_space<vmem>>, vector<1x1xf32>
    %get3A_138 = vector.extract %get3A_137[0, 0] : f32 from vector<1x1xf32>
    %add3A_139 = vector.broadcast %get3A_138 : f32 to vector<2048x1xf32>
    %add3A_140 = arith.addf %broadcast_in_dim3A_134, %add3A_139 : vector<2048x1xf32>
    %transpose3A_141 = tpu.transpose %add3A_140, [1, 0] : vector<2048x1xf32> -> vector<1x2048xf32>
    %swap3A = arith.constant 0 : index
    %swap3A_142 = arith.constant 0 : index
    %swap3A_143 = arith.constant 0 : index
    %swap3A_144 = vector.load %arg18[%swap3A, %swap3A_142, %swap3A_143] : memref<2x1x2048xf32, #tpu.memory_space<vmem>>, vector<1x1x2048xf32>
    %swap3A_145 = vector.shape_cast %swap3A_144 : vector<1x1x2048xf32> to vector<1x2048xf32>
    %swap3A_146 = vector.shape_cast %transpose3A_141 : vector<1x2048xf32> to vector<1x1x2048xf32>
    tpu.vector_store %arg18[%swap3A, %swap3A_142, %swap3A_143], %swap3A_146 {strides = array<i32>} : memref<2x1x2048xf32, #tpu.memory_space<vmem>>, vector<1x1x2048xf32>,
    %get3A_147 = arith.constant 0 : index
    %get3A_148 = arith.constant 0 : index
    %get3A_149 = arith.constant 0 : index
    %get3A_150 = vector.load %arg3[%get3A_147, %get3A_148, %get3A_149] : memref<2x1x2048xf32, #tpu.memory_space<vmem>>, vector<1x1x2048xf32>
    %get3A_151 = vector.shape_cast %get3A_150 : vector<1x1x2048xf32> to vector<1x2048xf32>
    %get3A_152 = arith.constant 0 : index
    %get3A_153 = arith.constant 0 : index
    %get3A_154 = vector.load %arg4[%get3A_152, %get3A_153] : memref<256x1xf32, #tpu.memory_space<vmem>>, vector<256x1xf32>
    %lt3A = vector.broadcast %get3A_154 : vector<256x1xf32> to vector<256x2048xf32>
    %lt3A_155 = vector.broadcast %get3A_151 : vector<1x2048xf32> to vector<256x2048xf32>
    %lt3A_156 = arith.cmpf olt, %lt3A, %lt3A_155 : vector<256x2048xf32>
    %get3A_157 = arith.constant 0 : index
    %get3A_158 = arith.constant 0 : index
    %get3A_159 = vector.load %arg5[%get3A_157, %get3A_158] : memref<256x1xf32, #tpu.memory_space<vmem>>, vector<256x1xf32>
    %lt3A_160 = vector.broadcast %get3A_159 : vector<256x1xf32> to vector<256x2048xf32>
    %lt3A_161 = vector.broadcast %get3A_151 : vector<1x2048xf32> to vector<256x2048xf32>
    %lt3A_162 = arith.cmpf olt, %lt3A_160, %lt3A_161 : vector<256x2048xf32>
    %not3A = arith.constant dense<true> : vector<256x2048xi1>
    %not3A_163 = arith.xori %lt3A_162, %not3A : vector<256x2048xi1>
    %and3A = arith.andi %lt3A_156, %not3A_163 : vector<256x2048xi1>
    %jit3A = arith.constant 1.000000e+00 : f32
    %jit3A_164 = arith.constant 0.000000e+00 : f32
    %broadcast_in_dim3A_165 = vector.broadcast %jit3A : f32 to vector<256x2048xf32>
    %broadcast_in_dim3A_166 = vector.broadcast %jit3A_164 : f32 to vector<256x2048xf32>
    %select_n3A = arith.select %and3A, %broadcast_in_dim3A_165, %broadcast_in_dim3A_166 : vector<256x2048xi1>, vector<256x2048xf32>
    %get3A_167 = arith.constant 0 : index
    %get3A_168 = arith.constant 0 : index
    %get3A_169 = vector.load %arg16[%get3A_167, %get3A_168] : memref<256x256xf32, #tpu.memory_space<vmem>>, vector<256x256xf32>
    %dot_general3A_170 = arith.constant dense<0.000000e+00> : vector<2048x256xf32>
    %dot_general3A_171 = tpu.matmul %select_n3A, %get3A_169, %dot_general3A_170 {dimension_numbers = #tpu.dot_dimension_numbers<[0], [0], [1], [1], [0, 1, 1, 1], [], []>, transpose_lhs_hint = false} : vector<256x2048xf32>, vector<256x256xf32>, vector<2048x256xf32> -> vector<2048x256xf32>
    %add3A_172 = arith.addf %mul3A_9, %dot_general3A_171 : vector<2048x256xf32>
    %swap3A_173 = arith.constant 0 : index
    %swap3A_174 = arith.constant 0 : index
    %swap3A_175 = arith.constant 0 : index
    %swap3A_176 = vector.load %arg17[%swap3A_173, %swap3A_174, %swap3A_175] : memref<2x2048x256xf32, #tpu.memory_space<vmem>>, vector<1x2048x256xf32>
    %swap3A_177 = vector.shape_cast %swap3A_176 : vector<1x2048x256xf32> to vector<2048x256xf32>
    %swap3A_178 = vector.shape_cast %add3A_172 : vector<2048x256xf32> to vector<1x2048x256xf32>
    tpu.vector_store %arg17[%swap3A_173, %swap3A_174, %swap3A_175], %swap3A_178 {strides = array<i32>} : memref<2x2048x256xf32, #tpu.memory_space<vmem>>, vector<1x2048x256xf32>,
    %get3A_179 = arith.constant 1 : index
    %get3A_180 = arith.constant 0 : index
    %get3A_181 = arith.constant 0 : index
    %get3A_182 = vector.load %arg2[%get3A_179, %get3A_180, %get3A_181] : memref<2x1x2048xf32, #tpu.memory_space<vmem>>, vector<1x1x2048xf32>
    %get3A_183 = vector.shape_cast %get3A_182 : vector<1x1x2048xf32> to vector<1x2048xf32>
    %transpose3A_184 = tpu.transpose %get3A_183, [1, 0] : vector<1x2048xf32> -> vector<2048x1xf32>
    %get3A_185 = arith.constant 1 : index
    %get3A_186 = arith.constant 0 : index
    %get3A_187 = arith.constant 0 : index
    %get3A_188 = vector.load %arg1[%get3A_185, %get3A_186, %get3A_187] : memref<2x2048x256xf32, #tpu.memory_space<vmem>>, vector<1x2048x256xf32>
    %get3A_189 = vector.shape_cast %get3A_188 : vector<1x2048x256xf32> to vector<2048x256xf32>
    %mul3A_190 = vector.broadcast %transpose3A_184 : vector<2048x1xf32> to vector<2048x256xf32>
    %mul3A_191 = arith.mulf %get3A_189, %mul3A_190 : vector<2048x256xf32>
    %get3A_192 = arith.constant 0 : index
    %get3A_193 = arith.constant 0 : index
    %get3A_194 = vector.load %arg6[%get3A_192, %get3A_193] : memref<768x256xf32, #tpu.memory_space<vmem>>, vector<256x256xf32>
    %dot_general3A_195 = arith.constant dense<0.000000e+00> : vector<2048x256xf32>
    %dot_general3A_196 = tpu.matmul %mul3A_191, %get3A_194, %dot_general3A_195 {dimension_numbers = #tpu.dot_dimension_numbers<[1], [0], [0], [1], [0, 0, 1, 1], [], []>, transpose_lhs_hint = false} : vector<2048x256xf32>, vector<256x256xf32>, vector<2048x256xf32> -> vector<2048x256xf32>
    %get3A_197 = arith.constant 256 : index
    %get3A_198 = arith.constant 0 : index
    %get3A_199 = vector.load %arg6[%get3A_197, %get3A_198] : memref<768x256xf32, #tpu.memory_space<vmem>>, vector<256x256xf32>
    %dot_general3A_200 = arith.constant dense<0.000000e+00> : vector<2048x256xf32>
    %dot_general3A_201 = tpu.matmul %mul3A_191, %get3A_199, %dot_general3A_200 {dimension_numbers = #tpu.dot_dimension_numbers<[1], [0], [0], [1], [0, 0, 1, 1], [], []>, transpose_lhs_hint = false} : vector<2048x256xf32>, vector<256x256xf32>, vector<2048x256xf32> -> vector<2048x256xf32>
    %get3A_202 = arith.constant 512 : index
    %get3A_203 = arith.constant 0 : index
    %get3A_204 = vector.load %arg6[%get3A_202, %get3A_203] : memref<768x256xf32, #tpu.memory_space<vmem>>, vector<256x256xf32>
    %dot_general3A_205 = arith.constant dense<0.000000e+00> : vector<2048x256xf32>
    %dot_general3A_206 = tpu.matmul %mul3A_191, %get3A_204, %dot_general3A_205 {dimension_numbers = #tpu.dot_dimension_numbers<[1], [0], [0], [1], [0, 0, 1, 1], [], []>, transpose_lhs_hint = false} : vector<2048x256xf32>, vector<256x256xf32>, vector<2048x256xf32> -> vector<2048x256xf32>
    %broadcast_in_dim3A_207 = arith.constant 0.000000e+00 : f32
    %broadcast_in_dim3A_208 = vector.broadcast %broadcast_in_dim3A_207 : f32 to vector<1x256xf32>
    %slice3A_209 = vector.extract_strided_slice %dot_general3A_196 {offsets = [0, 0], sizes = [2047, 256], strides = [1, 1]} : vector<2048x256xf32> to vector<2047x256xf32>
    %concatenate3A_210 = tpu.concatenate %broadcast_in_dim3A_208, %slice3A_209 in 0 : vector<1x256xf32>, vector<2047x256xf32> -> vector<2048x256xf32>
    %add3A_211 = arith.addf %dot_general3A_201, %concatenate3A_210 : vector<2048x256xf32>
    %slice3A_212 = vector.extract_strided_slice %dot_general3A_206 {offsets = [1, 0], sizes = [2047, 256], strides = [1, 1]} : vector<2048x256xf32> to vector<2047x256xf32>
    %concatenate3A_213 = tpu.concatenate %slice3A_212, %broadcast_in_dim3A_208 in 0 : vector<2047x256xf32>, vector<1x256xf32> -> vector<2048x256xf32>
    %add3A_214 = arith.addf %add3A_211, %concatenate3A_213 : vector<2048x256xf32>
    %get3A_215 = arith.constant 0 : index
    %get3A_216 = arith.constant 0 : index
    %get3A_217 = vector.load %arg7[%get3A_215, %get3A_216] : memref<1x256xf32, #tpu.memory_space<vmem>>, vector<1x256xf32>
    %add3A_218 = vector.broadcast %get3A_217 : vector<1x256xf32> to vector<2048x256xf32>
    %add3A_219 = arith.addf %add3A_214, %add3A_218 : vector<2048x256xf32>
    %max3A_220 = arith.constant 0.000000e+00 : f32
    %max3A_221 = vector.broadcast %max3A_220 : f32 to vector<2048x256xf32>
    %max3A_222 = arith.maximumf %add3A_219, %max3A_221 : vector<2048x256xf32>
    %reduce_sum3A_223 = arith.constant dense<0.000000e+00> : vector<2048xf32>
    %reduce_sum3A_224 = vector.multi_reduction <add>, %max3A_222, %reduce_sum3A_223 [1] : vector<2048x256xf32> to vector<2048xf32>
    %broadcast_in_dim3A_225 = vector.shape_cast %reduce_sum3A_224 : vector<2048xf32> to vector<2048x1xf32>
    %div3A_226 = arith.constant 2.560000e+02 : f32
    %div3A_227 = vector.broadcast %div3A_226 : f32 to vector<2048x1xf32>
    %div3A_228 = arith.divf %broadcast_in_dim3A_225, %div3A_227 : vector<2048x1xf32>
    %sub3A_229 = vector.broadcast %div3A_228 : vector<2048x1xf32> to vector<2048x256xf32>
    %sub3A_230 = arith.subf %max3A_222, %sub3A_229 : vector<2048x256xf32>
    %integer_pow3A_231 = arith.mulf %sub3A_230, %sub3A_230 : vector<2048x256xf32>
    %reduce_sum3A_232 = arith.constant dense<0.000000e+00> : vector<2048xf32>
    %reduce_sum3A_233 = vector.multi_reduction <add>, %integer_pow3A_231, %reduce_sum3A_232 [1] : vector<2048x256xf32> to vector<2048xf32>
    %broadcast_in_dim3A_234 = vector.shape_cast %reduce_sum3A_233 : vector<2048xf32> to vector<2048x1xf32>
    %div3A_235 = arith.constant 2.560000e+02 : f32
    %div3A_236 = vector.broadcast %div3A_235 : f32 to vector<2048x1xf32>
    %div3A_237 = arith.divf %broadcast_in_dim3A_234, %div3A_236 : vector<2048x1xf32>
    %sub3A_238 = vector.broadcast %div3A_228 : vector<2048x1xf32> to vector<2048x256xf32>
    %sub3A_239 = arith.subf %max3A_222, %sub3A_238 : vector<2048x256xf32>
    %add3A_240 = arith.constant 9.99999974E-6 : f32
    %add3A_241 = vector.broadcast %add3A_240 : f32 to vector<2048x1xf32>
    %add3A_242 = arith.addf %div3A_237, %add3A_241 : vector<2048x1xf32>
    %rsqrt3A_243 = math.rsqrt %add3A_242 : vector<2048x1xf32>
    %mul3A_244 = vector.broadcast %rsqrt3A_243 : vector<2048x1xf32> to vector<2048x256xf32>
    %mul3A_245 = arith.mulf %sub3A_239, %mul3A_244 : vector<2048x256xf32>
    %get3A_246 = arith.constant 0 : index
    %get3A_247 = arith.constant 0 : index
    %get3A_248 = vector.load %arg8[%get3A_246, %get3A_247] : memref<1x256xf32, #tpu.memory_space<vmem>>, vector<1x256xf32>
    %mul3A_249 = vector.broadcast %get3A_248 : vector<1x256xf32> to vector<2048x256xf32>
    %mul3A_250 = arith.mulf %mul3A_245, %mul3A_249 : vector<2048x256xf32>
    %get3A_251 = arith.constant 0 : index
    %get3A_252 = arith.constant 0 : index
    %get3A_253 = vector.load %arg9[%get3A_251, %get3A_252] : memref<1x256xf32, #tpu.memory_space<vmem>>, vector<1x256xf32>
    %add3A_254 = vector.broadcast %get3A_253 : vector<1x256xf32> to vector<2048x256xf32>
    %add3A_255 = arith.addf %mul3A_250, %add3A_254 : vector<2048x256xf32>
    %get3A_256 = arith.constant 0 : index
    %get3A_257 = arith.constant 0 : index
    %get3A_258 = vector.load %arg10[%get3A_256, %get3A_257] : memref<768x256xf32, #tpu.memory_space<vmem>>, vector<256x256xf32>
    %dot_general3A_259 = arith.constant dense<0.000000e+00> : vector<2048x256xf32>
    %dot_general3A_260 = tpu.matmul %add3A_255, %get3A_258, %dot_general3A_259 {dimension_numbers = #tpu.dot_dimension_numbers<[1], [0], [0], [1], [0, 0, 1, 1], [], []>, transpose_lhs_hint = false} : vector<2048x256xf32>, vector<256x256xf32>, vector<2048x256xf32> -> vector<2048x256xf32>
    %get3A_261 = arith.constant 256 : index
    %get3A_262 = arith.constant 0 : index
    %get3A_263 = vector.load %arg10[%get3A_261, %get3A_262] : memref<768x256xf32, #tpu.memory_space<vmem>>, vector<256x256xf32>
    %dot_general3A_264 = arith.constant dense<0.000000e+00> : vector<2048x256xf32>
    %dot_general3A_265 = tpu.matmul %add3A_255, %get3A_263, %dot_general3A_264 {dimension_numbers = #tpu.dot_dimension_numbers<[1], [0], [0], [1], [0, 0, 1, 1], [], []>, transpose_lhs_hint = false} : vector<2048x256xf32>, vector<256x256xf32>, vector<2048x256xf32> -> vector<2048x256xf32>
    %get3A_266 = arith.constant 512 : index
    %get3A_267 = arith.constant 0 : index
    %get3A_268 = vector.load %arg10[%get3A_266, %get3A_267] : memref<768x256xf32, #tpu.memory_space<vmem>>, vector<256x256xf32>
    %dot_general3A_269 = arith.constant dense<0.000000e+00> : vector<2048x256xf32>
    %dot_general3A_270 = tpu.matmul %add3A_255, %get3A_268, %dot_general3A_269 {dimension_numbers = #tpu.dot_dimension_numbers<[1], [0], [0], [1], [0, 0, 1, 1], [], []>, transpose_lhs_hint = false} : vector<2048x256xf32>, vector<256x256xf32>, vector<2048x256xf32> -> vector<2048x256xf32>
    %broadcast_in_dim3A_271 = arith.constant 0.000000e+00 : f32
    %broadcast_in_dim3A_272 = vector.broadcast %broadcast_in_dim3A_271 : f32 to vector<1x256xf32>
    %slice3A_273 = vector.extract_strided_slice %dot_general3A_260 {offsets = [0, 0], sizes = [2047, 256], strides = [1, 1]} : vector<2048x256xf32> to vector<2047x256xf32>
    %concatenate3A_274 = tpu.concatenate %broadcast_in_dim3A_272, %slice3A_273 in 0 : vector<1x256xf32>, vector<2047x256xf32> -> vector<2048x256xf32>
    %add3A_275 = arith.addf %dot_general3A_265, %concatenate3A_274 : vector<2048x256xf32>
    %slice3A_276 = vector.extract_strided_slice %dot_general3A_270 {offsets = [1, 0], sizes = [2047, 256], strides = [1, 1]} : vector<2048x256xf32> to vector<2047x256xf32>
    %concatenate3A_277 = tpu.concatenate %slice3A_276, %broadcast_in_dim3A_272 in 0 : vector<2047x256xf32>, vector<1x256xf32> -> vector<2048x256xf32>
    %add3A_278 = arith.addf %add3A_275, %concatenate3A_277 : vector<2048x256xf32>
    %get3A_279 = arith.constant 0 : index
    %get3A_280 = arith.constant 0 : index
    %get3A_281 = vector.load %arg11[%get3A_279, %get3A_280] : memref<1x256xf32, #tpu.memory_space<vmem>>, vector<1x256xf32>
    %add3A_282 = vector.broadcast %get3A_281 : vector<1x256xf32> to vector<2048x256xf32>
    %add3A_283 = arith.addf %add3A_278, %add3A_282 : vector<2048x256xf32>
    %max3A_284 = arith.constant 0.000000e+00 : f32
    %max3A_285 = vector.broadcast %max3A_284 : f32 to vector<2048x256xf32>
    %max3A_286 = arith.maximumf %add3A_283, %max3A_285 : vector<2048x256xf32>
    %reduce_sum3A_287 = arith.constant dense<0.000000e+00> : vector<2048xf32>
    %reduce_sum3A_288 = vector.multi_reduction <add>, %max3A_286, %reduce_sum3A_287 [1] : vector<2048x256xf32> to vector<2048xf32>
    %broadcast_in_dim3A_289 = vector.shape_cast %reduce_sum3A_288 : vector<2048xf32> to vector<2048x1xf32>
    %div3A_290 = arith.constant 2.560000e+02 : f32
    %div3A_291 = vector.broadcast %div3A_290 : f32 to vector<2048x1xf32>
    %div3A_292 = arith.divf %broadcast_in_dim3A_289, %div3A_291 : vector<2048x1xf32>
    %sub3A_293 = vector.broadcast %div3A_292 : vector<2048x1xf32> to vector<2048x256xf32>
    %sub3A_294 = arith.subf %max3A_286, %sub3A_293 : vector<2048x256xf32>
    %integer_pow3A_295 = arith.mulf %sub3A_294, %sub3A_294 : vector<2048x256xf32>
    %reduce_sum3A_296 = arith.constant dense<0.000000e+00> : vector<2048xf32>
    %reduce_sum3A_297 = vector.multi_reduction <add>, %integer_pow3A_295, %reduce_sum3A_296 [1] : vector<2048x256xf32> to vector<2048xf32>
    %broadcast_in_dim3A_298 = vector.shape_cast %reduce_sum3A_297 : vector<2048xf32> to vector<2048x1xf32>
    %div3A_299 = arith.constant 2.560000e+02 : f32
    %div3A_300 = vector.broadcast %div3A_299 : f32 to vector<2048x1xf32>
    %div3A_301 = arith.divf %broadcast_in_dim3A_298, %div3A_300 : vector<2048x1xf32>
    %sub3A_302 = vector.broadcast %div3A_292 : vector<2048x1xf32> to vector<2048x256xf32>
    %sub3A_303 = arith.subf %max3A_286, %sub3A_302 : vector<2048x256xf32>
    %add3A_304 = arith.constant 9.99999974E-6 : f32
    %add3A_305 = vector.broadcast %add3A_304 : f32 to vector<2048x1xf32>
    %add3A_306 = arith.addf %div3A_301, %add3A_305 : vector<2048x1xf32>
    %rsqrt3A_307 = math.rsqrt %add3A_306 : vector<2048x1xf32>
    %mul3A_308 = vector.broadcast %rsqrt3A_307 : vector<2048x1xf32> to vector<2048x256xf32>
    %mul3A_309 = arith.mulf %sub3A_303, %mul3A_308 : vector<2048x256xf32>
    %get3A_310 = arith.constant 0 : index
    %get3A_311 = arith.constant 0 : index
    %get3A_312 = vector.load %arg12[%get3A_310, %get3A_311] : memref<1x256xf32, #tpu.memory_space<vmem>>, vector<1x256xf32>
    %mul3A_313 = vector.broadcast %get3A_312 : vector<1x256xf32> to vector<2048x256xf32>
    %mul3A_314 = arith.mulf %mul3A_309, %mul3A_313 : vector<2048x256xf32>
    %get3A_315 = arith.constant 0 : index
    %get3A_316 = arith.constant 0 : index
    %get3A_317 = vector.load %arg13[%get3A_315, %get3A_316] : memref<1x256xf32, #tpu.memory_space<vmem>>, vector<1x256xf32>
    %add3A_318 = vector.broadcast %get3A_317 : vector<1x256xf32> to vector<2048x256xf32>
    %add3A_319 = arith.addf %mul3A_314, %add3A_318 : vector<2048x256xf32>
    %get3A_320 = arith.constant 0 : index
    %get3A_321 = arith.constant 0 : index
    %get3A_322 = vector.load %arg14[%get3A_320, %get3A_321] : memref<1x256xf32, #tpu.memory_space<vmem>>, vector<1x256xf32>
    %mul3A_323 = vector.broadcast %get3A_322 : vector<1x256xf32> to vector<2048x256xf32>
    %mul3A_324 = arith.mulf %add3A_319, %mul3A_323 : vector<2048x256xf32>
    %reduce_sum3A_325 = arith.constant dense<0.000000e+00> : vector<2048xf32>
    %reduce_sum3A_326 = vector.multi_reduction <add>, %mul3A_324, %reduce_sum3A_325 [1] : vector<2048x256xf32> to vector<2048xf32>
    %broadcast_in_dim3A_327 = vector.shape_cast %reduce_sum3A_326 : vector<2048xf32> to vector<2048x1xf32>
    %get3A_328 = arith.constant 0 : index
    %get3A_329 = arith.constant 0 : index
    %get3A_330 = vector.load %arg15[%get3A_328, %get3A_329] : memref<1x1xf32, #tpu.memory_space<vmem>>, vector<1x1xf32>
    %get3A_331 = vector.extract %get3A_330[0, 0] : f32 from vector<1x1xf32>
    %add3A_332 = vector.broadcast %get3A_331 : f32 to vector<2048x1xf32>
    %add3A_333 = arith.addf %broadcast_in_dim3A_327, %add3A_332 : vector<2048x1xf32>
    %transpose3A_334 = tpu.transpose %add3A_333, [1, 0] : vector<2048x1xf32> -> vector<1x2048xf32>
    %swap3A_335 = arith.constant 1 : index
    %swap3A_336 = arith.constant 0 : index
    %swap3A_337 = arith.constant 0 : index
    %swap3A_338 = vector.load %arg18[%swap3A_335, %swap3A_336, %swap3A_337] : memref<2x1x2048xf32, #tpu.memory_space<vmem>>, vector<1x1x2048xf32>
    %swap3A_339 = vector.shape_cast %swap3A_338 : vector<1x1x2048xf32> to vector<1x2048xf32>
    %swap3A_340 = vector.shape_cast %transpose3A_334 : vector<1x2048xf32> to vector<1x1x2048xf32>
    tpu.vector_store %arg18[%swap3A_335, %swap3A_336, %swap3A_337], %swap3A_340 {strides = array<i32>} : memref<2x1x2048xf32, #tpu.memory_space<vmem>>, vector<1x1x2048xf32>,
    %get3A_341 = arith.constant 1 : index
    %get3A_342 = arith.constant 0 : index
    %get3A_343 = arith.constant 0 : index
    %get3A_344 = vector.load %arg3[%get3A_341, %get3A_342, %get3A_343] : memref<2x1x2048xf32, #tpu.memory_space<vmem>>, vector<1x1x2048xf32>
    %get3A_345 = vector.shape_cast %get3A_344 : vector<1x1x2048xf32> to vector<1x2048xf32>
    %get3A_346 = arith.constant 0 : index
    %get3A_347 = arith.constant 0 : index
    %get3A_348 = vector.load %arg4[%get3A_346, %get3A_347] : memref<256x1xf32, #tpu.memory_space<vmem>>, vector<256x1xf32>
    %lt3A_349 = vector.broadcast %get3A_348 : vector<256x1xf32> to vector<256x2048xf32>
    %lt3A_350 = vector.broadcast %get3A_345 : vector<1x2048xf32> to vector<256x2048xf32>
    %lt3A_351 = arith.cmpf olt, %lt3A_349, %lt3A_350 : vector<256x2048xf32>
    %get3A_352 = arith.constant 0 : index
    %get3A_353 = arith.constant 0 : index
    %get3A_354 = vector.load %arg5[%get3A_352, %get3A_353] : memref<256x1xf32, #tpu.memory_space<vmem>>, vector<256x1xf32>
    %lt3A_355 = vector.broadcast %get3A_354 : vector<256x1xf32> to vector<256x2048xf32>
    %lt3A_356 = vector.broadcast %get3A_345 : vector<1x2048xf32> to vector<256x2048xf32>
    %lt3A_357 = arith.cmpf olt, %lt3A_355, %lt3A_356 : vector<256x2048xf32>
    %not3A_358 = arith.constant dense<true> : vector<256x2048xi1>
    %not3A_359 = arith.xori %lt3A_357, %not3A_358 : vector<256x2048xi1>
    %and3A_360 = arith.andi %lt3A_351, %not3A_359 : vector<256x2048xi1>
    %jit3A_361 = arith.constant 1.000000e+00 : f32
    %jit3A_362 = arith.constant 0.000000e+00 : f32
    %broadcast_in_dim3A_363 = vector.broadcast %jit3A_361 : f32 to vector<256x2048xf32>
    %broadcast_in_dim3A_364 = vector.broadcast %jit3A_362 : f32 to vector<256x2048xf32>
    %select_n3A_365 = arith.select %and3A_360, %broadcast_in_dim3A_363, %broadcast_in_dim3A_364 : vector<256x2048xi1>, vector<256x2048xf32>
    %get3A_366 = arith.constant 0 : index
    %get3A_367 = arith.constant 0 : index
    %get3A_368 = vector.load %arg16[%get3A_366, %get3A_367] : memref<256x256xf32, #tpu.memory_space<vmem>>, vector<256x256xf32>
    %dot_general3A_369 = arith.constant dense<0.000000e+00> : vector<2048x256xf32>
    %dot_general3A_370 = tpu.matmul %select_n3A_365, %get3A_368, %dot_general3A_369 {dimension_numbers = #tpu.dot_dimension_numbers<[0], [0], [1], [1], [0, 1, 1, 1], [], []>, transpose_lhs_hint = false} : vector<256x2048xf32>, vector<256x256xf32>, vector<2048x256xf32> -> vector<2048x256xf32>
    %add3A_371 = arith.addf %mul3A_191, %dot_general3A_370 : vector<2048x256xf32>
    %swap3A_372 = arith.constant 1 : index
    %swap3A_373 = arith.constant 0 : index
    %swap3A_374 = arith.constant 0 : index
    %swap3A_375 = vector.load %arg17[%swap3A_372, %swap3A_373, %swap3A_374] : memref<2x2048x256xf32, #tpu.memory_space<vmem>>, vector<1x2048x256xf32>
    %swap3A_376 = vector.shape_cast %swap3A_375 : vector<1x2048x256xf32> to vector<2048x256xf32>
    %swap3A_377 = vector.shape_cast %add3A_371 : vector<2048x256xf32> to vector<1x2048x256xf32>
    tpu.vector_store %arg17[%swap3A_372, %swap3A_373, %swap3A_374], %swap3A_377 {strides = array<i32>} : memref<2x2048x256xf32, #tpu.memory_space<vmem>>, vector<1x2048x256xf32>,
    return
  }
  func.func @transform_0(%arg0: i32) -> (i32, i32, i32) {
    %c0_i32 = arith.constant 0 : i32
    %c0_i32_0 = arith.constant 0 : i32
    %c0_i32_1 = arith.constant 0 : i32
    return %arg0, %c0_i32, %c0_i32_0 : i32, i32, i32
  }
  func.func @transform_1(%arg0: i32) -> (i32, i32, i32) {
    %c0_i32 = arith.constant 0 : i32
    %c0_i32_0 = arith.constant 0 : i32
    %c0_i32_1 = arith.constant 0 : i32
    return %arg0, %c0_i32, %c0_i32_0 : i32, i32, i32
  }
  func.func @transform_2(%arg0: i32) -> (i32, i32, i32) {
    %c0_i32 = arith.constant 0 : i32
    %c0_i32_0 = arith.constant 0 : i32
    %c0_i32_1 = arith.constant 0 : i32
    return %arg0, %c0_i32, %c0_i32_0 : i32, i32, i32
  }
  func.func @transform_3(%arg0: i32) -> (i32, i32) {
    %c0_i32 = arith.constant 0 : i32
    %c0_i32_0 = arith.constant 0 : i32
    %c0_i32_1 = arith.constant 0 : i32
    return %c0_i32, %c0_i32_0 : i32, i32
  }
  func.func @transform_4(%arg0: i32) -> (i32, i32) {
    %c0_i32 = arith.constant 0 : i32
    %c0_i32_0 = arith.constant 0 : i32
    %c0_i32_1 = arith.constant 0 : i32
    return %c0_i32, %c0_i32_0 : i32, i32
  }
  func.func @transform_5(%arg0: i32) -> (i32, i32) {
    %c0_i32 = arith.constant 0 : i32
    %c0_i32_0 = arith.constant 0 : i32
    %c0_i32_1 = arith.constant 0 : i32
    return %c0_i32, %c0_i32_0 : i32, i32
  }
  func.func @transform_6(%arg0: i32) -> (i32, i32) {
    %c0_i32 = arith.constant 0 : i32
    %c0_i32_0 = arith.constant 0 : i32
    %c0_i32_1 = arith.constant 0 : i32
    return %c0_i32, %c0_i32_0 : i32, i32
  }
  func.func @transform_7(%arg0: i32) -> (i32, i32) {
    %c0_i32 = arith.constant 0 : i32
    %c0_i32_0 = arith.constant 0 : i32
    %c0_i32_1 = arith.constant 0 : i32
    return %c0_i32, %c0_i32_0 : i32, i32
  }
  func.func @transform_8(%arg0: i32) -> (i32, i32) {
    %c0_i32 = arith.constant 0 : i32
    %c0_i32_0 = arith.constant 0 : i32
    %c0_i32_1 = arith.constant 0 : i32
    return %c0_i32, %c0_i32_0 : i32, i32
  }
  func.func @transform_9(%arg0: i32) -> (i32, i32) {
    %c0_i32 = arith.constant 0 : i32
    %c0_i32_0 = arith.constant 0 : i32
    %c0_i32_1 = arith.constant 0 : i32
    return %c0_i32, %c0_i32_0 : i32, i32
  }
  func.func @transform_10(%arg0: i32) -> (i32, i32) {
    %c0_i32 = arith.constant 0 : i32
    %c0_i32_0 = arith.constant 0 : i32
    %c0_i32_1 = arith.constant 0 : i32
    return %c0_i32, %c0_i32_0 : i32, i32
  }
  func.func @transform_11(%arg0: i32) -> (i32, i32) {
    %c0_i32 = arith.constant 0 : i32
    %c0_i32_0 = arith.constant 0 : i32
    %c0_i32_1 = arith.constant 0 : i32
    return %c0_i32, %c0_i32_0 : i32, i32
  }
  func.func @transform_12(%arg0: i32) -> (i32, i32) {
    %c0_i32 = arith.constant 0 : i32
    %c0_i32_0 = arith.constant 0 : i32
    %c0_i32_1 = arith.constant 0 : i32
    return %c0_i32, %c0_i32_0 : i32, i32
  }
  func.func @transform_13(%arg0: i32) -> (i32, i32) {
    %c0_i32 = arith.constant 0 : i32
    %c0_i32_0 = arith.constant 0 : i32
    %c0_i32_1 = arith.constant 0 : i32
    return %c0_i32, %c0_i32_0 : i32, i32
  }
  func.func @transform_14(%arg0: i32) -> (i32, i32) {
    %c0_i32 = arith.constant 0 : i32
    %c0_i32_0 = arith.constant 0 : i32
    %c0_i32_1 = arith.constant 0 : i32
    return %c0_i32, %c0_i32_0 : i32, i32
  }
  func.func @transform_15(%arg0: i32) -> (i32, i32) {
    %c0_i32 = arith.constant 0 : i32
    %c0_i32_0 = arith.constant 0 : i32
    %c0_i32_1 = arith.constant 0 : i32
    return %c0_i32, %c0_i32_0 : i32, i32
  }
  func.func @transform_16(%arg0: i32) -> (i32, i32, i32) {
    %c0_i32 = arith.constant 0 : i32
    %c0_i32_0 = arith.constant 0 : i32
    %c0_i32_1 = arith.constant 0 : i32
    return %arg0, %c0_i32, %c0_i32_0 : i32, i32, i32
  }
  func.func @transform_17(%arg0: i32) -> (i32, i32, i32) {
    %c0_i32 = arith.constant 0 : i32
    %c0_i32_0 = arith.constant 0 : i32
    %c0_i32_1 = arith.constant 0 : i32
    return %arg0, %c0_i32, %c0_i32_0 : i32, i32, i32
  }
}

</mosaic_0001>

<sc_bundles>
// kernel: kernel.6.cloned.1.call-start
scs
__scs_entry_jumppad:
0x0: {  	(pc) =	sbr.rel $0x88, $3  }
0x1: {  	(tag) =	ssettag $0x0;
	lr =	simm.s32 $0x1  }
0x2: {  	[smem:$0x3F88] =	sst lr;
	_ =	strace $0xD0000000  }
0x3: {  	_ = 	snop  }
0x4: {  	_ = 	snop  }
0x5: {  	_ = 	snop  }
0x6: {  	_ = 	snop  }
0x7: {  	_ = 	snop  }
__scs_overlays_trampoline_lowered:
0x8: {  	[smem:$0x3F97] =	sst s0  }
0x9: {  	[smem:$0x3F98] =	sst s1  }
0xa: {  	[smem:$0x3F99] =	sst s2  }
0xb: {  	[smem:$0x3F9A] =	sst s3  }
0xc: {  	[smem:$0x3F9B] =	sst s4  }
0xd: {  	[smem:$0x3F9C] =	sst s5  }
0xe: {  	[smem:$0x3F9D] =	sst s6  }
0xf: {  	[smem:$0x3F9E] =	sst s7  }
0x10: {  	[smem:$0x3F9F] =	sst s8  }
0x11: {  	[smem:$0x3FA0] =	sst s9;
	s0 =	simm.s32 @!p0 $0x0  }
0x12: {  	s1 =	sld [smem:$0x3F86];
	s0 =	simm.s32 @p0 $0x1  }
0x13: {  	[smem:$0x3FA1] =	sst s0;
	s0 =	simm.s32 @!p1 $0x0  }
0x14: {  	s2 =	sld [smem:$0x3F85];
	s0 =	simm.s32 @p1 $0x1  }
0x15: {  	[smem:$0x3FA2] =	sst s0;
	s0 =	simm.s32 @!p2 $0x0  }
0x16: {  	s3 =	sld [smem:$0x3FDB];
	s0 =	simm.s32 @p2 $0x1  }
0x17: {  	s4 =	simm.s32 $0x1BF5;
	[smem:$0x3FA4] =	sst s0  }
0x18: {  	s0 =	sld [smem:$0x3F87];
	_ =	swait.ge [sflag:s4], $0x0  }
0x19: {  	s7 =	sld [smem:$0x3F88]  }
0x1a: {  	s8 =	sadd.s32 $0xFFFFE003, lr  }
0x1b: {  	s9 =	sadd.s32 $0xFFFFFEF7, lr;
	s5 =	simm.s32 $0xFFFFFFFF;
	p2 =	slt.u32 s8, $0xFFFFF086  }
0x1c: {  	p1 =	slt.u32 s9, $0xF7A;
	s5 =	simm.s32 @!p2 $0x0  }
0x1d: {  	s5 =	simm.s32 @p1 $0x1;
	p0 =	seq.s32 s7, s2  }
0x1e: {  	s7 =	smul.u32 @!p0 $0xF7A, s2;
	p2 =	seq.s32 @!p0 s5, $0x0  }
0x1f: {  	s9 =	smul.u32 $0xF7A, s1;
	s8 =	simm.s32 @!p0 $0x1BF5;
	p2 =	por !p2, p0  }
0x20: {  	[sflag:s8] =	ssyncset.s32 @!p0 $0xFFFFF086;
	s6 =	sadd.s32 @!p0 s3, s7;
	s7 =	simm.s32 @!p0 $0x108  }
0x21: {  	s3 =	sadd.s32 s3, s9;
	s6 =	sadd.s32 @!p0 $0x88, s6;
	s7 =	simm.s32 @p2 $0x1082  }
0x22: {  	[simem:s7], [sflag:s8] =	dma.local @!p0 [hbm:s6], $0xF7A  }
0x23: {  	s9 =	sor.u32 $0xD0000000, s2;
	s6 =	simm.s32 $0x108;
	_ =	swait.ge @!p0 [sflag:s8], $0x0  }
0x24: {  	s3 =	sadd.s32 $0x88, s3;
	s6 =	simm.s32 @!p1 $0x1082;
	[sflag:s4] =	ssyncset.s32 $0xFFFFF086  }
0x25: {  	[simem:s6], [sflag:s4] =	dma.local [hbm:s3], $0xF7A  }
0x26: {  	[smem:$0x3F88] =	sst s1;
	(tag) =	ssettag s2;
	_ =	strace s9  }
0x27: {  	s1 =	sld [smem:$0x3F98]  }
0x28: {  	s2 =	sld [smem:$0x3F99]  }
0x29: {  	s4 =	sld [smem:$0x3F9B]  }
0x2a: {  	p0 =	seq.s32 s5, $0x0;
	s5 =	sld [smem:$0x3F9C]  }
0x2b: {  	s6 =	sld [smem:$0x3F9D]  }
0x2c: {  	s7 =	sld [smem:$0x3F9E]  }
0x2d: {  	s3 =	simm.s32 $0x108;
	s8 =	sld [smem:$0x3F9F]  }
0x2e: {  	s3 =	simm.s32 @!p0 $0x1082;
	s9 =	sld [smem:$0x3FA0]  }
0x2f: {  	lr =	sadd.s32 s0, s3;
	s0 =	sld [smem:$0x3F97]  }
0x30: {  	s3 =	sld [smem:$0x3F9A]  }
0x31: {  	[smem:$0x3FA3] =	sst s10  }
0x32: {  	s10 =	sld [smem:$0x3FA1];
	_ =	sdelay $0x3  }
0x33: {  	p0 =	seq.s32 s10, $0x1;
	s10 =	sld [smem:$0x3FA3];
	_ =	sdelay $0x3  }
0x34: {  	[smem:$0x3FA3] =	sst s10  }
0x35: {  	s10 =	sld [smem:$0x3FA2];
	_ =	sdelay $0x3  }
0x36: {  	p1 =	seq.s32 s10, $0x1;
	s10 =	sld [smem:$0x3FA3];
	_ =	sdelay $0x3  }
0x37: {  	[smem:$0x3FA3] =	sst s10  }
0x38: {  	s10 =	sld [smem:$0x3FA4]  }
0x39: {  	_ = 	snop;
	(pc) =	sbr.ind lr, $3  }
0x3a: {  	_ = 	snop  }
0x3b: {  	_ = 	snop  }
0x3c: {  	p2 =	seq.s32 s10, $0x1;
	s10 =	sld [smem:$0x3FA3]  }
0x3d: {  	_ =	shalt  }
0x3e: {  	_ =	shalt  }
0x3f: {  	_ =	shalt  }
0x40: {  	_ =	shalt  }
0x41: {  	_ =	shalt  }
0x42: {  	_ =	shalt  }
0x43: {  	_ =	shalt  }
0x44: {  	_ =	shalt  }
0x45: {  	_ =	shalt  }
0x46: {  	_ =	shalt  }
0x47: {  	_ =	shalt  }
0x48: {  	_ =	shalt  }
0x49: {  	_ =	shalt  }
0x4a: {  	_ =	shalt  }
0x4b: {  	_ =	shalt  }
0x4c: {  	_ =	shalt  }
0x4d: {  	_ =	shalt  }
0x4e: {  	_ =	shalt  }
0x4f: {  	_ =	shalt  }
0x50: {  	_ =	shalt  }
0x51: {  	_ =	shalt  }
0x52: {  	_ =	shalt  }
0x53: {  	_ =	shalt  }
0x54: {  	_ =	shalt  }
0x55: {  	_ =	shalt  }
0x56: {  	_ =	shalt  }
0x57: {  	_ =	shalt  }
0x58: {  	_ =	shalt  }
0x59: {  	_ =	shalt  }
0x5a: {  	_ =	shalt  }
0x5b: {  	_ =	shalt  }
0x5c: {  	_ =	shalt  }
0x5d: {  	_ =	shalt  }
0x5e: {  	_ =	shalt  }
0x5f: {  	_ =	shalt  }
0x60: {  	_ =	shalt  }
0x61: {  	_ =	shalt  }
0x62: {  	_ =	shalt  }
0x63: {  	_ =	shalt  }
0x64: {  	_ =	shalt  }
0x65: {  	_ =	shalt  }
0x66: {  	_ =	shalt  }
0x67: {  	_ =	shalt  }
0x68: {  	_ =	shalt  }
0x69: {  	_ =	shalt  }
0x6a: {  	_ =	shalt  }
0x6b: {  	_ =	shalt  }
0x6c: {  	_ =	shalt  }
0x6d: {  	_ =	shalt  }
0x6e: {  	_ =	shalt  }
0x6f: {  	_ =	shalt  }
0x70: {  	_ =	shalt  }
0x71: {  	_ =	shalt  }
0x72: {  	_ =	shalt  }
0x73: {  	_ =	shalt  }
0x74: {  	_ =	shalt  }
0x75: {  	_ =	shalt  }
0x76: {  	_ =	shalt  }
0x77: {  	_ =	shalt  }
0x78: {  	_ =	shalt  }
0x79: {  	_ =	shalt  }
0x7a: {  	_ =	shalt  }
0x7b: {  	_ =	shalt  }
0x7c: {  	_ =	shalt  }
0x7d: {  	_ =	shalt  }
0x7e: {  	_ =	shalt  }
0x7f: {  	_ =	shalt  }
0x80: {  	_ =	shalt  }
0x81: {  	_ =	shalt  }
0x82: {  	_ =	shalt  }
0x83: {  	_ =	shalt  }
0x84: {  	_ =	shalt  }
0x85: {  	_ =	shalt  }
0x86: {  	_ =	shalt  }
0x87: {  	_ =	shalt  }
.Lfunc_end0:
.L_simem_size_0:
called_computation_lowered:
.L_overlay_start_0:
0x88: {  	s2 =	sld [smem:$0x3FD9]  }
0x89: {  	s3 =	sld [smem:$0x3FFE];
	_ =	sdelay $0x1  }
0x8a: {  	s1 =	srdreg.scid  }
0x8b: {  	s0 =	sand.u32 $0x1, s1  }
0x8c: {  	s14 =	sshll.u32 s0, $0xA;
	s2 =	sadd.s32 s3, s2  }
0x8d: {  	s2 =	sadd.s32 s2, s14  }
0x8e: {  	[smem:$0x3FAF] =	sst s2  }
0x8f: {  	_ = 	snop  }
0x90: {  	s2 =	sld [smem:$0x3FD0];
	_ =	sdelay $0x2  }
0x91: {  	s4 =	simm.s32 $0xA;
	s5 =	simm.s32 $0x10;
	s15 =	sld [smem:$0x3FC9]  }
0x92: {  	[smem:s5], [sflag:s4] =	dma.local [hbm:s2], $0x1  }
0x93: {  	_ =	swait.eq [sflag:s4], $0x1  }
0x94: {  	[sflag:s4] =	ssyncset.done $0x0  }
0x95: {  	[sflag:s4] =	ssyncadd.s32 $0xFFFFFFFF  }
0x96: {  	s16 =	sld [smem:$0x12];
	(tm) =	ssettm $0x1  }
0x97: {  	s17 =	sld [smem:$0x3FFB];
	_ =	sdelay $0x3  }
0x98: {  	_ =	strace s17  }
0x99: {  	s4 =	sld [smem:$0x3FFC];
	_ =	sdelay $0x3  }
0x9a: {  	_ =	strace s4  }
0x9b: {  	s4 =	sld [smem:$0x3FFD];
	_ =	sdelay $0x3  }
0x9c: {  	_ =	strace s4  }
0x9d: {  	_ =	strace $0x8FFFFFFF  }
0x9e: {  	s18 =	sld [smem:$0x3FDB];
	_ =	sdelay $0x1  }
0x9f: {  	s19 =	simm.s32 $_scs_section_size  }
0xa0: {  	s6 =	simm.s32 $_size__tile_overlayer_lowered;
	s7 =	simm.s32 $_tile_overlayer_lowered  }
0xa1: {  	s22 =	simm.s32 $0x1BFF;
	s21 =	sshll.u32 s7, $0x1;
	s4 =	sadd.s32 s19, s18  }
0xa2: {  	s8 =	simm.s32 $0x0;
	s20 =	sshll.u32 s6, $0x1;
	s6 =	sadd.s32 s21, s4  }
0xa3: {  	[timem:s8], [sflag:s22] =	dma.local [hbm:s6], s20  }
0xa4: {  	_ =	swait.ge [sflag:s22], s20  }
0xa5: {  	s5 =	ssub.s32 $0x0, s20;
	[sflag:s22] =	ssyncset.done $0x0  }
0xa6: {  	[sflag:s22] =	ssyncadd.s32 s5;
	_ =	sdelay $0x1  }
0xa7: {  	s23 =	simm.s32 $0x1B8B  }
0xa8: {  	_ =	swait.ge [sflag:s23], $0x1  }
0xa9: {  	[sflag:s23] =	ssyncset.done $0x0  }
0xaa: {  	s25 =	simm.s32 $0x1B8E;
	s24 =	sld [smem:$0x3FFE];
	[sflag:s23] =	ssyncadd.s32 $0xFFFFFFFF  }
0xab: {  	s26 =	simm.s32 $execute0_lowered;
	[smem:$0x3FD2] =	sst s25  }
0xac: {  	s6 =	sshll.u32 s26, $0x1;
	_ =	strace $0x80000046;
	[dreg:$0x1] =	wrdreg $0xFFFFFFFF  }
0xad: {  	s28 =	simm.s32 $_size_execute0_lowered;
	s4 =	sadd.s32 s4, s6;
	[dreg:$0x0] =	wrdreg $0x0  }
0xae: {  	s6 =	sshll.u32 s28, $0x1;
	[dreg:$0x2] =	wrdreg s4  }
0xaf: {  	[dreg:$0x3] =	wrdreg s6  }
0xb0: {  	[dreg:$0x4] =	wrdreg $0xC0  }
0xb1: {  	_ =	task [dreg:s8], $0x5FFFF  }
0xb2: {  	[dreg:$0x1] =	wrdreg $0xFFFFFFFF  }
0xb3: {  	[dreg:$0x0] =	wrdreg $0x60  }
0xb4: {  	[dreg:$0x2] =	wrdreg s15  }
0xb5: {  	[dreg:$0x3] =	wrdreg s16  }
0xb6: {  	[dreg:$0x4] =	wrdreg s24  }
0xb7: {  	[dreg:$0x5] =	wrdreg $0x9  }
0xb8: {  	_ =	task.clear_ibuf [dreg:s8], $0x6FFFF;
	_ =	strace $0x90000046  }
0xb9: {  	s29 =	simm.s32 $0x9;
	_ =	strace $0x80000048  }
0xba: {  	_ =	swait.ge [sflag:s29], $0x1  }
0xbb: {  	[sflag:s29] =	ssyncadd.s32 $0xFFFFFFFF  }
0xbc: {  	_ =	strace $0x90000048  }
0xbd: {  	_ =	sfence  }
0xbe: {  	s30 =	sld [smem:$0x0];
	_ =	sdelay $0x2  }
0xbf: {  	s31 =	sshll.u32 s1, $0xD;
	s1 =	sshrl.u32 s1, $0x2  }
0xc0: {  	s3 =	sand.u32 $0x4000, s31;
	s1 =	sadd.s32 s1, s30  }
0xc1: {  	s0 =	sor.u32 s3, s0;
	s1 =	sshll.u32 s1, $0x11  }
0xc2: {  	s0 =	sor.u32 s1, s0  }
0xc3: {  	s0 =	sadd.s32 $0x8F2B, s0  }
0xc4: {  	[sflag:s0] =	ssyncadd.remote.s32 $0x1  }
0xc5: {  	_ =	sfence.sel $0xFFFF  }
0xc6: {  	[dreg:$0x0] =	wrdreg $0xFFFFFFFF;
	(pc) =	sbr.abs _section_cstart, $3  }
0xc7: {  	[dreg:$0x1] =	wrdreg $0xFFFFFFFF  }
0xc8: {  	_ =	task.clear_ibuf [dreg:s8], $0x2FFFF;
	_ =	strace $0x9FFFFFFF  }
0xc9: {  	(tm) =	ssettm $0x7FFFFFFF  }
tec
execute0_lowered:
.L_overlay_start_1:
0x0: {  	(tag) =	ssettag $0x1  }
0x1: {  	s1 =	rddreg [dreg:$0x0]  }
0x2: {  	s0 =	srdreg.scid;
	s2 =	rddreg [dreg:$0x1]  }
0x3: {  	s3 =	stileid.u32;
	s4 =	rddreg [dreg:$0x2]  }
0x4: {  	s28 =	simm.s32 $0x400;
	s11 =	simm.s32 $0x1;
	s13 =	simm.s32 $0x2  }
0x5: {  	s14 =	simm.s32 $0x4;
	s15 =	simm.s32 $0x3;
	s16 =	simm.s32 $0x5  }
0x6: {  	s17 =	simm.s32 $0x6;
	s29 =	simm.s32 $0x4C00;
	s30 =	simm.s32 $0x5400  }
0x7: {  	s31 =	simm.s32 $0x5C00;
	s7 =	simm.s32 $0x12400;
	s0 =	sand.u32 $0x1, s0  }
0x8: {  	s8 =	simm.s32 $0x12C00;
	s5 =	sshll.u32 s3, $0xB;
	s6 =	sshll.u32 s0, $0xA  }
0x9: {  	s9 =	simm.s32 $0x13400;
	s10 =	simm.s32 $0x13C00;
	s5 =	sor.u32 s6, s5  }
0xa: {  	s3 =	simm.s32 $0x0;
	s6 =	sshll.u32 s5, $0x5;
	s5 =	sshrl.u32 s5, $0x3  }
0xb: {  	[smem:$0x7FF] =	sst s3;
	s4 =	sadd.s32 s6, s4;
	s2 =	sadd.s32 s2, s5  }
0xc: {  	_ =	strace $0x80000047;
	[dreg:$0x4] =	wrdreg s2;
	s18 =	sadd.s32 $0x3800, s4  }
0xd: {  	s12 =	simm.s32 $0x14400;
	s19 =	sadd.s32 $0x4800, s4;
	[dreg:$0x5] =	wrdreg s18  }
0xe: {  	s0 =	ssub.s32 $0x2, s0;
	s20 =	sadd.s32 $0x5800, s4;
	[dreg:$0x6] =	wrdreg s19  }
0xf: {  	s24 =	sshrl.u32 s0, $0x1;
	s21 =	sadd.s32 $0x6800, s4;
	[dreg:$0x7] =	wrdreg s20  }
0x10: {  	s0 =	ssub.s32 s0, s24;
	s22 =	sadd.s32 $0x7800, s4;
	[dreg:$0x8] =	wrdreg s21  }
0x11: {  	s24 =	simm.s32 $0x16C00;
	s23 =	sadd.s32 $0x8800, s4;
	[dreg:$0x9] =	wrdreg s22  }
0x12: {  	s5 =	simm.s32 $0x11400;
	s25 =	sadd.s32 $0x9800, s4;
	[dreg:$0xa] =	wrdreg s23  }
0x13: {  	s6 =	simm.s32 $0x11C00;
	s26 =	sadd.s32 $0xA800, s4;
	[dreg:$0xb] =	wrdreg s25  }
0x14: {  	v2 =	vlaneseq.u32;
	s4 =	smax.u32 s0, $0x1;
	[dreg:$0xc] =	wrdreg s26;
	s22 =	simm.s32 $0x8400  }
0x15: {  	vm0 =	vmmov $0xffff;
	v1 =	vshrl.u32 v2, $0x3;
	s19 =	simm.s32 $0x14C00;
	s20 =	simm.s32 $0x15400;
	s21 =	simm.s32 $0x15C00  }
0x16: {  	v0 =	vand.u32 $0x7, v2;
	v2 =	vor.u32 $0x8, v2;
	v1 =	vmul.u32 $0x8, v1;
	s23 =	simm.s32 $0x16400;
	s25 =	simm.s32 $0x17400;
	s26 =	simm.s32 $0x17C00  }
.LBB2_1:
0x17: {  	s18 =	rddreg [dreg:$0x4];
	s0 =	simm.s32 $0x7  }
0x18: {  	[tilespmem:s3], [sflag:$0x7] =	stream.linear.gather [hbm4b:s18+s3], $0x400, $0x38;
	[tilespmem:$0x18400] =	vst v63  }
0x19: {  	_ =	swait.ge [sflag:s0], $0x400  }
0x1a: {  	[sflag:s0] =	ssyncset.done $0x0  }
0x1b: {  	[sflag:s0] =	ssyncadd.s32 $0xFFFFFC00  }
0x1c: {  	v3 =	vld [tilespmem:$0x0];
	_ =	sdelay $0x4  }
0x1d: {  	v4 =	vshll.u32 v3, $0x1  }
0x1e: {  	v3 =	vand.u32 $0x7, v3;
	v4 =	vand.u32 $0xFFFFFFF0, v4  }
0x1f: {  	v3 =	vor.u32 v3, v4  }
0x20: {  	v4 =	vperm.xlane v3, v0;
	_ =	sdelay $0x1  }
0x21: {  	v3 =	vperm.xlane v3, v2;
	v4 =	vadd.s32 v1, v4;
	_ =	sdelay $0x1  }
0x22: {  	v3 =	vadd.s32 v1, v3;
	_ =	sdelay $0x2  }
0x23: {  	[tilespmem:s28], [sflag:$0x1] =	stream.indirect_vreg.gather [hbm4b:s1+s3], $0x80, v4, vm0, $0xb8;
	[tilespmem:$0x18400] =	vst v63  }
0x24: {  	s0 =	simm.s32 $0xC00  }
0x25: {  	[tilespmem:s0], [sflag:$0x1] =	stream.indirect_vreg.gather [hbm4b:s1+s3], $0x80, v3, vm0, $0xb8;
	[tilespmem:$0x18400] =	vst v63  }
0x26: {  	v3 =	vld [tilespmem:$0x10];
	_ =	sdelay $0x4  }
0x27: {  	v57 =	vshll.u32 v3, $0x1  }
0x28: {  	v3 =	vand.u32 $0x7, v3;
	v4 =	vand.u32 $0xFFFFFFF0, v57  }
0x29: {  	v3 =	vor.u32 v3, v4  }
0x2a: {  	v4 =	vperm.xlane v3, v0;
	_ =	sdelay $0x1  }
0x2b: {  	v3 =	vperm.xlane v3, v2;
	v4 =	vadd.s32 v1, v4;
	_ =	sdelay $0x1  }
0x2c: {  	v3 =	vadd.s32 v1, v3;
	_ =	sdelay $0x1  }
0x2d: {  	s2 =	simm.s32 $0x1400  }
0x2e: {  	[tilespmem:s2], [sflag:$0x1] =	stream.indirect_vreg.gather [hbm4b:s1+s3], $0x80, v4, vm0, $0xb8;
	[tilespmem:$0x18400] =	vst v63  }
0x2f: {  	s18 =	simm.s32 $0x1C00  }
0x30: {  	[tilespmem:s18], [sflag:$0x1] =	stream.indirect_vreg.gather [hbm4b:s1+s3], $0x80, v3, vm0, $0xb8;
	[tilespmem:$0x18400] =	vst v63  }
0x31: {  	v3 =	vld [tilespmem:$0x20];
	_ =	sdelay $0x4  }
0x32: {  	v58 =	vshll.u32 v3, $0x1  }
0x33: {  	v3 =	vand.u32 $0x7, v3;
	v4 =	vand.u32 $0xFFFFFFF0, v58  }
0x34: {  	v3 =	vor.u32 v3, v4  }
0x35: {  	v4 =	vperm.xlane v3, v0;
	_ =	sdelay $0x1  }
0x36: {  	v3 =	vperm.xlane v3, v2;
	v4 =	vadd.s32 v1, v4;
	_ =	sdelay $0x1  }
0x37: {  	v3 =	vadd.s32 v1, v3;
	_ =	sdelay $0x1  }
0x38: {  	s2 =	simm.s32 $0x2400  }
0x39: {  	[tilespmem:s2], [sflag:$0x1] =	stream.indirect_vreg.gather [hbm4b:s1+s3], $0x80, v4, vm0, $0xb8;
	[tilespmem:$0x18400] =	vst v63  }
0x3a: {  	s18 =	simm.s32 $0x2C00  }
0x3b: {  	[tilespmem:s18], [sflag:$0x1] =	stream.indirect_vreg.gather [hbm4b:s1+s3], $0x80, v3, vm0, $0xb8;
	[tilespmem:$0x18400] =	vst v63  }
0x3c: {  	v3 =	vld [tilespmem:$0x30];
	_ =	sdelay $0x4  }
0x3d: {  	v59 =	vshll.u32 v3, $0x1  }
0x3e: {  	v3 =	vand.u32 $0x7, v3;
	v4 =	vand.u32 $0xFFFFFFF0, v59  }
0x3f: {  	v3 =	vor.u32 v3, v4  }
0x40: {  	v4 =	vperm.xlane v3, v0;
	_ =	sdelay $0x1  }
0x41: {  	v3 =	vperm.xlane v3, v2;
	v4 =	vadd.s32 v1, v4;
	_ =	sdelay $0x1  }
0x42: {  	v3 =	vadd.s32 v1, v3;
	_ =	sdelay $0x1  }
0x43: {  	s2 =	simm.s32 $0x3400  }
0x44: {  	[tilespmem:s2], [sflag:$0x1] =	stream.indirect_vreg.gather [hbm4b:s1+s3], $0x80, v4, vm0, $0xb8;
	[tilespmem:$0x18400] =	vst v63  }
0x45: {  	s18 =	simm.s32 $0x3C00  }
0x46: {  	[tilespmem:s18], [sflag:$0x1] =	stream.indirect_vreg.gather [hbm4b:s1+s3], $0x80, v3, vm0, $0xb8;
	[tilespmem:$0x18400] =	vst v63  }
0x47: {  	v3 =	vld [tilespmem:$0x40];
	_ =	sdelay $0x4  }
0x48: {  	v60 =	vshll.u32 v3, $0x1  }
0x49: {  	v3 =	vand.u32 $0x7, v3;
	v4 =	vand.u32 $0xFFFFFFF0, v60  }
0x4a: {  	v3 =	vor.u32 v3, v4  }
0x4b: {  	v4 =	vperm.xlane v3, v0;
	_ =	sdelay $0x1  }
0x4c: {  	v3 =	vperm.xlane v3, v2;
	v4 =	vadd.s32 v1, v4;
	_ =	sdelay $0x1  }
0x4d: {  	v3 =	vadd.s32 v1, v3;
	_ =	sdelay $0x1  }
0x4e: {  	s2 =	simm.s32 $0x4400  }
0x4f: {  	[tilespmem:s2], [sflag:$0x1] =	stream.indirect_vreg.gather [hbm4b:s1+s3], $0x80, v4, vm0, $0xb8;
	[tilespmem:$0x18400] =	vst v63  }
0x50: {  	_ = 	snop  }
0x51: {  	[tilespmem:s29], [sflag:$0x1] =	stream.indirect_vreg.gather [hbm4b:s1+s3], $0x80, v3, vm0, $0xb8;
	[tilespmem:$0x18400] =	vst v63  }
0x52: {  	v3 =	vld [tilespmem:$0x50];
	_ =	sdelay $0x4  }
0x53: {  	v61 =	vshll.u32 v3, $0x1  }
0x54: {  	v3 =	vand.u32 $0x7, v3;
	v4 =	vand.u32 $0xFFFFFFF0, v61  }
0x55: {  	v3 =	vor.u32 v3, v4  }
0x56: {  	v4 =	vperm.xlane v3, v0;
	_ =	sdelay $0x1  }
0x57: {  	v3 =	vperm.xlane v3, v2;
	v4 =	vadd.s32 v1, v4;
	_ =	sdelay $0x1  }
0x58: {  	v3 =	vadd.s32 v1, v3;
	_ =	sdelay $0x2  }
0x59: {  	[tilespmem:s30], [sflag:$0x1] =	stream.indirect_vreg.gather [hbm4b:s1+s3], $0x80, v4, vm0, $0xb8;
	[tilespmem:$0x18400] =	vst v63  }
0x5a: {  	_ = 	snop  }
0x5b: {  	[tilespmem:s31], [sflag:$0x1] =	stream.indirect_vreg.gather [hbm4b:s1+s3], $0x80, v3, vm0, $0xb8;
	[tilespmem:$0x18400] =	vst v63  }
0x5c: {  	v3 =	vld [tilespmem:$0x60];
	_ =	sdelay $0x4  }
0x5d: {  	v62 =	vshll.u32 v3, $0x1  }
0x5e: {  	v3 =	vand.u32 $0x7, v3;
	v4 =	vand.u32 $0xFFFFFFF0, v62  }
0x5f: {  	v3 =	vor.u32 v3, v4  }
0x60: {  	v4 =	vperm.xlane v3, v0;
	_ =	sdelay $0x1  }
0x61: {  	v3 =	vperm.xlane v3, v2;
	v4 =	vadd.s32 v1, v4;
	_ =	sdelay $0x1  }
0x62: {  	v3 =	vadd.s32 v1, v3;
	_ =	sdelay $0x1  }
0x63: {  	s18 =	simm.s32 $0x6400  }
0x64: {  	[tilespmem:s18], [sflag:$0x1] =	stream.indirect_vreg.gather [hbm4b:s1+s3], $0x80, v4, vm0, $0xb8;
	[tilespmem:$0x18400] =	vst v63  }
0x65: {  	s2 =	simm.s32 $0x6C00  }
0x66: {  	[tilespmem:s2], [sflag:$0x1] =	stream.indirect_vreg.gather [hbm4b:s1+s3], $0x80, v3, vm0, $0xb8;
	[tilespmem:$0x18400] =	vst v63  }
0x67: {  	v3 =	vld [tilespmem:$0x70];
	_ =	sdelay $0x4  }
0x68: {  	v63 =	vshll.u32 v3, $0x1  }
0x69: {  	v3 =	vand.u32 $0x7, v3;
	v4 =	vand.u32 $0xFFFFFFF0, v63  }
0x6a: {  	v3 =	vor.u32 v3, v4  }
0x6b: {  	v4 =	vperm.xlane v3, v0;
	_ =	sdelay $0x1  }
0x6c: {  	v3 =	vperm.xlane v3, v2;
	v4 =	vadd.s32 v1, v4;
	_ =	sdelay $0x1  }
0x6d: {  	v3 =	vadd.s32 v1, v3;
	_ =	sdelay $0x1  }
0x6e: {  	s18 =	simm.s32 $0x7400  }
0x6f: {  	[tilespmem:s18], [sflag:$0x1] =	stream.indirect_vreg.gather [hbm4b:s1+s3], $0x80, v4, vm0, $0xb8;
	[tilespmem:$0x18400] =	vst v63  }
0x70: {  	s2 =	simm.s32 $0x7C00  }
0x71: {  	[tilespmem:s2], [sflag:$0x1] =	stream.indirect_vreg.gather [hbm4b:s1+s3], $0x80, v3, vm0, $0xb8;
	[tilespmem:$0x18400] =	vst v63  }
0x72: {  	v3 =	vld [tilespmem:$0x80];
	_ =	sdelay $0x4  }
0x73: {  	v8 =	vshll.u32 v3, $0x1  }
0x74: {  	v3 =	vand.u32 $0x7, v3;
	v4 =	vand.u32 $0xFFFFFFF0, v8  }
0x75: {  	v3 =	vor.u32 v3, v4  }
0x76: {  	v4 =	vperm.xlane v3, v0;
	_ =	sdelay $0x1  }
0x77: {  	v3 =	vperm.xlane v3, v2;
	v4 =	vadd.s32 v1, v4;
	_ =	sdelay $0x1  }
0x78: {  	v3 =	vadd.s32 v1, v3;
	_ =	sdelay $0x2  }
0x79: {  	[tilespmem:s22], [sflag:$0x2] =	stream.indirect_vreg.gather [hbm4b:s1+s3], $0x80, v4, vm0, $0xb8;
	[tilespmem:$0x18400] =	vst v63  }
0x7a: {  	s18 =	simm.s32 $0x8C00  }
0x7b: {  	[tilespmem:s18], [sflag:$0x2] =	stream.indirect_vreg.gather [hbm4b:s1+s3], $0x80, v3, vm0, $0xb8;
	[tilespmem:$0x18400] =	vst v63  }
0x7c: {  	v3 =	vld [tilespmem:$0x90];
	_ =	sdelay $0x4  }
0x7d: {  	v9 =	vshll.u32 v3, $0x1  }
0x7e: {  	v3 =	vand.u32 $0x7, v3;
	v4 =	vand.u32 $0xFFFFFFF0, v9  }
0x7f: {  	v3 =	vor.u32 v3, v4  }
0x80: {  	v4 =	vperm.xlane v3, v0;
	_ =	sdelay $0x1  }
0x81: {  	v3 =	vperm.xlane v3, v2;
	v4 =	vadd.s32 v1, v4;
	_ =	sdelay $0x1  }
0x82: {  	v3 =	vadd.s32 v1, v3;
	_ =	sdelay $0x1  }
0x83: {  	s2 =	simm.s32 $0x9400  }
0x84: {  	[tilespmem:s2], [sflag:$0x2] =	stream.indirect_vreg.gather [hbm4b:s1+s3], $0x80, v4, vm0, $0xb8;
	[tilespmem:$0x18400] =	vst v63  }
0x85: {  	s18 =	simm.s32 $0x9C00  }
0x86: {  	[tilespmem:s18], [sflag:$0x2] =	stream.indirect_vreg.gather [hbm4b:s1+s3], $0x80, v3, vm0, $0xb8;
	[tilespmem:$0x18400] =	vst v63  }
0x87: {  	v3 =	vld [tilespmem:$0xA0];
	_ =	sdelay $0x4  }
0x88: {  	v10 =	vshll.u32 v3, $0x1  }
0x89: {  	v3 =	vand.u32 $0x7, v3;
	v4 =	vand.u32 $0xFFFFFFF0, v10  }
0x8a: {  	v3 =	vor.u32 v3, v4  }
0x8b: {  	v4 =	vperm.xlane v3, v0;
	_ =	sdelay $0x1  }
0x8c: {  	v3 =	vperm.xlane v3, v2;
	v4 =	vadd.s32 v1, v4;
	_ =	sdelay $0x1  }
0x8d: {  	v3 =	vadd.s32 v1, v3;
	_ =	sdelay $0x1  }
0x8e: {  	s2 =	simm.s32 $0xA400  }
0x8f: {  	[tilespmem:s2], [sflag:$0x2] =	stream.indirect_vreg.gather [hbm4b:s1+s3], $0x80, v4, vm0, $0xb8;
	[tilespmem:$0x18400] =	vst v63  }
0x90: {  	s18 =	simm.s32 $0xAC00  }
0x91: {  	[tilespmem:s18], [sflag:$0x2] =	stream.indirect_vreg.gather [hbm4b:s1+s3], $0x80, v3, vm0, $0xb8;
	[tilespmem:$0x18400] =	vst v63  }
0x92: {  	v3 =	vld [tilespmem:$0xB0];
	_ =	sdelay $0x4  }
0x93: {  	v11 =	vshll.u32 v3, $0x1  }
0x94: {  	v3 =	vand.u32 $0x7, v3;
	v4 =	vand.u32 $0xFFFFFFF0, v11  }
0x95: {  	v3 =	vor.u32 v3, v4  }
0x96: {  	v4 =	vperm.xlane v3, v0;
	_ =	sdelay $0x1  }
0x97: {  	v3 =	vperm.xlane v3, v2;
	v4 =	vadd.s32 v1, v4;
	_ =	sdelay $0x1  }
0x98: {  	v3 =	vadd.s32 v1, v3;
	_ =	sdelay $0x1  }
0x99: {  	s2 =	simm.s32 $0xB400  }
0x9a: {  	[tilespmem:s2], [sflag:$0x2] =	stream.indirect_vreg.gather [hbm4b:s1+s3], $0x80, v4, vm0, $0xb8;
	[tilespmem:$0x18400] =	vst v63  }
0x9b: {  	s18 =	simm.s32 $0xBC00  }
0x9c: {  	[tilespmem:s18], [sflag:$0x2] =	stream.indirect_vreg.gather [hbm4b:s1+s3], $0x80, v3, vm0, $0xb8;
	[tilespmem:$0x18400] =	vst v63  }
0x9d: {  	v3 =	vld [tilespmem:$0xC0];
	_ =	sdelay $0x4  }
0x9e: {  	v12 =	vshll.u32 v3, $0x1  }
0x9f: {  	v3 =	vand.u32 $0x7, v3;
	v4 =	vand.u32 $0xFFFFFFF0, v12  }
0xa0: {  	v3 =	vor.u32 v3, v4  }
0xa1: {  	v4 =	vperm.xlane v3, v0;
	_ =	sdelay $0x1  }
0xa2: {  	v3 =	vperm.xlane v3, v2;
	v4 =	vadd.s32 v1, v4;
	_ =	sdelay $0x1  }
0xa3: {  	v3 =	vadd.s32 v1, v3;
	_ =	sdelay $0x1  }
0xa4: {  	s2 =	simm.s32 $0xC400  }
0xa5: {  	[tilespmem:s2], [sflag:$0x2] =	stream.indirect_vreg.gather [hbm4b:s1+s3], $0x80, v4, vm0, $0xb8;
	[tilespmem:$0x18400] =	vst v63  }
0xa6: {  	s18 =	simm.s32 $0xCC00  }
0xa7: {  	[tilespmem:s18], [sflag:$0x2] =	stream.indirect_vreg.gather [hbm4b:s1+s3], $0x80, v3, vm0, $0xb8;
	[tilespmem:$0x18400] =	vst v63  }
0xa8: {  	v3 =	vld [tilespmem:$0xD0];
	_ =	sdelay $0x4  }
0xa9: {  	v13 =	vshll.u32 v3, $0x1  }
0xaa: {  	v3 =	vand.u32 $0x7, v3;
	v4 =	vand.u32 $0xFFFFFFF0, v13  }
0xab: {  	v3 =	vor.u32 v3, v4  }
0xac: {  	v4 =	vperm.xlane v3, v0;
	_ =	sdelay $0x1  }
0xad: {  	v3 =	vperm.xlane v3, v2;
	v4 =	vadd.s32 v1, v4;
	_ =	sdelay $0x1  }
0xae: {  	v3 =	vadd.s32 v1, v3;
	_ =	sdelay $0x1  }
0xaf: {  	s2 =	simm.s32 $0xD400  }
0xb0: {  	[tilespmem:s2], [sflag:$0x2] =	stream.indirect_vreg.gather [hbm4b:s1+s3], $0x80, v4, vm0, $0xb8;
	[tilespmem:$0x18400] =	vst v63  }
0xb1: {  	s18 =	simm.s32 $0xDC00  }
0xb2: {  	[tilespmem:s18], [sflag:$0x2] =	stream.indirect_vreg.gather [hbm4b:s1+s3], $0x80, v3, vm0, $0xb8;
	[tilespmem:$0x18400] =	vst v63  }
0xb3: {  	v3 =	vld [tilespmem:$0xE0];
	_ =	sdelay $0x4  }
0xb4: {  	v14 =	vshll.u32 v3, $0x1  }
0xb5: {  	v3 =	vand.u32 $0x7, v3;
	v4 =	vand.u32 $0xFFFFFFF0, v14  }
0xb6: {  	v3 =	vor.u32 v3, v4  }
0xb7: {  	v4 =	vperm.xlane v3, v0;
	_ =	sdelay $0x1  }
0xb8: {  	v3 =	vperm.xlane v3, v2;
	v4 =	vadd.s32 v1, v4;
	_ =	sdelay $0x1  }
0xb9: {  	v3 =	vadd.s32 v1, v3;
	_ =	sdelay $0x1  }
0xba: {  	s2 =	simm.s32 $0xE400  }
0xbb: {  	[tilespmem:s2], [sflag:$0x2] =	stream.indirect_vreg.gather [hbm4b:s1+s3], $0x80, v4, vm0, $0xb8;
	[tilespmem:$0x18400] =	vst v63  }
0xbc: {  	s18 =	simm.s32 $0xEC00  }
0xbd: {  	[tilespmem:s18], [sflag:$0x2] =	stream.indirect_vreg.gather [hbm4b:s1+s3], $0x80, v3, vm0, $0xb8;
	[tilespmem:$0x18400] =	vst v63  }
0xbe: {  	v3 =	vld [tilespmem:$0xF0];
	_ =	sdelay $0x4  }
0xbf: {  	v15 =	vshll.u32 v3, $0x1  }
0xc0: {  	v3 =	vand.u32 $0x7, v3;
	v4 =	vand.u32 $0xFFFFFFF0, v15  }
0xc1: {  	v3 =	vor.u32 v3, v4  }
0xc2: {  	v4 =	vperm.xlane v3, v0;
	_ =	sdelay $0x1  }
0xc3: {  	v3 =	vperm.xlane v3, v2;
	v4 =	vadd.s32 v1, v4;
	_ =	sdelay $0x1  }
0xc4: {  	v3 =	vadd.s32 v1, v3;
	_ =	sdelay $0x1  }
0xc5: {  	s2 =	simm.s32 $0xF400  }
0xc6: {  	[tilespmem:s2], [sflag:$0x2] =	stream.indirect_vreg.gather [hbm4b:s1+s3], $0x80, v4, vm0, $0xb8;
	[tilespmem:$0x18400] =	vst v63  }
0xc7: {  	s18 =	simm.s32 $0xFC00  }
0xc8: {  	[tilespmem:s18], [sflag:$0x2] =	stream.indirect_vreg.gather [hbm4b:s1+s3], $0x80, v3, vm0, $0xb8;
	[tilespmem:$0x18400] =	vst v63  }
0xc9: {  	_ =	swait.ge [sflag:s11], $0x8000  }
0xca: {  	[sflag:s11] =	ssyncset.done $0x0  }
0xcb: {  	s0 =	rddreg [dreg:$0x5];
	[sflag:s11] =	ssyncadd.s32 $0xFFFF8000  }
0xcc: {  	[hbm4b:s0+s3] =	stream.linear.scatter [tilespmem:s28], [sflag:$0x4], $0x8000, $0x38;
	[tilespmem:$0x18400] =	vst v63  }
0xcd: {  	v3 =	vld [tilespmem:$0x100];
	_ =	sdelay $0x4  }
0xce: {  	v16 =	vshll.u32 v3, $0x1  }
0xcf: {  	v3 =	vand.u32 $0x7, v3;
	v4 =	vand.u32 $0xFFFFFFF0, v16  }
0xd0: {  	v3 =	vor.u32 v3, v4  }
0xd1: {  	v4 =	vperm.xlane v3, v0;
	_ =	sdelay $0x1  }
0xd2: {  	v3 =	vperm.xlane v3, v2;
	v4 =	vadd.s32 v1, v4;
	_ =	sdelay $0x1  }
0xd3: {  	v3 =	vadd.s32 v1, v3;
	_ =	sdelay $0x1  }
0xd4: {  	s0 =	simm.s32 $0x10400  }
0xd5: {  	[tilespmem:s0], [sflag:$0x3] =	stream.indirect_vreg.gather [hbm4b:s1+s3], $0x80, v4, vm0, $0xb8;
	[tilespmem:$0x18400] =	vst v63  }
0xd6: {  	s2 =	simm.s32 $0x10C00  }
0xd7: {  	[tilespmem:s2], [sflag:$0x3] =	stream.indirect_vreg.gather [hbm4b:s1+s3], $0x80, v3, vm0, $0xb8;
	[tilespmem:$0x18400] =	vst v63  }
0xd8: {  	v3 =	vld [tilespmem:$0x110];
	_ =	sdelay $0x4  }
0xd9: {  	v17 =	vshll.u32 v3, $0x1  }
0xda: {  	v3 =	vand.u32 $0x7, v3;
	v4 =	vand.u32 $0xFFFFFFF0, v17  }
0xdb: {  	v3 =	vor.u32 v3, v4  }
0xdc: {  	v4 =	vperm.xlane v3, v0;
	_ =	sdelay $0x1  }
0xdd: {  	v3 =	vperm.xlane v3, v2;
	v4 =	vadd.s32 v1, v4;
	_ =	sdelay $0x1  }
0xde: {  	v3 =	vadd.s32 v1, v3;
	_ =	sdelay $0x2  }
0xdf: {  	[tilespmem:s5], [sflag:$0x3] =	stream.indirect_vreg.gather [hbm4b:s1+s3], $0x80, v4, vm0, $0xb8;
	[tilespmem:$0x18400] =	vst v63  }
0xe0: {  	_ = 	snop  }
0xe1: {  	[tilespmem:s6], [sflag:$0x3] =	stream.indirect_vreg.gather [hbm4b:s1+s3], $0x80, v3, vm0, $0xb8;
	[tilespmem:$0x18400] =	vst v63  }
0xe2: {  	v3 =	vld [tilespmem:$0x120];
	_ =	sdelay $0x4  }
0xe3: {  	v18 =	vshll.u32 v3, $0x1  }
0xe4: {  	v3 =	vand.u32 $0x7, v3;
	v4 =	vand.u32 $0xFFFFFFF0, v18  }
0xe5: {  	v3 =	vor.u32 v3, v4  }
0xe6: {  	v4 =	vperm.xlane v3, v0;
	_ =	sdelay $0x1  }
0xe7: {  	v3 =	vperm.xlane v3, v2;
	v4 =	vadd.s32 v1, v4;
	_ =	sdelay $0x1  }
0xe8: {  	v3 =	vadd.s32 v1, v3;
	_ =	sdelay $0x2  }
0xe9: {  	[tilespmem:s7], [sflag:$0x3] =	stream.indirect_vreg.gather [hbm4b:s1+s3], $0x80, v4, vm0, $0xb8;
	[tilespmem:$0x18400] =	vst v63  }
0xea: {  	_ = 	snop  }
0xeb: {  	[tilespmem:s8], [sflag:$0x3] =	stream.indirect_vreg.gather [hbm4b:s1+s3], $0x80, v3, vm0, $0xb8;
	[tilespmem:$0x18400] =	vst v63  }
0xec: {  	v3 =	vld [tilespmem:$0x130];
	_ =	sdelay $0x4  }
0xed: {  	v19 =	vshll.u32 v3, $0x1  }
0xee: {  	v3 =	vand.u32 $0x7, v3;
	v4 =	vand.u32 $0xFFFFFFF0, v19  }
0xef: {  	v3 =	vor.u32 v3, v4  }
0xf0: {  	v4 =	vperm.xlane v3, v0;
	_ =	sdelay $0x1  }
0xf1: {  	v3 =	vperm.xlane v3, v2;
	v4 =	vadd.s32 v1, v4;
	_ =	sdelay $0x1  }
0xf2: {  	v3 =	vadd.s32 v1, v3;
	_ =	sdelay $0x2  }
0xf3: {  	[tilespmem:s9], [sflag:$0x3] =	stream.indirect_vreg.gather [hbm4b:s1+s3], $0x80, v4, vm0, $0xb8;
	[tilespmem:$0x18400] =	vst v63  }
0xf4: {  	_ = 	snop  }
0xf5: {  	[tilespmem:s10], [sflag:$0x3] =	stream.indirect_vreg.gather [hbm4b:s1+s3], $0x80, v3, vm0, $0xb8;
	[tilespmem:$0x18400] =	vst v63  }
0xf6: {  	v3 =	vld [tilespmem:$0x140];
	_ =	sdelay $0x4  }
0xf7: {  	v20 =	vshll.u32 v3, $0x1  }
0xf8: {  	v3 =	vand.u32 $0x7, v3;
	v4 =	vand.u32 $0xFFFFFFF0, v20  }
0xf9: {  	v3 =	vor.u32 v3, v4  }
0xfa: {  	v4 =	vperm.xlane v3, v0;
	_ =	sdelay $0x1  }
0xfb: {  	v3 =	vperm.xlane v3, v2;
	v4 =	vadd.s32 v1, v4;
	_ =	sdelay $0x1  }
0xfc: {  	v3 =	vadd.s32 v1, v3;
	_ =	sdelay $0x2  }
0xfd: {  	[tilespmem:s12], [sflag:$0x3] =	stream.indirect_vreg.gather [hbm4b:s1+s3], $0x80, v4, vm0, $0xb8;
	[tilespmem:$0x18400] =	vst v63  }
0xfe: {  	_ = 	snop  }
0xff: {  	[tilespmem:s19], [sflag:$0x3] =	stream.indirect_vreg.gather [hbm4b:s1+s3], $0x80, v3, vm0, $0xb8;
	[tilespmem:$0x18400] =	vst v63  }
0x100: {  	v3 =	vld [tilespmem:$0x150];
	_ =	sdelay $0x4  }
0x101: {  	v21 =	vshll.u32 v3, $0x1  }
0x102: {  	v3 =	vand.u32 $0x7, v3;
	v4 =	vand.u32 $0xFFFFFFF0, v21  }
0x103: {  	v3 =	vor.u32 v3, v4  }
0x104: {  	v4 =	vperm.xlane v3, v0;
	_ =	sdelay $0x1  }
0x105: {  	v3 =	vperm.xlane v3, v2;
	v4 =	vadd.s32 v1, v4;
	_ =	sdelay $0x1  }
0x106: {  	v3 =	vadd.s32 v1, v3;
	_ =	sdelay $0x2  }
0x107: {  	[tilespmem:s20], [sflag:$0x3] =	stream.indirect_vreg.gather [hbm4b:s1+s3], $0x80, v4, vm0, $0xb8;
	[tilespmem:$0x18400] =	vst v63  }
0x108: {  	_ = 	snop  }
0x109: {  	[tilespmem:s21], [sflag:$0x3] =	stream.indirect_vreg.gather [hbm4b:s1+s3], $0x80, v3, vm0, $0xb8;
	[tilespmem:$0x18400] =	vst v63  }
0x10a: {  	v3 =	vld [tilespmem:$0x160];
	_ =	sdelay $0x4  }
0x10b: {  	v22 =	vshll.u32 v3, $0x1  }
0x10c: {  	v3 =	vand.u32 $0x7, v3;
	v4 =	vand.u32 $0xFFFFFFF0, v22  }
0x10d: {  	v3 =	vor.u32 v3, v4  }
0x10e: {  	v4 =	vperm.xlane v3, v0;
	_ =	sdelay $0x1  }
0x10f: {  	v3 =	vperm.xlane v3, v2;
	v4 =	vadd.s32 v1, v4;
	_ =	sdelay $0x1  }
0x110: {  	v3 =	vadd.s32 v1, v3;
	_ =	sdelay $0x2  }
0x111: {  	[tilespmem:s23], [sflag:$0x3] =	stream.indirect_vreg.gather [hbm4b:s1+s3], $0x80, v4, vm0, $0xb8;
	[tilespmem:$0x18400] =	vst v63  }
0x112: {  	_ = 	snop  }
0x113: {  	[tilespmem:s24], [sflag:$0x3] =	stream.indirect_vreg.gather [hbm4b:s1+s3], $0x80, v3, vm0, $0xb8;
	[tilespmem:$0x18400] =	vst v63  }
0x114: {  	v3 =	vld [tilespmem:$0x170];
	_ =	sdelay $0x4  }
0x115: {  	v23 =	vshll.u32 v3, $0x1  }
0x116: {  	v3 =	vand.u32 $0x7, v3;
	v4 =	vand.u32 $0xFFFFFFF0, v23  }
0x117: {  	v3 =	vor.u32 v3, v4  }
0x118: {  	v4 =	vperm.xlane v3, v0;
	_ =	sdelay $0x1  }
0x119: {  	v3 =	vperm.xlane v3, v2;
	v4 =	vadd.s32 v1, v4;
	_ =	sdelay $0x1  }
0x11a: {  	v3 =	vadd.s32 v1, v3;
	_ =	sdelay $0x2  }
0x11b: {  	[tilespmem:s25], [sflag:$0x3] =	stream.indirect_vreg.gather [hbm4b:s1+s3], $0x80, v4, vm0, $0xb8;
	[tilespmem:$0x18400] =	vst v63  }
0x11c: {  	_ = 	snop  }
0x11d: {  	[tilespmem:s26], [sflag:$0x3] =	stream.indirect_vreg.gather [hbm4b:s1+s3], $0x80, v3, vm0, $0xb8;
	[tilespmem:$0x18400] =	vst v63  }
0x11e: {  	_ =	swait.ge [sflag:s13], $0x8000  }
0x11f: {  	[sflag:s13] =	ssyncset.done $0x0  }
0x120: {  	s18 =	rddreg [dreg:$0x6];
	[sflag:s13] =	ssyncadd.s32 $0xFFFF8000  }
0x121: {  	[hbm4b:s18+s3] =	stream.linear.scatter [tilespmem:s22], [sflag:$0x5], $0x8000, $0x38;
	[tilespmem:$0x18400] =	vst v63  }
0x122: {  	_ =	swait.ge [sflag:s14], $0x8000  }
0x123: {  	[sflag:s14] =	ssyncset.done $0x0  }
0x124: {  	[sflag:s14] =	ssyncadd.s32 $0xFFFF8000  }
0x125: {  	v3 =	vld [tilespmem:$0x180];
	_ =	sdelay $0x4  }
0x126: {  	v24 =	vshll.u32 v3, $0x1  }
0x127: {  	v3 =	vand.u32 $0x7, v3;
	v4 =	vand.u32 $0xFFFFFFF0, v24  }
0x128: {  	v3 =	vor.u32 v3, v4  }
0x129: {  	v4 =	vperm.xlane v3, v0;
	_ =	sdelay $0x1  }
0x12a: {  	v3 =	vperm.xlane v3, v2;
	v4 =	vadd.s32 v1, v4;
	_ =	sdelay $0x1  }
0x12b: {  	v3 =	vadd.s32 v1, v3;
	_ =	sdelay $0x2  }
0x12c: {  	[tilespmem:s28], [sflag:$0x1] =	stream.indirect_vreg.gather [hbm4b:s1+s3], $0x80, v4, vm0, $0xb8;
	[tilespmem:$0x18400] =	vst v63  }
0x12d: {  	s18 =	simm.s32 $0xC00  }
0x12e: {  	[tilespmem:s18], [sflag:$0x1] =	stream.indirect_vreg.gather [hbm4b:s1+s3], $0x80, v3, vm0, $0xb8;
	[tilespmem:$0x18400] =	vst v63  }
0x12f: {  	v3 =	vld [tilespmem:$0x190];
	_ =	sdelay $0x4  }
0x130: {  	v25 =	vshll.u32 v3, $0x1  }
0x131: {  	v3 =	vand.u32 $0x7, v3;
	v4 =	vand.u32 $0xFFFFFFF0, v25  }
0x132: {  	v3 =	vor.u32 v3, v4  }
0x133: {  	v4 =	vperm.xlane v3, v0;
	_ =	sdelay $0x1  }
0x134: {  	v3 =	vperm.xlane v3, v2;
	v4 =	vadd.s32 v1, v4;
	_ =	sdelay $0x1  }
0x135: {  	v3 =	vadd.s32 v1, v3;
	_ =	sdelay $0x1  }
0x136: {  	s18 =	simm.s32 $0x1400  }
0x137: {  	[tilespmem:s18], [sflag:$0x1] =	stream.indirect_vreg.gather [hbm4b:s1+s3], $0x80, v4, vm0, $0xb8;
	[tilespmem:$0x18400] =	vst v63  }
0x138: {  	s18 =	simm.s32 $0x1C00  }
0x139: {  	[tilespmem:s18], [sflag:$0x1] =	stream.indirect_vreg.gather [hbm4b:s1+s3], $0x80, v3, vm0, $0xb8;
	[tilespmem:$0x18400] =	vst v63  }
0x13a: {  	v3 =	vld [tilespmem:$0x1A0];
	_ =	sdelay $0x4  }
0x13b: {  	v26 =	vshll.u32 v3, $0x1  }
0x13c: {  	v3 =	vand.u32 $0x7, v3;
	v4 =	vand.u32 $0xFFFFFFF0, v26  }
0x13d: {  	v3 =	vor.u32 v3, v4  }
0x13e: {  	v4 =	vperm.xlane v3, v0;
	_ =	sdelay $0x1  }
0x13f: {  	v3 =	vperm.xlane v3, v2;
	v4 =	vadd.s32 v1, v4;
	_ =	sdelay $0x1  }
0x140: {  	v3 =	vadd.s32 v1, v3;
	_ =	sdelay $0x1  }
0x141: {  	s18 =	simm.s32 $0x2400  }
0x142: {  	[tilespmem:s18], [sflag:$0x1] =	stream.indirect_vreg.gather [hbm4b:s1+s3], $0x80, v4, vm0, $0xb8;
	[tilespmem:$0x18400] =	vst v63  }
0x143: {  	s18 =	simm.s32 $0x2C00  }
0x144: {  	[tilespmem:s18], [sflag:$0x1] =	stream.indirect_vreg.gather [hbm4b:s1+s3], $0x80, v3, vm0, $0xb8;
	[tilespmem:$0x18400] =	vst v63  }
0x145: {  	v3 =	vld [tilespmem:$0x1B0];
	_ =	sdelay $0x4  }
0x146: {  	v27 =	vshll.u32 v3, $0x1  }
0x147: {  	v3 =	vand.u32 $0x7, v3;
	v4 =	vand.u32 $0xFFFFFFF0, v27  }
0x148: {  	v3 =	vor.u32 v3, v4  }
0x149: {  	v4 =	vperm.xlane v3, v0;
	_ =	sdelay $0x1  }
0x14a: {  	v3 =	vperm.xlane v3, v2;
	v4 =	vadd.s32 v1, v4;
	_ =	sdelay $0x1  }
0x14b: {  	v3 =	vadd.s32 v1, v3;
	_ =	sdelay $0x1  }
0x14c: {  	s18 =	simm.s32 $0x3400  }
0x14d: {  	[tilespmem:s18], [sflag:$0x1] =	stream.indirect_vreg.gather [hbm4b:s1+s3], $0x80, v4, vm0, $0xb8;
	[tilespmem:$0x18400] =	vst v63  }
0x14e: {  	s18 =	simm.s32 $0x3C00  }
0x14f: {  	[tilespmem:s18], [sflag:$0x1] =	stream.indirect_vreg.gather [hbm4b:s1+s3], $0x80, v3, vm0, $0xb8;
	[tilespmem:$0x18400] =	vst v63  }
0x150: {  	v3 =	vld [tilespmem:$0x1C0];
	_ =	sdelay $0x4  }
0x151: {  	v28 =	vshll.u32 v3, $0x1  }
0x152: {  	v3 =	vand.u32 $0x7, v3;
	v4 =	vand.u32 $0xFFFFFFF0, v28  }
0x153: {  	v3 =	vor.u32 v3, v4  }
0x154: {  	v4 =	vperm.xlane v3, v0;
	_ =	sdelay $0x1  }
0x155: {  	v3 =	vperm.xlane v3, v2;
	v4 =	vadd.s32 v1, v4;
	_ =	sdelay $0x1  }
0x156: {  	v3 =	vadd.s32 v1, v3;
	_ =	sdelay $0x1  }
0x157: {  	s18 =	simm.s32 $0x4400  }
0x158: {  	[tilespmem:s18], [sflag:$0x1] =	stream.indirect_vreg.gather [hbm4b:s1+s3], $0x80, v4, vm0, $0xb8;
	[tilespmem:$0x18400] =	vst v63  }
0x159: {  	_ = 	snop  }
0x15a: {  	[tilespmem:s29], [sflag:$0x1] =	stream.indirect_vreg.gather [hbm4b:s1+s3], $0x80, v3, vm0, $0xb8;
	[tilespmem:$0x18400] =	vst v63  }
0x15b: {  	v3 =	vld [tilespmem:$0x1D0];
	_ =	sdelay $0x4  }
0x15c: {  	v29 =	vshll.u32 v3, $0x1  }
0x15d: {  	v3 =	vand.u32 $0x7, v3;
	v4 =	vand.u32 $0xFFFFFFF0, v29  }
0x15e: {  	v3 =	vor.u32 v3, v4  }
0x15f: {  	v4 =	vperm.xlane v3, v0;
	_ =	sdelay $0x1  }
0x160: {  	v3 =	vperm.xlane v3, v2;
	v4 =	vadd.s32 v1, v4;
	_ =	sdelay $0x1  }
0x161: {  	v3 =	vadd.s32 v1, v3;
	_ =	sdelay $0x2  }
0x162: {  	[tilespmem:s30], [sflag:$0x1] =	stream.indirect_vreg.gather [hbm4b:s1+s3], $0x80, v4, vm0, $0xb8;
	[tilespmem:$0x18400] =	vst v63  }
0x163: {  	_ = 	snop  }
0x164: {  	[tilespmem:s31], [sflag:$0x1] =	stream.indirect_vreg.gather [hbm4b:s1+s3], $0x80, v3, vm0, $0xb8;
	[tilespmem:$0x18400] =	vst v63  }
0x165: {  	v3 =	vld [tilespmem:$0x1E0];
	_ =	sdelay $0x4  }
0x166: {  	v30 =	vshll.u32 v3, $0x1  }
0x167: {  	v3 =	vand.u32 $0x7, v3;
	v4 =	vand.u32 $0xFFFFFFF0, v30  }
0x168: {  	v3 =	vor.u32 v3, v4  }
0x169: {  	v4 =	vperm.xlane v3, v0;
	_ =	sdelay $0x1  }
0x16a: {  	v3 =	vperm.xlane v3, v2;
	v4 =	vadd.s32 v1, v4;
	_ =	sdelay $0x1  }
0x16b: {  	v3 =	vadd.s32 v1, v3;
	_ =	sdelay $0x1  }
0x16c: {  	s18 =	simm.s32 $0x6400  }
0x16d: {  	[tilespmem:s18], [sflag:$0x1] =	stream.indirect_vreg.gather [hbm4b:s1+s3], $0x80, v4, vm0, $0xb8;
	[tilespmem:$0x18400] =	vst v63  }
0x16e: {  	s18 =	simm.s32 $0x6C00  }
0x16f: {  	[tilespmem:s18], [sflag:$0x1] =	stream.indirect_vreg.gather [hbm4b:s1+s3], $0x80, v3, vm0, $0xb8;
	[tilespmem:$0x18400] =	vst v63  }
0x170: {  	v3 =	vld [tilespmem:$0x1F0];
	_ =	sdelay $0x4  }
0x171: {  	v31 =	vshll.u32 v3, $0x1  }
0x172: {  	v3 =	vand.u32 $0x7, v3;
	v4 =	vand.u32 $0xFFFFFFF0, v31  }
0x173: {  	v3 =	vor.u32 v3, v4  }
0x174: {  	v4 =	vperm.xlane v3, v0;
	_ =	sdelay $0x1  }
0x175: {  	v3 =	vperm.xlane v3, v2;
	v4 =	vadd.s32 v1, v4;
	_ =	sdelay $0x1  }
0x176: {  	v3 =	vadd.s32 v1, v3;
	_ =	sdelay $0x1  }
0x177: {  	s18 =	simm.s32 $0x7400  }
0x178: {  	[tilespmem:s18], [sflag:$0x1] =	stream.indirect_vreg.gather [hbm4b:s1+s3], $0x80, v4, vm0, $0xb8;
	[tilespmem:$0x18400] =	vst v63  }
0x179: {  	s18 =	simm.s32 $0x7C00  }
0x17a: {  	[tilespmem:s18], [sflag:$0x1] =	stream.indirect_vreg.gather [hbm4b:s1+s3], $0x80, v3, vm0, $0xb8;
	[tilespmem:$0x18400] =	vst v63  }
0x17b: {  	_ =	swait.ge [sflag:s15], $0x8000  }
0x17c: {  	[sflag:s15] =	ssyncset.done $0x0  }
0x17d: {  	s18 =	rddreg [dreg:$0x7];
	[sflag:s15] =	ssyncadd.s32 $0xFFFF8000  }
0x17e: {  	[hbm4b:s18+s3] =	stream.linear.scatter [tilespmem:s0], [sflag:$0x6], $0x8000, $0x38;
	[tilespmem:$0x18400] =	vst v63  }
0x17f: {  	_ =	swait.ge [sflag:s16], $0x8000  }
0x180: {  	[sflag:s16] =	ssyncset.done $0x0  }
0x181: {  	[sflag:s16] =	ssyncadd.s32 $0xFFFF8000  }
0x182: {  	v3 =	vld [tilespmem:$0x200];
	_ =	sdelay $0x4  }
0x183: {  	v32 =	vshll.u32 v3, $0x1  }
0x184: {  	v3 =	vand.u32 $0x7, v3;
	v4 =	vand.u32 $0xFFFFFFF0, v32  }
0x185: {  	v3 =	vor.u32 v3, v4  }
0x186: {  	v4 =	vperm.xlane v3, v0;
	_ =	sdelay $0x1  }
0x187: {  	v3 =	vperm.xlane v3, v2;
	v4 =	vadd.s32 v1, v4;
	_ =	sdelay $0x1  }
0x188: {  	v3 =	vadd.s32 v1, v3;
	_ =	sdelay $0x2  }
0x189: {  	[tilespmem:s22], [sflag:$0x2] =	stream.indirect_vreg.gather [hbm4b:s1+s3], $0x80, v4, vm0, $0xb8;
	[tilespmem:$0x18400] =	vst v63  }
0x18a: {  	s18 =	simm.s32 $0x8C00  }
0x18b: {  	[tilespmem:s18], [sflag:$0x2] =	stream.indirect_vreg.gather [hbm4b:s1+s3], $0x80, v3, vm0, $0xb8;
	[tilespmem:$0x18400] =	vst v63  }
0x18c: {  	v3 =	vld [tilespmem:$0x210];
	_ =	sdelay $0x4  }
0x18d: {  	v33 =	vshll.u32 v3, $0x1  }
0x18e: {  	v3 =	vand.u32 $0x7, v3;
	v4 =	vand.u32 $0xFFFFFFF0, v33  }
0x18f: {  	v3 =	vor.u32 v3, v4  }
0x190: {  	v4 =	vperm.xlane v3, v0;
	_ =	sdelay $0x1  }
0x191: {  	v3 =	vperm.xlane v3, v2;
	v4 =	vadd.s32 v1, v4;
	_ =	sdelay $0x1  }
0x192: {  	v3 =	vadd.s32 v1, v3;
	_ =	sdelay $0x1  }
0x193: {  	s18 =	simm.s32 $0x9400  }
0x194: {  	[tilespmem:s18], [sflag:$0x2] =	stream.indirect_vreg.gather [hbm4b:s1+s3], $0x80, v4, vm0, $0xb8;
	[tilespmem:$0x18400] =	vst v63  }
0x195: {  	s18 =	simm.s32 $0x9C00  }
0x196: {  	[tilespmem:s18], [sflag:$0x2] =	stream.indirect_vreg.gather [hbm4b:s1+s3], $0x80, v3, vm0, $0xb8;
	[tilespmem:$0x18400] =	vst v63  }
0x197: {  	v3 =	vld [tilespmem:$0x220];
	_ =	sdelay $0x4  }
0x198: {  	v34 =	vshll.u32 v3, $0x1  }
0x199: {  	v3 =	vand.u32 $0x7, v3;
	v4 =	vand.u32 $0xFFFFFFF0, v34  }
0x19a: {  	v3 =	vor.u32 v3, v4  }
0x19b: {  	v4 =	vperm.xlane v3, v0;
	_ =	sdelay $0x1  }
0x19c: {  	v3 =	vperm.xlane v3, v2;
	v4 =	vadd.s32 v1, v4;
	_ =	sdelay $0x1  }
0x19d: {  	v3 =	vadd.s32 v1, v3;
	_ =	sdelay $0x1  }
0x19e: {  	s18 =	simm.s32 $0xA400  }
0x19f: {  	[tilespmem:s18], [sflag:$0x2] =	stream.indirect_vreg.gather [hbm4b:s1+s3], $0x80, v4, vm0, $0xb8;
	[tilespmem:$0x18400] =	vst v63  }
0x1a0: {  	s18 =	simm.s32 $0xAC00  }
0x1a1: {  	[tilespmem:s18], [sflag:$0x2] =	stream.indirect_vreg.gather [hbm4b:s1+s3], $0x80, v3, vm0, $0xb8;
	[tilespmem:$0x18400] =	vst v63  }
0x1a2: {  	v3 =	vld [tilespmem:$0x230];
	_ =	sdelay $0x4  }
0x1a3: {  	v35 =	vshll.u32 v3, $0x1  }
0x1a4: {  	v3 =	vand.u32 $0x7, v3;
	v4 =	vand.u32 $0xFFFFFFF0, v35  }
0x1a5: {  	v3 =	vor.u32 v3, v4  }
0x1a6: {  	v4 =	vperm.xlane v3, v0;
	_ =	sdelay $0x1  }
0x1a7: {  	v3 =	vperm.xlane v3, v2;
	v4 =	vadd.s32 v1, v4;
	_ =	sdelay $0x1  }
0x1a8: {  	v3 =	vadd.s32 v1, v3;
	_ =	sdelay $0x1  }
0x1a9: {  	s18 =	simm.s32 $0xB400  }
0x1aa: {  	[tilespmem:s18], [sflag:$0x2] =	stream.indirect_vreg.gather [hbm4b:s1+s3], $0x80, v4, vm0, $0xb8;
	[tilespmem:$0x18400] =	vst v63  }
0x1ab: {  	s18 =	simm.s32 $0xBC00  }
0x1ac: {  	[tilespmem:s18], [sflag:$0x2] =	stream.indirect_vreg.gather [hbm4b:s1+s3], $0x80, v3, vm0, $0xb8;
	[tilespmem:$0x18400] =	vst v63  }
0x1ad: {  	v3 =	vld [tilespmem:$0x240];
	_ =	sdelay $0x4  }
0x1ae: {  	v36 =	vshll.u32 v3, $0x1  }
0x1af: {  	v3 =	vand.u32 $0x7, v3;
	v4 =	vand.u32 $0xFFFFFFF0, v36  }
0x1b0: {  	v3 =	vor.u32 v3, v4  }
0x1b1: {  	v4 =	vperm.xlane v3, v0;
	_ =	sdelay $0x1  }
0x1b2: {  	v3 =	vperm.xlane v3, v2;
	v4 =	vadd.s32 v1, v4;
	_ =	sdelay $0x1  }
0x1b3: {  	v3 =	vadd.s32 v1, v3;
	_ =	sdelay $0x1  }
0x1b4: {  	s18 =	simm.s32 $0xC400  }
0x1b5: {  	[tilespmem:s18], [sflag:$0x2] =	stream.indirect_vreg.gather [hbm4b:s1+s3], $0x80, v4, vm0, $0xb8;
	[tilespmem:$0x18400] =	vst v63  }
0x1b6: {  	s18 =	simm.s32 $0xCC00  }
0x1b7: {  	[tilespmem:s18], [sflag:$0x2] =	stream.indirect_vreg.gather [hbm4b:s1+s3], $0x80, v3, vm0, $0xb8;
	[tilespmem:$0x18400] =	vst v63  }
0x1b8: {  	v3 =	vld [tilespmem:$0x250];
	_ =	sdelay $0x4  }
0x1b9: {  	v37 =	vshll.u32 v3, $0x1  }
0x1ba: {  	v3 =	vand.u32 $0x7, v3;
	v4 =	vand.u32 $0xFFFFFFF0, v37  }
0x1bb: {  	v3 =	vor.u32 v3, v4  }
0x1bc: {  	v4 =	vperm.xlane v3, v0;
	_ =	sdelay $0x1  }
0x1bd: {  	v3 =	vperm.xlane v3, v2;
	v4 =	vadd.s32 v1, v4;
	_ =	sdelay $0x1  }
0x1be: {  	v3 =	vadd.s32 v1, v3;
	_ =	sdelay $0x1  }
0x1bf: {  	s18 =	simm.s32 $0xD400  }
0x1c0: {  	[tilespmem:s18], [sflag:$0x2] =	stream.indirect_vreg.gather [hbm4b:s1+s3], $0x80, v4, vm0, $0xb8;
	[tilespmem:$0x18400] =	vst v63  }
0x1c1: {  	s18 =	simm.s32 $0xDC00  }
0x1c2: {  	[tilespmem:s18], [sflag:$0x2] =	stream.indirect_vreg.gather [hbm4b:s1+s3], $0x80, v3, vm0, $0xb8;
	[tilespmem:$0x18400] =	vst v63  }
0x1c3: {  	v3 =	vld [tilespmem:$0x260];
	_ =	sdelay $0x4  }
0x1c4: {  	v38 =	vshll.u32 v3, $0x1  }
0x1c5: {  	v3 =	vand.u32 $0x7, v3;
	v4 =	vand.u32 $0xFFFFFFF0, v38  }
0x1c6: {  	v3 =	vor.u32 v3, v4  }
0x1c7: {  	v4 =	vperm.xlane v3, v0;
	_ =	sdelay $0x1  }
0x1c8: {  	v3 =	vperm.xlane v3, v2;
	v4 =	vadd.s32 v1, v4;
	_ =	sdelay $0x1  }
0x1c9: {  	v3 =	vadd.s32 v1, v3;
	_ =	sdelay $0x1  }
0x1ca: {  	s18 =	simm.s32 $0xE400  }
0x1cb: {  	[tilespmem:s18], [sflag:$0x2] =	stream.indirect_vreg.gather [hbm4b:s1+s3], $0x80, v4, vm0, $0xb8;
	[tilespmem:$0x18400] =	vst v63  }
0x1cc: {  	s18 =	simm.s32 $0xEC00  }
0x1cd: {  	[tilespmem:s18], [sflag:$0x2] =	stream.indirect_vreg.gather [hbm4b:s1+s3], $0x80, v3, vm0, $0xb8;
	[tilespmem:$0x18400] =	vst v63  }
0x1ce: {  	v3 =	vld [tilespmem:$0x270];
	_ =	sdelay $0x4  }
0x1cf: {  	v39 =	vshll.u32 v3, $0x1  }
0x1d0: {  	v3 =	vand.u32 $0x7, v3;
	v4 =	vand.u32 $0xFFFFFFF0, v39  }
0x1d1: {  	v3 =	vor.u32 v3, v4  }
0x1d2: {  	v4 =	vperm.xlane v3, v0;
	_ =	sdelay $0x1  }
0x1d3: {  	v3 =	vperm.xlane v3, v2;
	v4 =	vadd.s32 v1, v4;
	_ =	sdelay $0x1  }
0x1d4: {  	v3 =	vadd.s32 v1, v3;
	_ =	sdelay $0x1  }
0x1d5: {  	s18 =	simm.s32 $0xF400  }
0x1d6: {  	[tilespmem:s18], [sflag:$0x2] =	stream.indirect_vreg.gather [hbm4b:s1+s3], $0x80, v4, vm0, $0xb8;
	[tilespmem:$0x18400] =	vst v63  }
0x1d7: {  	s18 =	simm.s32 $0xFC00  }
0x1d8: {  	[tilespmem:s18], [sflag:$0x2] =	stream.indirect_vreg.gather [hbm4b:s1+s3], $0x80, v3, vm0, $0xb8;
	[tilespmem:$0x18400] =	vst v63  }
0x1d9: {  	_ =	swait.ge [sflag:s11], $0x8000  }
0x1da: {  	[sflag:s11] =	ssyncset.done $0x0  }
0x1db: {  	s18 =	rddreg [dreg:$0x8];
	[sflag:s11] =	ssyncadd.s32 $0xFFFF8000  }
0x1dc: {  	[hbm4b:s18+s3] =	stream.linear.scatter [tilespmem:s28], [sflag:$0x4], $0x8000, $0x38;
	[tilespmem:$0x18400] =	vst v63  }
0x1dd: {  	_ =	swait.ge [sflag:s17], $0x8000  }
0x1de: {  	[sflag:s17] =	ssyncset.done $0x0  }
0x1df: {  	[sflag:s17] =	ssyncadd.s32 $0xFFFF8000  }
0x1e0: {  	v3 =	vld [tilespmem:$0x280];
	_ =	sdelay $0x4  }
0x1e1: {  	v40 =	vshll.u32 v3, $0x1  }
0x1e2: {  	v3 =	vand.u32 $0x7, v3;
	v4 =	vand.u32 $0xFFFFFFF0, v40  }
0x1e3: {  	v3 =	vor.u32 v3, v4  }
0x1e4: {  	v4 =	vperm.xlane v3, v0;
	_ =	sdelay $0x1  }
0x1e5: {  	v3 =	vperm.xlane v3, v2;
	v4 =	vadd.s32 v1, v4;
	_ =	sdelay $0x1  }
0x1e6: {  	v3 =	vadd.s32 v1, v3;
	_ =	sdelay $0x2  }
0x1e7: {  	[tilespmem:s0], [sflag:$0x3] =	stream.indirect_vreg.gather [hbm4b:s1+s3], $0x80, v4, vm0, $0xb8;
	[tilespmem:$0x18400] =	vst v63  }
0x1e8: {  	_ = 	snop  }
0x1e9: {  	[tilespmem:s2], [sflag:$0x3] =	stream.indirect_vreg.gather [hbm4b:s1+s3], $0x80, v3, vm0, $0xb8;
	[tilespmem:$0x18400] =	vst v63  }
0x1ea: {  	v3 =	vld [tilespmem:$0x290];
	_ =	sdelay $0x4  }
0x1eb: {  	v41 =	vshll.u32 v3, $0x1  }
0x1ec: {  	v3 =	vand.u32 $0x7, v3;
	v4 =	vand.u32 $0xFFFFFFF0, v41  }
0x1ed: {  	v3 =	vor.u32 v3, v4  }
0x1ee: {  	v4 =	vperm.xlane v3, v0;
	_ =	sdelay $0x1  }
0x1ef: {  	v3 =	vperm.xlane v3, v2;
	v4 =	vadd.s32 v1, v4;
	_ =	sdelay $0x1  }
0x1f0: {  	v3 =	vadd.s32 v1, v3;
	_ =	sdelay $0x2  }
0x1f1: {  	[tilespmem:s5], [sflag:$0x3] =	stream.indirect_vreg.gather [hbm4b:s1+s3], $0x80, v4, vm0, $0xb8;
	[tilespmem:$0x18400] =	vst v63  }
0x1f2: {  	_ = 	snop  }
0x1f3: {  	[tilespmem:s6], [sflag:$0x3] =	stream.indirect_vreg.gather [hbm4b:s1+s3], $0x80, v3, vm0, $0xb8;
	[tilespmem:$0x18400] =	vst v63  }
0x1f4: {  	v3 =	vld [tilespmem:$0x2A0];
	_ =	sdelay $0x4  }
0x1f5: {  	v42 =	vshll.u32 v3, $0x1  }
0x1f6: {  	v3 =	vand.u32 $0x7, v3;
	v4 =	vand.u32 $0xFFFFFFF0, v42  }
0x1f7: {  	v3 =	vor.u32 v3, v4  }
0x1f8: {  	v4 =	vperm.xlane v3, v0;
	_ =	sdelay $0x1  }
0x1f9: {  	v3 =	vperm.xlane v3, v2;
	v4 =	vadd.s32 v1, v4;
	_ =	sdelay $0x1  }
0x1fa: {  	v3 =	vadd.s32 v1, v3;
	_ =	sdelay $0x2  }
0x1fb: {  	[tilespmem:s7], [sflag:$0x3] =	stream.indirect_vreg.gather [hbm4b:s1+s3], $0x80, v4, vm0, $0xb8;
	[tilespmem:$0x18400] =	vst v63  }
0x1fc: {  	_ = 	snop  }
0x1fd: {  	[tilespmem:s8], [sflag:$0x3] =	stream.indirect_vreg.gather [hbm4b:s1+s3], $0x80, v3, vm0, $0xb8;
	[tilespmem:$0x18400] =	vst v63  }
0x1fe: {  	v3 =	vld [tilespmem:$0x2B0];
	_ =	sdelay $0x4  }
0x1ff: {  	v43 =	vshll.u32 v3, $0x1  }
0x200: {  	v3 =	vand.u32 $0x7, v3;
	v4 =	vand.u32 $0xFFFFFFF0, v43  }
0x201: {  	v3 =	vor.u32 v3, v4  }
0x202: {  	v4 =	vperm.xlane v3, v0;
	_ =	sdelay $0x1  }
0x203: {  	v3 =	vperm.xlane v3, v2;
	v4 =	vadd.s32 v1, v4;
	_ =	sdelay $0x1  }
0x204: {  	v3 =	vadd.s32 v1, v3;
	_ =	sdelay $0x2  }
0x205: {  	[tilespmem:s9], [sflag:$0x3] =	stream.indirect_vreg.gather [hbm4b:s1+s3], $0x80, v4, vm0, $0xb8;
	[tilespmem:$0x18400] =	vst v63  }
0x206: {  	_ = 	snop  }
0x207: {  	[tilespmem:s10], [sflag:$0x3] =	stream.indirect_vreg.gather [hbm4b:s1+s3], $0x80, v3, vm0, $0xb8;
	[tilespmem:$0x18400] =	vst v63  }
0x208: {  	v3 =	vld [tilespmem:$0x2C0];
	_ =	sdelay $0x4  }
0x209: {  	v44 =	vshll.u32 v3, $0x1  }
0x20a: {  	v3 =	vand.u32 $0x7, v3;
	v4 =	vand.u32 $0xFFFFFFF0, v44  }
0x20b: {  	v3 =	vor.u32 v3, v4  }
0x20c: {  	v4 =	vperm.xlane v3, v0;
	_ =	sdelay $0x1  }
0x20d: {  	v3 =	vperm.xlane v3, v2;
	v4 =	vadd.s32 v1, v4;
	_ =	sdelay $0x1  }
0x20e: {  	v3 =	vadd.s32 v1, v3;
	_ =	sdelay $0x2  }
0x20f: {  	[tilespmem:s12], [sflag:$0x3] =	stream.indirect_vreg.gather [hbm4b:s1+s3], $0x80, v4, vm0, $0xb8;
	[tilespmem:$0x18400] =	vst v63  }
0x210: {  	_ = 	snop  }
0x211: {  	[tilespmem:s19], [sflag:$0x3] =	stream.indirect_vreg.gather [hbm4b:s1+s3], $0x80, v3, vm0, $0xb8;
	[tilespmem:$0x18400] =	vst v63  }
0x212: {  	v3 =	vld [tilespmem:$0x2D0];
	_ =	sdelay $0x4  }
0x213: {  	v45 =	vshll.u32 v3, $0x1  }
0x214: {  	v3 =	vand.u32 $0x7, v3;
	v4 =	vand.u32 $0xFFFFFFF0, v45  }
0x215: {  	v3 =	vor.u32 v3, v4  }
0x216: {  	v4 =	vperm.xlane v3, v0;
	_ =	sdelay $0x1  }
0x217: {  	v3 =	vperm.xlane v3, v2;
	v4 =	vadd.s32 v1, v4;
	_ =	sdelay $0x1  }
0x218: {  	v3 =	vadd.s32 v1, v3;
	_ =	sdelay $0x2  }
0x219: {  	[tilespmem:s20], [sflag:$0x3] =	stream.indirect_vreg.gather [hbm4b:s1+s3], $0x80, v4, vm0, $0xb8;
	[tilespmem:$0x18400] =	vst v63  }
0x21a: {  	_ = 	snop  }
0x21b: {  	[tilespmem:s21], [sflag:$0x3] =	stream.indirect_vreg.gather [hbm4b:s1+s3], $0x80, v3, vm0, $0xb8;
	[tilespmem:$0x18400] =	vst v63  }
0x21c: {  	v3 =	vld [tilespmem:$0x2E0];
	_ =	sdelay $0x4  }
0x21d: {  	v46 =	vshll.u32 v3, $0x1  }
0x21e: {  	v3 =	vand.u32 $0x7, v3;
	v4 =	vand.u32 $0xFFFFFFF0, v46  }
0x21f: {  	v3 =	vor.u32 v3, v4  }
0x220: {  	v4 =	vperm.xlane v3, v0;
	_ =	sdelay $0x1  }
0x221: {  	v3 =	vperm.xlane v3, v2;
	v4 =	vadd.s32 v1, v4;
	_ =	sdelay $0x1  }
0x222: {  	v3 =	vadd.s32 v1, v3;
	_ =	sdelay $0x2  }
0x223: {  	[tilespmem:s23], [sflag:$0x3] =	stream.indirect_vreg.gather [hbm4b:s1+s3], $0x80, v4, vm0, $0xb8;
	[tilespmem:$0x18400] =	vst v63  }
0x224: {  	_ = 	snop  }
0x225: {  	[tilespmem:s24], [sflag:$0x3] =	stream.indirect_vreg.gather [hbm4b:s1+s3], $0x80, v3, vm0, $0xb8;
	[tilespmem:$0x18400] =	vst v63  }
0x226: {  	v3 =	vld [tilespmem:$0x2F0];
	_ =	sdelay $0x4  }
0x227: {  	v47 =	vshll.u32 v3, $0x1  }
0x228: {  	v3 =	vand.u32 $0x7, v3;
	v4 =	vand.u32 $0xFFFFFFF0, v47  }
0x229: {  	v3 =	vor.u32 v3, v4  }
0x22a: {  	v4 =	vperm.xlane v3, v0;
	_ =	sdelay $0x1  }
0x22b: {  	v3 =	vperm.xlane v3, v2;
	v4 =	vadd.s32 v1, v4;
	_ =	sdelay $0x1  }
0x22c: {  	v3 =	vadd.s32 v1, v3;
	_ =	sdelay $0x2  }
0x22d: {  	[tilespmem:s25], [sflag:$0x3] =	stream.indirect_vreg.gather [hbm4b:s1+s3], $0x80, v4, vm0, $0xb8;
	[tilespmem:$0x18400] =	vst v63  }
0x22e: {  	_ = 	snop  }
0x22f: {  	[tilespmem:s26], [sflag:$0x3] =	stream.indirect_vreg.gather [hbm4b:s1+s3], $0x80, v3, vm0, $0xb8;
	[tilespmem:$0x18400] =	vst v63  }
0x230: {  	_ =	swait.ge [sflag:s13], $0x8000  }
0x231: {  	[sflag:s13] =	ssyncset.done $0x0  }
0x232: {  	s2 =	rddreg [dreg:$0x9];
	[sflag:s13] =	ssyncadd.s32 $0xFFFF8000  }
0x233: {  	[hbm4b:s2+s3] =	stream.linear.scatter [tilespmem:s22], [sflag:$0x5], $0x8000, $0x38;
	[tilespmem:$0x18400] =	vst v63  }
0x234: {  	_ =	swait.ge [sflag:s14], $0x8000  }
0x235: {  	[sflag:s14] =	ssyncset.done $0x0  }
0x236: {  	[sflag:s14] =	ssyncadd.s32 $0xFFFF8000  }
0x237: {  	v3 =	vld [tilespmem:$0x300];
	_ =	sdelay $0x4  }
0x238: {  	v48 =	vshll.u32 v3, $0x1  }
0x239: {  	v3 =	vand.u32 $0x7, v3;
	v4 =	vand.u32 $0xFFFFFFF0, v48  }
0x23a: {  	v3 =	vor.u32 v3, v4  }
0x23b: {  	v4 =	vperm.xlane v3, v0;
	_ =	sdelay $0x1  }
0x23c: {  	v3 =	vperm.xlane v3, v2;
	v4 =	vadd.s32 v1, v4;
	_ =	sdelay $0x1  }
0x23d: {  	v3 =	vadd.s32 v1, v3;
	_ =	sdelay $0x2  }
0x23e: {  	[tilespmem:s28], [sflag:$0x1] =	stream.indirect_vreg.gather [hbm4b:s1+s3], $0x80, v4, vm0, $0xb8;
	[tilespmem:$0x18400] =	vst v63  }
0x23f: {  	s18 =	simm.s32 $0xC00  }
0x240: {  	[tilespmem:s18], [sflag:$0x1] =	stream.indirect_vreg.gather [hbm4b:s1+s3], $0x80, v3, vm0, $0xb8;
	[tilespmem:$0x18400] =	vst v63  }
0x241: {  	v3 =	vld [tilespmem:$0x310];
	_ =	sdelay $0x4  }
0x242: {  	v49 =	vshll.u32 v3, $0x1  }
0x243: {  	v3 =	vand.u32 $0x7, v3;
	v4 =	vand.u32 $0xFFFFFFF0, v49  }
0x244: {  	v3 =	vor.u32 v3, v4  }
0x245: {  	v4 =	vperm.xlane v3, v0;
	_ =	sdelay $0x1  }
0x246: {  	v3 =	vperm.xlane v3, v2;
	v4 =	vadd.s32 v1, v4;
	_ =	sdelay $0x1  }
0x247: {  	v3 =	vadd.s32 v1, v3;
	_ =	sdelay $0x1  }
0x248: {  	s18 =	simm.s32 $0x1400  }
0x249: {  	[tilespmem:s18], [sflag:$0x1] =	stream.indirect_vreg.gather [hbm4b:s1+s3], $0x80, v4, vm0, $0xb8;
	[tilespmem:$0x18400] =	vst v63  }
0x24a: {  	s18 =	simm.s32 $0x1C00  }
0x24b: {  	[tilespmem:s18], [sflag:$0x1] =	stream.indirect_vreg.gather [hbm4b:s1+s3], $0x80, v3, vm0, $0xb8;
	[tilespmem:$0x18400] =	vst v63  }
0x24c: {  	v3 =	vld [tilespmem:$0x320];
	_ =	sdelay $0x4  }
0x24d: {  	v50 =	vshll.u32 v3, $0x1  }
0x24e: {  	v3 =	vand.u32 $0x7, v3;
	v4 =	vand.u32 $0xFFFFFFF0, v50  }
0x24f: {  	v3 =	vor.u32 v3, v4  }
0x250: {  	v4 =	vperm.xlane v3, v0;
	_ =	sdelay $0x1  }
0x251: {  	v3 =	vperm.xlane v3, v2;
	v4 =	vadd.s32 v1, v4;
	_ =	sdelay $0x1  }
0x252: {  	v3 =	vadd.s32 v1, v3;
	_ =	sdelay $0x1  }
0x253: {  	s18 =	simm.s32 $0x2400  }
0x254: {  	[tilespmem:s18], [sflag:$0x1] =	stream.indirect_vreg.gather [hbm4b:s1+s3], $0x80, v4, vm0, $0xb8;
	[tilespmem:$0x18400] =	vst v63  }
0x255: {  	s18 =	simm.s32 $0x2C00  }
0x256: {  	[tilespmem:s18], [sflag:$0x1] =	stream.indirect_vreg.gather [hbm4b:s1+s3], $0x80, v3, vm0, $0xb8;
	[tilespmem:$0x18400] =	vst v63  }
0x257: {  	v3 =	vld [tilespmem:$0x330];
	_ =	sdelay $0x4  }
0x258: {  	v51 =	vshll.u32 v3, $0x1  }
0x259: {  	v3 =	vand.u32 $0x7, v3;
	v4 =	vand.u32 $0xFFFFFFF0, v51  }
0x25a: {  	v3 =	vor.u32 v3, v4  }
0x25b: {  	v4 =	vperm.xlane v3, v0;
	_ =	sdelay $0x1  }
0x25c: {  	v3 =	vperm.xlane v3, v2;
	v4 =	vadd.s32 v1, v4;
	_ =	sdelay $0x1  }
0x25d: {  	v3 =	vadd.s32 v1, v3;
	_ =	sdelay $0x1  }
0x25e: {  	s18 =	simm.s32 $0x3400  }
0x25f: {  	[tilespmem:s18], [sflag:$0x1] =	stream.indirect_vreg.gather [hbm4b:s1+s3], $0x80, v4, vm0, $0xb8;
	[tilespmem:$0x18400] =	vst v63  }
0x260: {  	s18 =	simm.s32 $0x3C00  }
0x261: {  	[tilespmem:s18], [sflag:$0x1] =	stream.indirect_vreg.gather [hbm4b:s1+s3], $0x80, v3, vm0, $0xb8;
	[tilespmem:$0x18400] =	vst v63  }
0x262: {  	v3 =	vld [tilespmem:$0x340];
	_ =	sdelay $0x4  }
0x263: {  	v52 =	vshll.u32 v3, $0x1  }
0x264: {  	v3 =	vand.u32 $0x7, v3;
	v4 =	vand.u32 $0xFFFFFFF0, v52  }
0x265: {  	v3 =	vor.u32 v3, v4  }
0x266: {  	v4 =	vperm.xlane v3, v0;
	_ =	sdelay $0x1  }
0x267: {  	v3 =	vperm.xlane v3, v2;
	v4 =	vadd.s32 v1, v4;
	_ =	sdelay $0x1  }
0x268: {  	v3 =	vadd.s32 v1, v3;
	_ =	sdelay $0x1  }
0x269: {  	s18 =	simm.s32 $0x4400  }
0x26a: {  	[tilespmem:s18], [sflag:$0x1] =	stream.indirect_vreg.gather [hbm4b:s1+s3], $0x80, v4, vm0, $0xb8;
	[tilespmem:$0x18400] =	vst v63  }
0x26b: {  	_ = 	snop  }
0x26c: {  	[tilespmem:s29], [sflag:$0x1] =	stream.indirect_vreg.gather [hbm4b:s1+s3], $0x80, v3, vm0, $0xb8;
	[tilespmem:$0x18400] =	vst v63  }
0x26d: {  	v3 =	vld [tilespmem:$0x350];
	_ =	sdelay $0x4  }
0x26e: {  	v53 =	vshll.u32 v3, $0x1  }
0x26f: {  	v3 =	vand.u32 $0x7, v3;
	v4 =	vand.u32 $0xFFFFFFF0, v53  }
0x270: {  	v3 =	vor.u32 v3, v4  }
0x271: {  	v4 =	vperm.xlane v3, v0;
	_ =	sdelay $0x1  }
0x272: {  	v3 =	vperm.xlane v3, v2;
	v4 =	vadd.s32 v1, v4;
	_ =	sdelay $0x1  }
0x273: {  	v3 =	vadd.s32 v1, v3;
	_ =	sdelay $0x2  }
0x274: {  	[tilespmem:s30], [sflag:$0x1] =	stream.indirect_vreg.gather [hbm4b:s1+s3], $0x80, v4, vm0, $0xb8;
	[tilespmem:$0x18400] =	vst v63  }
0x275: {  	_ = 	snop  }
0x276: {  	[tilespmem:s31], [sflag:$0x1] =	stream.indirect_vreg.gather [hbm4b:s1+s3], $0x80, v3, vm0, $0xb8;
	[tilespmem:$0x18400] =	vst v63  }
0x277: {  	v3 =	vld [tilespmem:$0x360];
	_ =	sdelay $0x4  }
0x278: {  	v54 =	vshll.u32 v3, $0x1  }
0x279: {  	v3 =	vand.u32 $0x7, v3;
	v4 =	vand.u32 $0xFFFFFFF0, v54  }
0x27a: {  	v3 =	vor.u32 v3, v4  }
0x27b: {  	v4 =	vperm.xlane v3, v0;
	_ =	sdelay $0x1  }
0x27c: {  	v3 =	vperm.xlane v3, v2;
	v4 =	vadd.s32 v1, v4;
	_ =	sdelay $0x1  }
0x27d: {  	v3 =	vadd.s32 v1, v3;
	_ =	sdelay $0x1  }
0x27e: {  	s18 =	simm.s32 $0x6400  }
0x27f: {  	[tilespmem:s18], [sflag:$0x1] =	stream.indirect_vreg.gather [hbm4b:s1+s3], $0x80, v4, vm0, $0xb8;
	[tilespmem:$0x18400] =	vst v63  }
0x280: {  	s18 =	simm.s32 $0x6C00  }
0x281: {  	[tilespmem:s18], [sflag:$0x1] =	stream.indirect_vreg.gather [hbm4b:s1+s3], $0x80, v3, vm0, $0xb8;
	[tilespmem:$0x18400] =	vst v63  }
0x282: {  	v3 =	vld [tilespmem:$0x370];
	_ =	sdelay $0x4  }
0x283: {  	v55 =	vshll.u32 v3, $0x1  }
0x284: {  	v3 =	vand.u32 $0x7, v3;
	v4 =	vand.u32 $0xFFFFFFF0, v55  }
0x285: {  	v3 =	vor.u32 v3, v4  }
0x286: {  	v4 =	vperm.xlane v3, v0;
	_ =	sdelay $0x1  }
0x287: {  	v3 =	vperm.xlane v3, v2;
	v4 =	vadd.s32 v1, v4;
	_ =	sdelay $0x1  }
0x288: {  	v3 =	vadd.s32 v1, v3;
	_ =	sdelay $0x1  }
0x289: {  	s18 =	simm.s32 $0x7400  }
0x28a: {  	[tilespmem:s18], [sflag:$0x1] =	stream.indirect_vreg.gather [hbm4b:s1+s3], $0x80, v4, vm0, $0xb8;
	[tilespmem:$0x18400] =	vst v63  }
0x28b: {  	s18 =	simm.s32 $0x7C00  }
0x28c: {  	[tilespmem:s18], [sflag:$0x1] =	stream.indirect_vreg.gather [hbm4b:s1+s3], $0x80, v3, vm0, $0xb8;
	[tilespmem:$0x18400] =	vst v63  }
0x28d: {  	_ =	swait.ge [sflag:s15], $0x8000  }
0x28e: {  	[sflag:s15] =	ssyncset.done $0x0  }
0x28f: {  	s2 =	rddreg [dreg:$0xa];
	[sflag:s15] =	ssyncadd.s32 $0xFFFF8000  }
0x290: {  	[hbm4b:s2+s3] =	stream.linear.scatter [tilespmem:s0], [sflag:$0x6], $0x8000, $0x38;
	[tilespmem:$0x18400] =	vst v63  }
0x291: {  	_ =	swait.ge [sflag:s16], $0x8000  }
0x292: {  	[sflag:s16] =	ssyncset.done $0x0  }
0x293: {  	[sflag:s16] =	ssyncadd.s32 $0xFFFF8000  }
0x294: {  	v3 =	vld [tilespmem:$0x380];
	_ =	sdelay $0x4  }
0x295: {  	v56 =	vshll.u32 v3, $0x1  }
0x296: {  	v3 =	vand.u32 $0x7, v3;
	v4 =	vand.u32 $0xFFFFFFF0, v56  }
0x297: {  	v3 =	vor.u32 v3, v4  }
0x298: {  	v4 =	vperm.xlane v3, v0;
	_ =	sdelay $0x1  }
0x299: {  	v3 =	vperm.xlane v3, v2;
	v4 =	vadd.s32 v1, v4;
	_ =	sdelay $0x1  }
0x29a: {  	v3 =	vadd.s32 v1, v3;
	_ =	sdelay $0x2  }
0x29b: {  	[tilespmem:s22], [sflag:$0x2] =	stream.indirect_vreg.gather [hbm4b:s1+s3], $0x80, v4, vm0, $0xb8;
	[tilespmem:$0x18400] =	vst v63  }
0x29c: {  	s18 =	simm.s32 $0x8C00  }
0x29d: {  	[tilespmem:s18], [sflag:$0x2] =	stream.indirect_vreg.gather [hbm4b:s1+s3], $0x80, v3, vm0, $0xb8;
	[tilespmem:$0x18400] =	vst v63  }
0x29e: {  	v3 =	vld [tilespmem:$0x390];
	_ =	sdelay $0x4  }
0x29f: {  	v57 =	vshll.u32 v3, $0x1  }
0x2a0: {  	v3 =	vand.u32 $0x7, v3;
	v4 =	vand.u32 $0xFFFFFFF0, v57  }
0x2a1: {  	v3 =	vor.u32 v3, v4  }
0x2a2: {  	v4 =	vperm.xlane v3, v0;
	_ =	sdelay $0x1  }
0x2a3: {  	v3 =	vperm.xlane v3, v2;
	v4 =	vadd.s32 v1, v4;
	_ =	sdelay $0x1  }
0x2a4: {  	v3 =	vadd.s32 v1, v3;
	_ =	sdelay $0x1  }
0x2a5: {  	s2 =	simm.s32 $0x9400  }
0x2a6: {  	[tilespmem:s2], [sflag:$0x2] =	stream.indirect_vreg.gather [hbm4b:s1+s3], $0x80, v4, vm0, $0xb8;
	[tilespmem:$0x18400] =	vst v63  }
0x2a7: {  	s18 =	simm.s32 $0x9C00  }
0x2a8: {  	[tilespmem:s18], [sflag:$0x2] =	stream.indirect_vreg.gather [hbm4b:s1+s3], $0x80, v3, vm0, $0xb8;
	[tilespmem:$0x18400] =	vst v63  }
0x2a9: {  	v3 =	vld [tilespmem:$0x3A0];
	_ =	sdelay $0x4  }
0x2aa: {  	v58 =	vshll.u32 v3, $0x1  }
0x2ab: {  	v3 =	vand.u32 $0x7, v3;
	v4 =	vand.u32 $0xFFFFFFF0, v58  }
0x2ac: {  	v3 =	vor.u32 v3, v4  }
0x2ad: {  	v4 =	vperm.xlane v3, v0;
	_ =	sdelay $0x1  }
0x2ae: {  	v3 =	vperm.xlane v3, v2;
	v4 =	vadd.s32 v1, v4;
	_ =	sdelay $0x1  }
0x2af: {  	v3 =	vadd.s32 v1, v3;
	_ =	sdelay $0x1  }
0x2b0: {  	s2 =	simm.s32 $0xA400  }
0x2b1: {  	[tilespmem:s2], [sflag:$0x2] =	stream.indirect_vreg.gather [hbm4b:s1+s3], $0x80, v4, vm0, $0xb8;
	[tilespmem:$0x18400] =	vst v63  }
0x2b2: {  	s18 =	simm.s32 $0xAC00  }
0x2b3: {  	[tilespmem:s18], [sflag:$0x2] =	stream.indirect_vreg.gather [hbm4b:s1+s3], $0x80, v3, vm0, $0xb8;
	[tilespmem:$0x18400] =	vst v63  }
0x2b4: {  	v3 =	vld [tilespmem:$0x3B0];
	_ =	sdelay $0x4  }
0x2b5: {  	v59 =	vshll.u32 v3, $0x1  }
0x2b6: {  	v3 =	vand.u32 $0x7, v3;
	v4 =	vand.u32 $0xFFFFFFF0, v59  }
0x2b7: {  	v3 =	vor.u32 v3, v4  }
0x2b8: {  	v4 =	vperm.xlane v3, v0;
	_ =	sdelay $0x1  }
0x2b9: {  	v3 =	vperm.xlane v3, v2;
	v4 =	vadd.s32 v1, v4;
	_ =	sdelay $0x1  }
0x2ba: {  	v3 =	vadd.s32 v1, v3;
	_ =	sdelay $0x1  }
0x2bb: {  	s2 =	simm.s32 $0xB400  }
0x2bc: {  	[tilespmem:s2], [sflag:$0x2] =	stream.indirect_vreg.gather [hbm4b:s1+s3], $0x80, v4, vm0, $0xb8;
	[tilespmem:$0x18400] =	vst v63  }
0x2bd: {  	s18 =	simm.s32 $0xBC00  }
0x2be: {  	[tilespmem:s18], [sflag:$0x2] =	stream.indirect_vreg.gather [hbm4b:s1+s3], $0x80, v3, vm0, $0xb8;
	[tilespmem:$0x18400] =	vst v63  }
0x2bf: {  	v3 =	vld [tilespmem:$0x3C0];
	_ =	sdelay $0x4  }
0x2c0: {  	v60 =	vshll.u32 v3, $0x1  }
0x2c1: {  	v3 =	vand.u32 $0x7, v3;
	v4 =	vand.u32 $0xFFFFFFF0, v60  }
0x2c2: {  	v3 =	vor.u32 v3, v4  }
0x2c3: {  	v4 =	vperm.xlane v3, v0;
	_ =	sdelay $0x1  }
0x2c4: {  	v3 =	vperm.xlane v3, v2;
	v4 =	vadd.s32 v1, v4;
	_ =	sdelay $0x1  }
0x2c5: {  	v3 =	vadd.s32 v1, v3;
	_ =	sdelay $0x1  }
0x2c6: {  	s2 =	simm.s32 $0xC400  }
0x2c7: {  	[tilespmem:s2], [sflag:$0x2] =	stream.indirect_vreg.gather [hbm4b:s1+s3], $0x80, v4, vm0, $0xb8;
	[tilespmem:$0x18400] =	vst v63  }
0x2c8: {  	s18 =	simm.s32 $0xCC00  }
0x2c9: {  	[tilespmem:s18], [sflag:$0x2] =	stream.indirect_vreg.gather [hbm4b:s1+s3], $0x80, v3, vm0, $0xb8;
	[tilespmem:$0x18400] =	vst v63  }
0x2ca: {  	v3 =	vld [tilespmem:$0x3D0];
	_ =	sdelay $0x4  }
0x2cb: {  	v61 =	vshll.u32 v3, $0x1  }
0x2cc: {  	v3 =	vand.u32 $0x7, v3;
	v4 =	vand.u32 $0xFFFFFFF0, v61  }
0x2cd: {  	v3 =	vor.u32 v3, v4  }
0x2ce: {  	v4 =	vperm.xlane v3, v0;
	_ =	sdelay $0x1  }
0x2cf: {  	v3 =	vperm.xlane v3, v2;
	v4 =	vadd.s32 v1, v4;
	_ =	sdelay $0x1  }
0x2d0: {  	v3 =	vadd.s32 v1, v3;
	_ =	sdelay $0x1  }
0x2d1: {  	s2 =	simm.s32 $0xD400  }
0x2d2: {  	[tilespmem:s2], [sflag:$0x2] =	stream.indirect_vreg.gather [hbm4b:s1+s3], $0x80, v4, vm0, $0xb8;
	[tilespmem:$0x18400] =	vst v63  }
0x2d3: {  	s18 =	simm.s32 $0xDC00  }
0x2d4: {  	[tilespmem:s18], [sflag:$0x2] =	stream.indirect_vreg.gather [hbm4b:s1+s3], $0x80, v3, vm0, $0xb8;
	[tilespmem:$0x18400] =	vst v63  }
0x2d5: {  	v3 =	vld [tilespmem:$0x3E0];
	_ =	sdelay $0x4  }
0x2d6: {  	v62 =	vshll.u32 v3, $0x1  }
0x2d7: {  	v3 =	vand.u32 $0x7, v3;
	v4 =	vand.u32 $0xFFFFFFF0, v62  }
0x2d8: {  	v3 =	vor.u32 v3, v4  }
0x2d9: {  	v4 =	vperm.xlane v3, v0;
	_ =	sdelay $0x1  }
0x2da: {  	v3 =	vperm.xlane v3, v2;
	v4 =	vadd.s32 v1, v4;
	_ =	sdelay $0x1  }
0x2db: {  	v3 =	vadd.s32 v1, v3;
	_ =	sdelay $0x1  }
0x2dc: {  	s2 =	simm.s32 $0xE400  }
0x2dd: {  	[tilespmem:s2], [sflag:$0x2] =	stream.indirect_vreg.gather [hbm4b:s1+s3], $0x80, v4, vm0, $0xb8;
	[tilespmem:$0x18400] =	vst v63  }
0x2de: {  	s18 =	simm.s32 $0xEC00  }
0x2df: {  	[tilespmem:s18], [sflag:$0x2] =	stream.indirect_vreg.gather [hbm4b:s1+s3], $0x80, v3, vm0, $0xb8;
	[tilespmem:$0x18400] =	vst v63  }
0x2e0: {  	v3 =	vld [tilespmem:$0x3F0];
	_ =	sdelay $0x4  }
0x2e1: {  	v63 =	vshll.u32 v3, $0x1  }
0x2e2: {  	v3 =	vand.u32 $0x7, v3;
	v4 =	vand.u32 $0xFFFFFFF0, v63  }
0x2e3: {  	v3 =	vor.u32 v3, v4  }
0x2e4: {  	v4 =	vperm.xlane v3, v0;
	_ =	sdelay $0x1  }
0x2e5: {  	v3 =	vperm.xlane v3, v2;
	v4 =	vadd.s32 v1, v4;
	_ =	sdelay $0x1  }
0x2e6: {  	v3 =	vadd.s32 v1, v3;
	_ =	sdelay $0x1  }
0x2e7: {  	s2 =	simm.s32 $0xF400  }
0x2e8: {  	[tilespmem:s2], [sflag:$0x2] =	stream.indirect_vreg.gather [hbm4b:s1+s3], $0x80, v4, vm0, $0xb8;
	[tilespmem:$0x18400] =	vst v63  }
0x2e9: {  	s18 =	simm.s32 $0xFC00  }
0x2ea: {  	[tilespmem:s18], [sflag:$0x2] =	stream.indirect_vreg.gather [hbm4b:s1+s3], $0x80, v3, vm0, $0xb8;
	[tilespmem:$0x18400] =	vst v63  }
0x2eb: {  	_ =	swait.ge [sflag:s11], $0x8000  }
0x2ec: {  	[sflag:s11] =	ssyncset.done $0x0  }
0x2ed: {  	s0 =	rddreg [dreg:$0xb];
	[sflag:s11] =	ssyncadd.s32 $0xFFFF8000  }
0x2ee: {  	[hbm4b:s0+s3] =	stream.linear.scatter [tilespmem:s28], [sflag:$0x4], $0x8000, $0x38;
	[tilespmem:$0x18400] =	vst v63  }
0x2ef: {  	_ =	swait.ge [sflag:s13], $0x8000  }
0x2f0: {  	[sflag:s13] =	ssyncset.done $0x0  }
0x2f1: {  	s2 =	rddreg [dreg:$0xc];
	[sflag:s13] =	ssyncadd.s32 $0xFFFF8000  }
0x2f2: {  	[hbm4b:s2+s3] =	stream.linear.scatter [tilespmem:s22], [sflag:$0x5], $0x8000, $0x38;
	[tilespmem:$0x18400] =	vst v63  }
0x2f3: {  	_ =	swait.ge [sflag:s17], $0x8000  }
0x2f4: {  	[sflag:s17] =	ssyncset.done $0x0  }
0x2f5: {  	[sflag:s17] =	ssyncadd.s32 $0xFFFF8000  }
0x2f6: {  	p0 =	sne.s32 s4, $0x1;
	_ =	swait.ge [sflag:s14], $0x8000  }
.Ltmp0:
0x2f7: {  	[sflag:s14] =	ssyncset.done $0x0;
	(pc) =	sbr.rel @p0 .LBB2_1-.Ltmp0, $4  }
0x2f8: {  	[sflag:s14] =	ssyncadd.s32 $0xFFFF8000  }
0x2f9: {  	_ =	swait.ge [sflag:s16], $0x8000  }
0x2fa: {  	[sflag:s16] =	ssyncset.done $0x0  }
0x2fb: {  	s4 =	sadd.s32 $0xFFFFFFFF, s4;
	[sflag:s16] =	ssyncadd.s32 $0xFFFF8000  }
0x2fc: {  	_ =	sfence.sel $0x180000  }
0x2fd: {  	[bflag:$0x0] =	sbarrier.arrive $0xFFFF  }
0x2fe: {  	_ =	strace $0x90000047  }
0x2ff: {  	s0 =	stileid.u32;
	[bflag:$0x2] =	sbarrier.arrive $0xFFFF  }
0x300: {  	p0 =	sne.s32 s0, $0x0;
	s0 =	rddreg [dreg:$0x3]  }
0x301: {  	s0 =	sadd.s32 @!p0 $0x100000, s0  }
0x302: {  	[sflag:s0] =	ssyncadd.tile.s32 @!p0 $0x1;
	_ =	shalt  }
.Lfunc_end2:
_tile_overlayer_lowered:
.L_overlay_start_2:
0x303: {  	(tag) =	ssettag $0x2  }
0x304: {  	s0 =	rddreg [dreg:$0x0];
	s2 =	stileid.u32  }
0x305: {  	s1 =	rddreg [dreg:$0x1];
	p0 =	sne.s32 s2, $0x0  }
0x306: {  	s3 =	rddreg [dreg:$0x2];
	[bflag:$0x3] =	sbarrier.arrive $0xFFFF;
	s2 =	simm.s32 @!p0 $0x1C07  }
0x307: {  	[timem:s3], [sflag:s2] =	dma.local @!p0 [hbm:s0], s1  }
0x308: {  	s0 =	simm.s32 @!p0 $0x7  }
0x309: {  	_ =	swait.ge @!p0 [sflag:s0], s1  }
0x30a: {  	s1 =	ssub.s32 @!p0 $0x0, s1;
	[sflag:s0] =	ssyncset.done @!p0 $0x0  }
0x30b: {  	[sflag:s0] =	ssyncadd.s32 @!p0 s1  }
0x30c: {  	[bflag:$0x3] =	sbarrier.arrive $0xFFFF  }
0x30d: {  	_ =	shalt  }

</sc_bundles>
